<compile_context>
chip_gen: v7x
topology: tpu7x:2x2x1
jax: 0.10.2.dev20260603
libtpu: 0.0.44.dev20260713+nightly
codegen_flags: <defaults>
</compile_context>

<pallas_src>
import functools

import jax
import jax.numpy as jnp
from jax import lax
from jax.experimental import pallas as pl
from jax.experimental.pallas import tpu as pltpu
from jax.experimental.pallas import tpu_sc as plsc

NC = 2
NS = 16
NW = NC * NS

CH = 80
BLKE = 6400
BLKN = 2000
NPAD = 10240


def _ln(x):
    m = jnp.mean(x, axis=-1, keepdims=True)
    d = x - m
    v = jnp.mean(d * d, axis=-1, keepdims=True)
    return d * lax.rsqrt(v + 1e-6)


def _relu(x):
    return jnp.maximum(x, 0.0)


def _dot(a, b):
    return jnp.dot(a, b, preferred_element_type=jnp.float32)



def _node_encode_body(nf, W1, b1, W2, b2, Ws, Wr, v_o, ps_o, pr_o):
    h = _relu(_dot(nf[...], W1[...]) + b1[...])
    v = _ln(_dot(h, W2[...]) + b2[...])
    v_o[...] = v
    ps_o[...] = _dot(v, Ws[...])
    pr_o[...] = _dot(v, Wr[...])


def _edge_enc_body(d_in, eW1, eb1, eW2, eb2, e_o):
    d = d_in[...]
    dist = jnp.sqrt(jnp.sum(d * d, axis=-1, keepdims=True))
    lane = lax.broadcasted_iota(jnp.int32, d.shape, 1)
    feat = d + jnp.where(lane == 3, dist, 0.0)
    h = _relu(_dot(feat, eW1[...]) + eb1[...])
    e_o[...] = _ln(_dot(h, eW2[...]) + eb2[...])


def _edge_upd_body(e, g, W1e, b1, W2, b2, e_o):
    x = e[...]
    h = _relu(_dot(x, W1e[...]) + g[...] + b1[...])
    e_o[...] = x + _ln(_dot(h, W2[...]) + b2[...])


def _node_upd_proj_body(v, p0, p1, W1v, W1a, b1, W2, b2, Ws, Wr,
                        v_o, ps_o, pr_o):
    x = v[...]
    agg = p0[...] + p1[...]
    h = _relu(_dot(x, W1v[...]) + _dot(agg, W1a[...]) + b1[...])
    vn = x + _ln(_dot(h, W2[...]) + b2[...])
    v_o[...] = vn
    ps_o[...] = _dot(vn, Ws[...])
    pr_o[...] = _dot(vn, Wr[...])


def _decode_body(v, dW1, db1, dW2, db2, lp, pp, out):
    hd = _relu(_dot(v[...], dW1[...]) + db1[...])
    acc = _dot(hd, dW2[...]) + db2[...]
    out[...] = 2.0 * lp[...] - pp[...] + acc


def _full(shape):
    return pl.BlockSpec(shape, lambda i: (0,) * len(shape))


def _rows(blk, width):
    return pl.BlockSpec((blk, width), lambda i: (i, 0))


def _rows_off(blk, width, off_blocks):
    return pl.BlockSpec((blk, width), lambda i: (i + off_blocks, 0))


def _tc_call(body, grid, in_specs, out_specs, out_shape):
    return pl.pallas_call(
        body,
        grid=(grid,),
        in_specs=in_specs,
        out_specs=out_specs,
        out_shape=out_shape,
    )



def _sc_mesh():
    return plsc.VectorSubcoreMesh(core_axis_name="c", subcore_axis_name="s")


@functools.lru_cache(maxsize=None)
def _make_gather(n, e):
    epw = e // NW
    nch = epw // CH
    f32 = jnp.float32

    @functools.partial(
        pl.kernel,
        mesh=_sc_mesh(),
        out_type=jax.ShapeDtypeStruct((e, 128), f32),
        scratch_types=[
            pltpu.VMEM((nch, CH), jnp.int32),
            pltpu.VMEM((nch, CH), jnp.int32),
        ] + [pltpu.VMEM((CH, 128), f32)] * 4
          + [pltpu.SemaphoreType.DMA] * 8,
    )
    def k(ta, tb, snd3, rcv3, g_o, sidx, ridx,
          b0, b1, b2, b3, sa0, sa1, sa2, sa3, sb0, sb1, sb2, sb3):
        wid = lax.axis_index("s") * NC + lax.axis_index("c")
        base = wid * epw
        pltpu.sync_copy(snd3.at[wid], sidx)
        pltpu.sync_copy(rcv3.at[wid], ridx)

        bufs = [(b0, sa0, sb0), (b1, sa1, sb1), (b2, sa2, sb2),
                (b3, sa3, sb3)]

        def body(j, carry):
            @pl.when(j >= 2)
            def _():
                c3 = j - 2
                for m in range(4):
                    @pl.when(c3 % 4 == m)
                    def _(m=m):
                        b, sa, sb = bufs[m]
                        pltpu.make_async_copy(tb.at[ridx.at[0]], b, sb).wait()
                        pltpu.async_copy(
                            b, g_o.at[pl.ds(base + c3 * CH, CH)], sa)

            @pl.when(jnp.logical_and(j >= 1, j <= nch))
            def _():
                c2 = j - 1
                for m in range(4):
                    @pl.when(c2 % 4 == m)
                    def _(m=m):
                        b, sa, sb = bufs[m]
                        pltpu.make_async_copy(ta.at[sidx.at[0]], b, sa).wait()
                        pltpu.async_copy(tb.at[ridx.at[c2]], b, sb, add=True)

            @pl.when(j < nch)
            def _():
                for m in range(4):
                    @pl.when(j % 4 == m)
                    def _(m=m):
                        b, sa, sb = bufs[m]

                        @pl.when(j >= 4)
                        def _():
                            pltpu.make_async_copy(
                                b, g_o.at[pl.ds(base, CH)], sa).wait()

                        pltpu.async_copy(ta.at[sidx.at[j]], b, sa)
            return carry

        lax.fori_loop(0, nch + 2, body, 0)
        for m in range(4):
            b, sa, sb = bufs[m]
            pltpu.make_async_copy(b, g_o.at[pl.ds(base, CH)], sa).wait()

    return k


@functools.lru_cache(maxsize=None)
def _make_scatter(n, e):
    epw = e // NW
    nch = epw // CH
    rpt = NPAD // NS
    rc = 80
    ncopy = rpt // rc
    f32 = jnp.float32

    @functools.partial(
        pl.kernel,
        mesh=_sc_mesh(),
        out_type=[
            jax.ShapeDtypeStruct((NPAD, 128), f32),
            jax.ShapeDtypeStruct((NPAD, 128), f32),
        ],
        scratch_types=[
            pltpu.VMEM((nch, CH), jnp.int32),
            pltpu.VMEM((CH, 128), f32),
            pltpu.VMEM((CH, 128), f32),
            pltpu.VMEM((rc, 128), f32),
            pltpu.VMEM_SHARED((NPAD, 128), f32),
            pltpu.SemaphoreType.DMA,
            pltpu.SemaphoreType.DMA,
        ],
    )
    def k(e_hbm, rcv3, out0, out1, idx, rows, rows2, zbuf, acc, rsem, rsem2):
        c = lax.axis_index("c")
        s = lax.axis_index("s")
        wid = s * NC + c
        base = wid * epw
        row0 = s * rpt

        def zb(i, carry):
            r = i // 8
            l = (i % 8) * 16
            zbuf[r, pl.ds(l, 16)] = jnp.zeros((16,), f32)
            return carry

        lax.fori_loop(0, rc * 8, zb, 0)
        for kk in range(ncopy):
            pltpu.sync_copy(zbuf, acc.at[pl.ds(row0 + kk * rc, rc)])
        plsc.subcore_barrier()

        pltpu.sync_copy(rcv3.at[wid], idx)

        rbufs = [(rows, rsem), (rows2, rsem2)]
        pltpu.async_copy(e_hbm.at[pl.ds(base, CH)], rows, rsem)

        def body(j, carry):
            for m in range(2):
                @pl.when(j % 2 == m)
                def _(m=m):
                    rb, rs = rbufs[m]
                    nb, ns = rbufs[1 - m]

                    @pl.when(j + 1 < nch)
                    def _():
                        pltpu.async_copy(
                            e_hbm.at[pl.ds(base + (j + 1) * CH, CH)], nb, ns)

                    pltpu.make_async_copy(
                        e_hbm.at[pl.ds(base, CH)], rb, rs).wait()
                    pltpu.sync_copy(rb, acc.at[idx.at[j]], add=True)
            return carry

        lax.fori_loop(0, nch, body, 0)
        plsc.subcore_barrier()

        for kk in range(ncopy):
            pltpu.sync_copy(acc.at[pl.ds(row0 + kk * rc, rc)], zbuf)

            @pl.when(c == 0)
            def _():
                pltpu.sync_copy(zbuf, out0.at[pl.ds(row0 + kk * rc, rc)])

            @pl.when(c == 1)
            def _():
                pltpu.sync_copy(zbuf, out1.at[pl.ds(row0 + kk * rc, rc)])

    return k



def kernel(position_sequence, senders, receivers,
           enc_node_W1, enc_node_b1, enc_node_W2, enc_node_b2,
           enc_edge_W1, enc_edge_b1, enc_edge_W2, enc_edge_b2,
           proc_edge_W1, proc_edge_b1, proc_edge_W2, proc_edge_b2,
           proc_node_W1, proc_node_b1, proc_node_W2, proc_node_b2,
           dec_W1, dec_b1, dec_W2, dec_b2):
    n, t, d = position_sequence.shape
    e = senders.shape[0]
    s_steps = proc_edge_W1.shape[0]
    L = enc_node_W2.shape[1]
    H = enc_node_W1.shape[1]
    f32 = jnp.float32

    ps = position_sequence.astype(f32)
    vel = (ps[:, 1:] - ps[:, :-1]).reshape(n, (t - 1) * d)
    nf16 = jnp.pad(vel, ((0, 0), (0, 16 - (t - 1) * d)))
    lp = ps[:, -1]
    pp = ps[:, -2]
    lp128 = jnp.pad(lp, ((0, 0), (0, 128 - d)))
    nlp128 = -lp128
    pp128 = jnp.pad(pp, ((0, 0), (0, 128 - d)))

    snd3 = senders.astype(jnp.int32).reshape(NW, (e // NW) // CH, CH)
    rcv3 = receivers.astype(jnp.int32).reshape(NW, (e // NW) // CH, CH)

    nW1p = jnp.pad(enc_node_W1, ((0, 16 - enc_node_W1.shape[0]), (0, 0)))
    eW1p = jnp.pad(enc_edge_W1, ((0, 128 - enc_edge_W1.shape[0]), (0, 0)))
    dW2p = jnp.pad(dec_W2, ((0, 0), (0, 128 - dec_W2.shape[1])))
    db2p = jnp.pad(dec_b2, (0, 128 - dec_b2.shape[0]))

    r1 = lambda b: b.reshape(1, -1)

    peW1e = proc_edge_W1[:, :L]
    peW1s = proc_edge_W1[:, L:2 * L]
    peW1r = proc_edge_W1[:, 2 * L:]
    pnW1v = proc_node_W1[:, :L]
    pnW1a = proc_node_W1[:, L:]
    nxt = list(range(1, s_steps)) + [s_steps - 1]
    Wsn = peW1s[jnp.array(nxt)]
    Wrn = peW1r[jnp.array(nxt)]

    gather = _make_gather(n, e)
    scatter = _make_scatter(n, e)

    ngrid = n // BLKN
    egrid = e // BLKE

    v0, pvs0, pvr0 = _tc_call(
        _node_encode_body, ngrid,
        [_rows(BLKN, 16), _full((16, H)), _full((1, H)), _full((H, L)),
         _full((1, L)), _full((L, L)), _full((L, L))],
        [_rows(BLKN, L)] * 3,
        [jax.ShapeDtypeStruct((n, L), f32)] * 3,
    )(nf16, nW1p, r1(enc_node_b1), enc_node_W2, r1(enc_node_b2),
      peW1s[0], peW1r[0])

    d_rel = gather(lp128, nlp128, snd3, rcv3)

    e0 = _tc_call(
        _edge_enc_body, egrid,
        [_rows(BLKE, 128),
         _full((128, H)), _full((1, H)), _full((H, L)), _full((1, L))],
        _rows(BLKE, L),
        jax.ShapeDtypeStruct((e, L), f32),
    )(d_rel, eW1p, r1(enc_edge_b1), enc_edge_W2, r1(enc_edge_b2))

    def body(carry, ws):
        v, e_lat, pvs, pvr = carry
        (W1e, pb1, pW2, pb2, W1v, W1a, nb1, nW2, nb2, Ws_n, Wr_n) = ws
        g = gather(pvs, pvr, snd3, rcv3)
        e_lat = _tc_call(
            _edge_upd_body, egrid,
            [_rows(BLKE, L), _rows(BLKE, L),
             _full((L, H)), _full((1, H)), _full((H, L)), _full((1, L))],
            _rows(BLKE, L),
            jax.ShapeDtypeStruct((e, L), f32),
        )(e_lat, g, W1e, pb1, pW2, pb2)
        p0, p1 = scatter(e_lat, rcv3)
        v, pvs, pvr = _tc_call(
            _node_upd_proj_body, ngrid,
            [_rows(BLKN, L), _rows(BLKN, L), _rows(BLKN, L),
             _full((L, H)), _full((L, H)), _full((1, H)),
             _full((H, L)), _full((1, L)), _full((L, L)), _full((L, L))],
            [_rows(BLKN, L)] * 3,
            [jax.ShapeDtypeStruct((n, L), f32)] * 3,
        )(v, p0, p1, W1v, W1a, nb1, nW2, nb2, Ws_n, Wr_n)
        return (v, e_lat, pvs, pvr), 0

    ws_stacked = (peW1e, proc_edge_b1[:, None, :], proc_edge_W2,
                  proc_edge_b2[:, None, :], pnW1v, pnW1a,
                  proc_node_b1[:, None, :], proc_node_W2,
                  proc_node_b2[:, None, :], Wsn, Wrn)
    (v3, _, _, _), _ = lax.scan(body, (v0, e0, pvs0, pvr0), ws_stacked)

    out128 = _tc_call(
        _decode_body, ngrid,
        [_rows(BLKN, L), _full((L, H)), _full((1, H)),
         _full((H, 128)), _full((1, 128)),
         _rows(BLKN, 128), _rows(BLKN, 128)],
        _rows(BLKN, 128),
        jax.ShapeDtypeStruct((n, 128), f32),
    )(v3, dec_W1, r1(dec_b1), dW2p, r1(db2p), lp128, pp128)

    return out128[:, :d]

# --- scband reference (transcript-rebuilt; emitter-appended) ---
"""Pipeline reference for scband-learned-simulator-4973572128796 (READ-ONLY COPY).

The authoritative reference and input builder live on the scoring server;
editing this copy changes nothing except your own understanding.
"""

import jax, jax.numpy as jnp
import numpy as np

N = 10000
E = 320000
T = 6
D = 3
H = 128
L = 128
S = 3


def _mlp(x, W1, b1, W2, b2):
    h = jax.nn.relu(jnp.dot(x, W1) + b1)
    return jnp.dot(h, W2) + b2


def _ln(x):
    m = jnp.mean(x, axis=-1, keepdims=True)
    v = jnp.var(x, axis=-1, keepdims=True)
    return (x - m) * jax.lax.rsqrt(v + 1e-6)


def _glorot(key, shape):
    fan_in = shape[-2]
    return (jax.random.normal(key, shape, jnp.float32) / np.sqrt(fan_in)).astype(jnp.float32)


def setup_inputs(seed=0) -> dict:
    key = jax.random.key(seed)
    ks = jax.random.split(key, 16)
    node_in = (T - 1) * D
    edge_in = D + 1
    inp = {}
    inp['position_sequence'] = jax.random.normal(ks[0], (N, T, D), jnp.float32)
    inp['senders'] = jax.random.randint(ks[1], (E,), 0, N)
    inp['receivers'] = jax.random.randint(ks[2], (E,), 0, N)
    inp['enc_node_W1'] = _glorot(ks[3], (node_in, H))
    inp['enc_node_b1'] = jnp.zeros((H,), jnp.float32)
    inp['enc_node_W2'] = _glorot(ks[4], (H, L))
    inp['enc_node_b2'] = jnp.zeros((L,), jnp.float32)
    inp['enc_edge_W1'] = _glorot(ks[5], (edge_in, H))
    inp['enc_edge_b1'] = jnp.zeros((H,), jnp.float32)
    inp['enc_edge_W2'] = _glorot(ks[6], (H, L))
    inp['enc_edge_b2'] = jnp.zeros((L,), jnp.float32)
    inp['proc_edge_W1'] = _glorot(ks[7], (S, 3 * L, H))
    inp['proc_edge_b1'] = jnp.zeros((S, H), jnp.float32)
    inp['proc_edge_W2'] = _glorot(ks[8], (S, H, L))
    inp['proc_edge_b2'] = jnp.zeros((S, L), jnp.float32)
    inp['proc_node_W1'] = _glorot(ks[9], (S, 2 * L, H))
    inp['proc_node_b1'] = jnp.zeros((S, H), jnp.float32)
    inp['proc_node_W2'] = _glorot(ks[10], (S, H, L))
    inp['proc_node_b2'] = jnp.zeros((S, L), jnp.float32)
    inp['dec_W1'] = _glorot(ks[11], (L, H))
    inp['dec_b1'] = jnp.zeros((H,), jnp.float32)
    inp['dec_W2'] = _glorot(ks[12], (H, D))
    inp['dec_b2'] = jnp.zeros((D,), jnp.float32)
    return inp


def _forward(position_sequence, senders, receivers,
             enc_node_W1, enc_node_b1, enc_node_W2, enc_node_b2,
             enc_edge_W1, enc_edge_b1, enc_edge_W2, enc_edge_b2,
             proc_edge_W1, proc_edge_b1, proc_edge_W2, proc_edge_b2,
             proc_node_W1, proc_node_b1, proc_node_W2, proc_node_b2,
             dec_W1, dec_b1, dec_W2, dec_b2):
    n = position_sequence.shape[0]
    # Encoder preprocessor: finite-difference velocity history as node features,
    # relative displacement + distance as edge features (normalizers ~ identity).
    velocity_sequence = position_sequence[:, 1:] - position_sequence[:, :-1]
    node_feat = velocity_sequence.reshape(n, -1)
    last_position = position_sequence[:, -1]
    rel = jnp.take(last_position, senders, axis=0) - jnp.take(last_position, receivers, axis=0)
    dist = jnp.linalg.norm(rel, axis=-1, keepdims=True)
    edge_feat = jnp.concatenate([rel, dist], axis=-1)
    # Encode
    v = _ln(_mlp(node_feat, enc_node_W1, enc_node_b1, enc_node_W2, enc_node_b2))
    e = _ln(_mlp(edge_feat, enc_edge_W1, enc_edge_b1, enc_edge_W2, enc_edge_b2))
    # Process: interaction-network message passing with residuals
    for s in range(S):
        e_in = jnp.concatenate([e, jnp.take(v, senders, axis=0), jnp.take(v, receivers, axis=0)], axis=-1)
        e = e + _ln(_mlp(e_in, proc_edge_W1[s], proc_edge_b1[s], proc_edge_W2[s], proc_edge_b2[s]))
        agg = jax.ops.segment_sum(e, receivers, num_segments=n)
        v_in = jnp.concatenate([v, agg], axis=-1)
        v = v + _ln(_mlp(v_in, proc_node_W1[s], proc_node_b1[s], proc_node_W2[s], proc_node_b2[s]))
    # Decode normalized acceleration (target normalizer inverse ~ identity)
    acceleration = _mlp(v, dec_W1, dec_b1, dec_W2, dec_b2)
    # euler_integrate_position (dt = 1)
    previous_position = position_sequence[:, -1]
    previous_velocity = previous_position - position_sequence[:, -2]
    next_velocity = previous_velocity + acceleration
    next_position = previous_position + next_velocity
    return next_position


def reference(position_sequence, senders, receivers,
              enc_node_W1, enc_node_b1, enc_node_W2, enc_node_b2,
              enc_edge_W1, enc_edge_b1, enc_edge_W2, enc_edge_b2,
              proc_edge_W1, proc_edge_b1, proc_edge_W2, proc_edge_b2,
              proc_node_W1, proc_node_b1, proc_node_W2, proc_node_b2,
              dec_W1, dec_b1, dec_W2, dec_b2):
    return _forward(position_sequence, senders, receivers,
                    enc_node_W1, enc_node_b1, enc_node_W2, enc_node_b2,
                    enc_edge_W1, enc_edge_b1, enc_edge_W2, enc_edge_b2,
                    proc_edge_W1, proc_edge_b1, proc_edge_W2, proc_edge_b2,
                    proc_node_W1, proc_node_b1, proc_node_W2, proc_node_b2,
                    dec_W1, dec_b1, dec_W2, dec_b2)

if __name__ == "__main__":
    import jax
    _d = setup_inputs()
    print(jax.jit(kernel)(*tuple(_d.values())))

</pallas_src>

<mosaic_0001>
#map = affine_map<(d0, d1) -> (0, 0)>
#map1 = affine_map<(d0, d1) -> (0, 0, 0)>
module attributes {stable_mosaic.version = 14 : i64} {
  func.func @k(%arg0: i32, %arg1: i32, %arg2: memref<10000x128xf32, #tpu.memory_space<hbm>>, %arg3: memref<10000x128xf32, #tpu.memory_space<hbm>>, %arg4: memref<32x125x80xi32, #tpu.memory_space<hbm>>, %arg5: memref<32x125x80xi32, #tpu.memory_space<hbm>>, %arg6: memref<320000x128xf32, #tpu.memory_space<hbm>>, %arg7: memref<125x80xi32, #tpu.memory_space<vmem>>, %arg8: memref<125x80xi32, #tpu.memory_space<vmem>>, %arg9: memref<80x128xf32, #tpu.memory_space<vmem>>, %arg10: memref<80x128xf32, #tpu.memory_space<vmem>>, %arg11: memref<80x128xf32, #tpu.memory_space<vmem>>, %arg12: memref<80x128xf32, #tpu.memory_space<vmem>>, %arg13: memref<!tpu.dma_semaphore, #tpu.memory_space<semaphore_mem>>, %arg14: memref<!tpu.dma_semaphore, #tpu.memory_space<semaphore_mem>>, %arg15: memref<!tpu.dma_semaphore, #tpu.memory_space<semaphore_mem>>, %arg16: memref<!tpu.dma_semaphore, #tpu.memory_space<semaphore_mem>>, %arg17: memref<!tpu.dma_semaphore, #tpu.memory_space<semaphore_mem>>, %arg18: memref<!tpu.dma_semaphore, #tpu.memory_space<semaphore_mem>>, %arg19: memref<!tpu.dma_semaphore, #tpu.memory_space<semaphore_mem>>, %arg20: memref<!tpu.dma_semaphore, #tpu.memory_space<semaphore_mem>>) attributes {dimension_semantics = [#tpu.dimension_semantics<core_parallel>, #tpu.dimension_semantics<subcore_parallel>], iteration_bounds = array<i64: 2, 16>, scalar_prefetch = 0 : i64, scratch_operands = 14 : i64, tpu.core_type = #tpu.core_type<sc_vector_subcore>, window_params = [{transform_indices = #map}, {transform_indices = #map}, {transform_indices = #map1}, {transform_indices = #map1}, {transform_indices = #map}]} {
    %mul3A = arith.constant 2 : i32
    %mul3A_0 = arith.muli %arg1, %mul3A : i32
    %add3A = arith.addi %mul3A_0, %arg0 : i32
    %mul3A_1 = arith.constant 10000 : i32
    %mul3A_2 = arith.muli %add3A, %mul3A_1 : i32
    "tpu.region"() ({
      %run_scoped3A = tpu.sem_alloc : memref<!tpu.dma_semaphore, #tpu.memory_space<semaphore_mem>>
      %dma_start3A = arith.constant 0 : i32
      %dma_start3A_23 = arith.constant 0 : i32
      %dma_start3A_24 = tpu.memref_slice %arg4[%add3A, %dma_start3A, %dma_start3A_23] : memref<32x125x80xi32, #tpu.memory_space<hbm>> -> memref<1x125x80xi32, #tpu.memory_space<hbm>>
      %dma_start3A_25 = tpu.memref_squeeze %dma_start3A_24 : memref<1x125x80xi32, #tpu.memory_space<hbm>> -> memref<125x80xi32, #tpu.memory_space<hbm>>
      %dma_start3A_26 = arith.constant 0 : i32
      %dma_start3A_27 = arith.constant 0 : i32
      %dma_start3A_28 = tpu.memref_slice %arg4[%add3A, %dma_start3A_26, %dma_start3A_27] : memref<32x125x80xi32, #tpu.memory_space<hbm>> -> memref<1x125x80xi32, #tpu.memory_space<hbm>>
      %dma_start3A_29 = tpu.memref_squeeze %dma_start3A_28 : memref<1x125x80xi32, #tpu.memory_space<hbm>> -> memref<125x80xi32, #tpu.memory_space<hbm>>
      tpu.enqueue_dma source(%dma_start3A_29 : memref<125x80xi32, #tpu.memory_space<hbm>>) target(%arg7 : memref<125x80xi32, #tpu.memory_space<vmem>>) target_semaphore(%run_scoped3A : memref<!tpu.dma_semaphore, #tpu.memory_space<semaphore_mem>>)
      %dma_wait3A_30 = arith.constant 0 : i32
      %dma_wait3A_31 = arith.constant 0 : i32
      %dma_wait3A_32 = tpu.memref_slice %arg4[%add3A, %dma_wait3A_30, %dma_wait3A_31] : memref<32x125x80xi32, #tpu.memory_space<hbm>> -> memref<1x125x80xi32, #tpu.memory_space<hbm>>
      %dma_wait3A_33 = tpu.memref_squeeze %dma_wait3A_32 : memref<1x125x80xi32, #tpu.memory_space<hbm>> -> memref<125x80xi32, #tpu.memory_space<hbm>>
      %dma_wait3A_34 = arith.constant 0 : i32
      %dma_wait3A_35 = arith.constant 0 : i32
      %dma_wait3A_36 = tpu.memref_slice %arg4[%add3A, %dma_wait3A_34, %dma_wait3A_35] : memref<32x125x80xi32, #tpu.memory_space<hbm>> -> memref<1x125x80xi32, #tpu.memory_space<hbm>>
      %dma_wait3A_37 = tpu.memref_squeeze %dma_wait3A_36 : memref<1x125x80xi32, #tpu.memory_space<hbm>> -> memref<125x80xi32, #tpu.memory_space<hbm>>
      tpu.wait_dma2 semaphore(%run_scoped3A : memref<!tpu.dma_semaphore, #tpu.memory_space<semaphore_mem>>) src(%dma_wait3A_37 : memref<125x80xi32, #tpu.memory_space<hbm>>) dst(%arg7 : memref<125x80xi32, #tpu.memory_space<vmem>>)
      tpu.yield
    }) : () -> ()
    "tpu.region"() ({
      %run_scoped3A = tpu.sem_alloc : memref<!tpu.dma_semaphore, #tpu.memory_space<semaphore_mem>>
      %dma_start3A = arith.constant 0 : i32
      %dma_start3A_23 = arith.constant 0 : i32
      %dma_start3A_24 = tpu.memref_slice %arg5[%add3A, %dma_start3A, %dma_start3A_23] : memref<32x125x80xi32, #tpu.memory_space<hbm>> -> memref<1x125x80xi32, #tpu.memory_space<hbm>>
      %dma_start3A_25 = tpu.memref_squeeze %dma_start3A_24 : memref<1x125x80xi32, #tpu.memory_space<hbm>> -> memref<125x80xi32, #tpu.memory_space<hbm>>
      %dma_start3A_26 = arith.constant 0 : i32
      %dma_start3A_27 = arith.constant 0 : i32
      %dma_start3A_28 = tpu.memref_slice %arg5[%add3A, %dma_start3A_26, %dma_start3A_27] : memref<32x125x80xi32, #tpu.memory_space<hbm>> -> memref<1x125x80xi32, #tpu.memory_space<hbm>>
      %dma_start3A_29 = tpu.memref_squeeze %dma_start3A_28 : memref<1x125x80xi32, #tpu.memory_space<hbm>> -> memref<125x80xi32, #tpu.memory_space<hbm>>
      tpu.enqueue_dma source(%dma_start3A_29 : memref<125x80xi32, #tpu.memory_space<hbm>>) target(%arg8 : memref<125x80xi32, #tpu.memory_space<vmem>>) target_semaphore(%run_scoped3A : memref<!tpu.dma_semaphore, #tpu.memory_space<semaphore_mem>>)
      %dma_wait3A_30 = arith.constant 0 : i32
      %dma_wait3A_31 = arith.constant 0 : i32
      %dma_wait3A_32 = tpu.memref_slice %arg5[%add3A, %dma_wait3A_30, %dma_wait3A_31] : memref<32x125x80xi32, #tpu.memory_space<hbm>> -> memref<1x125x80xi32, #tpu.memory_space<hbm>>
      %dma_wait3A_33 = tpu.memref_squeeze %dma_wait3A_32 : memref<1x125x80xi32, #tpu.memory_space<hbm>> -> memref<125x80xi32, #tpu.memory_space<hbm>>
      %dma_wait3A_34 = arith.constant 0 : i32
      %dma_wait3A_35 = arith.constant 0 : i32
      %dma_wait3A_36 = tpu.memref_slice %arg5[%add3A, %dma_wait3A_34, %dma_wait3A_35] : memref<32x125x80xi32, #tpu.memory_space<hbm>> -> memref<1x125x80xi32, #tpu.memory_space<hbm>>
      %dma_wait3A_37 = tpu.memref_squeeze %dma_wait3A_36 : memref<1x125x80xi32, #tpu.memory_space<hbm>> -> memref<125x80xi32, #tpu.memory_space<hbm>>
      tpu.wait_dma2 semaphore(%run_scoped3A : memref<!tpu.dma_semaphore, #tpu.memory_space<semaphore_mem>>) src(%dma_wait3A_37 : memref<125x80xi32, #tpu.memory_space<hbm>>) dst(%arg8 : memref<125x80xi32, #tpu.memory_space<vmem>>)
      tpu.yield
    }) : () -> ()
    %scan3A = arith.constant 0 : i32
    %scan3A_3 = arith.constant 0 : i32
    %scan3A_4 = arith.constant 127 : i32
    %scan3A_5 = arith.addi %scan3A_3, %scan3A_4 : i32
    %scan3A_6 = arith.constant 1 : i32
    scf.for %scan3A_23 = %scan3A_3 to %scan3A_5 step %scan3A_6  : i32 {
      %ge3A = arith.constant 2 : i32
      %ge3A_24 = arith.cmpi sge, %scan3A_23, %ge3A : i32
      %convert_element_type3A = arith.extui %ge3A_24 : i1 to i32
      %cond3A = arith.constant 0 : i32
      %cond3A_25 = arith.cmpi ne, %convert_element_type3A, %cond3A : i32
      scf.if %cond3A_25 {
        %sub3A = arith.constant 2 : i32
        %sub3A_36 = arith.subi %scan3A_23, %sub3A : i32
        %jit3A = arith.constant 4 : i32
        %eq3A = arith.constant 0 : i32
        %eq3A_37 = arith.cmpi eq, %jit3A, %eq3A : i32
        %jit3A_38 = arith.constant 1 : i32
        %select_n3A = arith.select %eq3A_37, %jit3A_38, %jit3A : i32
        %rem3A = arith.remsi %sub3A_36, %select_n3A : i32
        %ne3A = arith.constant 0 : i32
        %ne3A_39 = arith.cmpi ne, %rem3A, %ne3A : i32
        %lt3A_40 = arith.constant 0 : i32
        %lt3A_41 = arith.cmpi slt, %rem3A, %lt3A_40 : i32
        %lt3A_42 = arith.constant 0 : i32
        %lt3A_43 = arith.cmpi slt, %select_n3A, %lt3A_42 : i32
        %ne3A_44 = arith.xori %lt3A_41, %lt3A_43 : i1
        %and3A_45 = arith.andi %ne3A_44, %ne3A_39 : i1
        %add3A_46 = arith.addi %rem3A, %select_n3A : i32
        %select_n3A_47 = arith.select %and3A_45, %add3A_46, %rem3A : i32
        %eq3A_48 = arith.constant 0 : i32
        %eq3A_49 = arith.cmpi eq, %select_n3A_47, %eq3A_48 : i32
        %convert_element_type3A_50 = arith.extui %eq3A_49 : i1 to i32
        %cond3A_51 = arith.constant 0 : i32
        %cond3A_52 = arith.cmpi ne, %convert_element_type3A_50, %cond3A_51 : i32
        scf.if %cond3A_52 {
          %dma_wait3A_116 = arith.constant 0 : i32
          %dma_wait3A_117 = arith.constant 0 : i32
          %dma_wait3A_118 = tpu.memref_slice %arg8[%dma_wait3A_116, %dma_wait3A_117] : memref<125x80xi32, #tpu.memory_space<vmem>> -> memref<1x80xi32, #tpu.memory_space<vmem>>
          %dma_wait3A_119 = tpu.memref_squeeze %dma_wait3A_118 : memref<1x80xi32, #tpu.memory_space<vmem>> -> memref<80xi32, #tpu.memory_space<vmem>>
          %dma_wait3A_120 = arith.constant 0 : i32
          %dma_wait3A_121 = arith.constant 0 : i32
          %dma_wait3A_122 = tpu.memref_slice %arg3[%dma_wait3A_120, %dma_wait3A_121] : memref<10000x128xf32, #tpu.memory_space<hbm>> -> memref<10000x128xf32, #tpu.memory_space<hbm>>
          tpu.wait_indirect_dma semaphore(%arg17 : memref<!tpu.dma_semaphore, #tpu.memory_space<semaphore_mem>>) src(%dma_wait3A_122 : memref<10000x128xf32, #tpu.memory_space<hbm>>) dst(%arg9 : memref<80x128xf32, #tpu.memory_space<vmem>>)
          %mul3A_123 = arith.constant 80 : i32
          %mul3A_124 = arith.muli %sub3A_36, %mul3A_123 : i32
          %add3A_125 = arith.addi %mul3A_2, %mul3A_124 : i32
          %dma_start3A = arith.constant 0 : i32
          %dma_start3A_126 = tpu.memref_slice %arg6[%add3A_125, %dma_start3A] : memref<320000x128xf32, #tpu.memory_space<hbm>> -> memref<80x128xf32, #tpu.memory_space<hbm>>
          %dma_start3A_127 = arith.constant 0 : i32
          %dma_start3A_128 = tpu.memref_slice %arg6[%add3A_125, %dma_start3A_127] : memref<320000x128xf32, #tpu.memory_space<hbm>> -> memref<80x128xf32, #tpu.memory_space<hbm>>
          tpu.enqueue_dma source(%arg9 : memref<80x128xf32, #tpu.memory_space<vmem>>) target(%dma_start3A_128 : memref<80x128xf32, #tpu.memory_space<hbm>>) target_semaphore(%arg13 : memref<!tpu.dma_semaphore, #tpu.memory_space<semaphore_mem>>)
        } else {
        }
        %jit3A_53 = arith.constant 4 : i32
        %eq3A_54 = arith.constant 0 : i32
        %eq3A_55 = arith.cmpi eq, %jit3A_53, %eq3A_54 : i32
        %jit3A_56 = arith.constant 1 : i32
        %select_n3A_57 = arith.select %eq3A_55, %jit3A_56, %jit3A_53 : i32
        %rem3A_58 = arith.remsi %sub3A_36, %select_n3A_57 : i32
        %ne3A_59 = arith.constant 0 : i32
        %ne3A_60 = arith.cmpi ne, %rem3A_58, %ne3A_59 : i32
        %lt3A_61 = arith.constant 0 : i32
        %lt3A_62 = arith.cmpi slt, %rem3A_58, %lt3A_61 : i32
        %lt3A_63 = arith.constant 0 : i32
        %lt3A_64 = arith.cmpi slt, %select_n3A_57, %lt3A_63 : i32
        %ne3A_65 = arith.xori %lt3A_62, %lt3A_64 : i1
        %and3A_66 = arith.andi %ne3A_65, %ne3A_60 : i1
        %add3A_67 = arith.addi %rem3A_58, %select_n3A_57 : i32
        %select_n3A_68 = arith.select %and3A_66, %add3A_67, %rem3A_58 : i32
        %eq3A_69 = arith.constant 1 : i32
        %eq3A_70 = arith.cmpi eq, %select_n3A_68, %eq3A_69 : i32
        %convert_element_type3A_71 = arith.extui %eq3A_70 : i1 to i32
        %cond3A_72 = arith.constant 0 : i32
        %cond3A_73 = arith.cmpi ne, %convert_element_type3A_71, %cond3A_72 : i32
        scf.if %cond3A_73 {
          %dma_wait3A_116 = arith.constant 0 : i32
          %dma_wait3A_117 = arith.constant 0 : i32
          %dma_wait3A_118 = tpu.memref_slice %arg8[%dma_wait3A_116, %dma_wait3A_117] : memref<125x80xi32, #tpu.memory_space<vmem>> -> memref<1x80xi32, #tpu.memory_space<vmem>>
          %dma_wait3A_119 = tpu.memref_squeeze %dma_wait3A_118 : memref<1x80xi32, #tpu.memory_space<vmem>> -> memref<80xi32, #tpu.memory_space<vmem>>
          %dma_wait3A_120 = arith.constant 0 : i32
          %dma_wait3A_121 = arith.constant 0 : i32
          %dma_wait3A_122 = tpu.memref_slice %arg3[%dma_wait3A_120, %dma_wait3A_121] : memref<10000x128xf32, #tpu.memory_space<hbm>> -> memref<10000x128xf32, #tpu.memory_space<hbm>>
          tpu.wait_indirect_dma semaphore(%arg18 : memref<!tpu.dma_semaphore, #tpu.memory_space<semaphore_mem>>) src(%dma_wait3A_122 : memref<10000x128xf32, #tpu.memory_space<hbm>>) dst(%arg10 : memref<80x128xf32, #tpu.memory_space<vmem>>)
          %mul3A_123 = arith.constant 80 : i32
          %mul3A_124 = arith.muli %sub3A_36, %mul3A_123 : i32
          %add3A_125 = arith.addi %mul3A_2, %mul3A_124 : i32
          %dma_start3A = arith.constant 0 : i32
          %dma_start3A_126 = tpu.memref_slice %arg6[%add3A_125, %dma_start3A] : memref<320000x128xf32, #tpu.memory_space<hbm>> -> memref<80x128xf32, #tpu.memory_space<hbm>>
          %dma_start3A_127 = arith.constant 0 : i32
          %dma_start3A_128 = tpu.memref_slice %arg6[%add3A_125, %dma_start3A_127] : memref<320000x128xf32, #tpu.memory_space<hbm>> -> memref<80x128xf32, #tpu.memory_space<hbm>>
          tpu.enqueue_dma source(%arg10 : memref<80x128xf32, #tpu.memory_space<vmem>>) target(%dma_start3A_128 : memref<80x128xf32, #tpu.memory_space<hbm>>) target_semaphore(%arg14 : memref<!tpu.dma_semaphore, #tpu.memory_space<semaphore_mem>>)
        } else {
        }
        %jit3A_74 = arith.constant 4 : i32
        %eq3A_75 = arith.constant 0 : i32
        %eq3A_76 = arith.cmpi eq, %jit3A_74, %eq3A_75 : i32
        %jit3A_77 = arith.constant 1 : i32
        %select_n3A_78 = arith.select %eq3A_76, %jit3A_77, %jit3A_74 : i32
        %rem3A_79 = arith.remsi %sub3A_36, %select_n3A_78 : i32
        %ne3A_80 = arith.constant 0 : i32
        %ne3A_81 = arith.cmpi ne, %rem3A_79, %ne3A_80 : i32
        %lt3A_82 = arith.constant 0 : i32
        %lt3A_83 = arith.cmpi slt, %rem3A_79, %lt3A_82 : i32
        %lt3A_84 = arith.constant 0 : i32
        %lt3A_85 = arith.cmpi slt, %select_n3A_78, %lt3A_84 : i32
        %ne3A_86 = arith.xori %lt3A_83, %lt3A_85 : i1
        %and3A_87 = arith.andi %ne3A_86, %ne3A_81 : i1
        %add3A_88 = arith.addi %rem3A_79, %select_n3A_78 : i32
        %select_n3A_89 = arith.select %and3A_87, %add3A_88, %rem3A_79 : i32
        %eq3A_90 = arith.constant 2 : i32
        %eq3A_91 = arith.cmpi eq, %select_n3A_89, %eq3A_90 : i32
        %convert_element_type3A_92 = arith.extui %eq3A_91 : i1 to i32
        %cond3A_93 = arith.constant 0 : i32
        %cond3A_94 = arith.cmpi ne, %convert_element_type3A_92, %cond3A_93 : i32
        scf.if %cond3A_94 {
          %dma_wait3A_116 = arith.constant 0 : i32
          %dma_wait3A_117 = arith.constant 0 : i32
          %dma_wait3A_118 = tpu.memref_slice %arg8[%dma_wait3A_116, %dma_wait3A_117] : memref<125x80xi32, #tpu.memory_space<vmem>> -> memref<1x80xi32, #tpu.memory_space<vmem>>
          %dma_wait3A_119 = tpu.memref_squeeze %dma_wait3A_118 : memref<1x80xi32, #tpu.memory_space<vmem>> -> memref<80xi32, #tpu.memory_space<vmem>>
          %dma_wait3A_120 = arith.constant 0 : i32
          %dma_wait3A_121 = arith.constant 0 : i32
          %dma_wait3A_122 = tpu.memref_slice %arg3[%dma_wait3A_120, %dma_wait3A_121] : memref<10000x128xf32, #tpu.memory_space<hbm>> -> memref<10000x128xf32, #tpu.memory_space<hbm>>
          tpu.wait_indirect_dma semaphore(%arg19 : memref<!tpu.dma_semaphore, #tpu.memory_space<semaphore_mem>>) src(%dma_wait3A_122 : memref<10000x128xf32, #tpu.memory_space<hbm>>) dst(%arg11 : memref<80x128xf32, #tpu.memory_space<vmem>>)
          %mul3A_123 = arith.constant 80 : i32
          %mul3A_124 = arith.muli %sub3A_36, %mul3A_123 : i32
          %add3A_125 = arith.addi %mul3A_2, %mul3A_124 : i32
          %dma_start3A = arith.constant 0 : i32
          %dma_start3A_126 = tpu.memref_slice %arg6[%add3A_125, %dma_start3A] : memref<320000x128xf32, #tpu.memory_space<hbm>> -> memref<80x128xf32, #tpu.memory_space<hbm>>
          %dma_start3A_127 = arith.constant 0 : i32
          %dma_start3A_128 = tpu.memref_slice %arg6[%add3A_125, %dma_start3A_127] : memref<320000x128xf32, #tpu.memory_space<hbm>> -> memref<80x128xf32, #tpu.memory_space<hbm>>
          tpu.enqueue_dma source(%arg11 : memref<80x128xf32, #tpu.memory_space<vmem>>) target(%dma_start3A_128 : memref<80x128xf32, #tpu.memory_space<hbm>>) target_semaphore(%arg15 : memref<!tpu.dma_semaphore, #tpu.memory_space<semaphore_mem>>)
        } else {
        }
        %jit3A_95 = arith.constant 4 : i32
        %eq3A_96 = arith.constant 0 : i32
        %eq3A_97 = arith.cmpi eq, %jit3A_95, %eq3A_96 : i32
        %jit3A_98 = arith.constant 1 : i32
        %select_n3A_99 = arith.select %eq3A_97, %jit3A_98, %jit3A_95 : i32
        %rem3A_100 = arith.remsi %sub3A_36, %select_n3A_99 : i32
        %ne3A_101 = arith.constant 0 : i32
        %ne3A_102 = arith.cmpi ne, %rem3A_100, %ne3A_101 : i32
        %lt3A_103 = arith.constant 0 : i32
        %lt3A_104 = arith.cmpi slt, %rem3A_100, %lt3A_103 : i32
        %lt3A_105 = arith.constant 0 : i32
        %lt3A_106 = arith.cmpi slt, %select_n3A_99, %lt3A_105 : i32
        %ne3A_107 = arith.xori %lt3A_104, %lt3A_106 : i1
        %and3A_108 = arith.andi %ne3A_107, %ne3A_102 : i1
        %add3A_109 = arith.addi %rem3A_100, %select_n3A_99 : i32
        %select_n3A_110 = arith.select %and3A_108, %add3A_109, %rem3A_100 : i32
        %eq3A_111 = arith.constant 3 : i32
        %eq3A_112 = arith.cmpi eq, %select_n3A_110, %eq3A_111 : i32
        %convert_element_type3A_113 = arith.extui %eq3A_112 : i1 to i32
        %cond3A_114 = arith.constant 0 : i32
        %cond3A_115 = arith.cmpi ne, %convert_element_type3A_113, %cond3A_114 : i32
        scf.if %cond3A_115 {
          %dma_wait3A_116 = arith.constant 0 : i32
          %dma_wait3A_117 = arith.constant 0 : i32
          %dma_wait3A_118 = tpu.memref_slice %arg8[%dma_wait3A_116, %dma_wait3A_117] : memref<125x80xi32, #tpu.memory_space<vmem>> -> memref<1x80xi32, #tpu.memory_space<vmem>>
          %dma_wait3A_119 = tpu.memref_squeeze %dma_wait3A_118 : memref<1x80xi32, #tpu.memory_space<vmem>> -> memref<80xi32, #tpu.memory_space<vmem>>
          %dma_wait3A_120 = arith.constant 0 : i32
          %dma_wait3A_121 = arith.constant 0 : i32
          %dma_wait3A_122 = tpu.memref_slice %arg3[%dma_wait3A_120, %dma_wait3A_121] : memref<10000x128xf32, #tpu.memory_space<hbm>> -> memref<10000x128xf32, #tpu.memory_space<hbm>>
          tpu.wait_indirect_dma semaphore(%arg20 : memref<!tpu.dma_semaphore, #tpu.memory_space<semaphore_mem>>) src(%dma_wait3A_122 : memref<10000x128xf32, #tpu.memory_space<hbm>>) dst(%arg12 : memref<80x128xf32, #tpu.memory_space<vmem>>)
          %mul3A_123 = arith.constant 80 : i32
          %mul3A_124 = arith.muli %sub3A_36, %mul3A_123 : i32
          %add3A_125 = arith.addi %mul3A_2, %mul3A_124 : i32
          %dma_start3A = arith.constant 0 : i32
          %dma_start3A_126 = tpu.memref_slice %arg6[%add3A_125, %dma_start3A] : memref<320000x128xf32, #tpu.memory_space<hbm>> -> memref<80x128xf32, #tpu.memory_space<hbm>>
          %dma_start3A_127 = arith.constant 0 : i32
          %dma_start3A_128 = tpu.memref_slice %arg6[%add3A_125, %dma_start3A_127] : memref<320000x128xf32, #tpu.memory_space<hbm>> -> memref<80x128xf32, #tpu.memory_space<hbm>>
          tpu.enqueue_dma source(%arg12 : memref<80x128xf32, #tpu.memory_space<vmem>>) target(%dma_start3A_128 : memref<80x128xf32, #tpu.memory_space<hbm>>) target_semaphore(%arg16 : memref<!tpu.dma_semaphore, #tpu.memory_space<semaphore_mem>>)
        } else {
        }
      } else {
      }
      %ge3A_26 = arith.constant 1 : i32
      %ge3A_27 = arith.cmpi sge, %scan3A_23, %ge3A_26 : i32
      %le3A = arith.constant 125 : i32
      %le3A_28 = arith.cmpi sle, %scan3A_23, %le3A : i32
      %and3A = arith.andi %ge3A_27, %le3A_28 : i1
      %convert_element_type3A_29 = arith.extui %and3A : i1 to i32
      %cond3A_30 = arith.constant 0 : i32
      %cond3A_31 = arith.cmpi ne, %convert_element_type3A_29, %cond3A_30 : i32
      scf.if %cond3A_31 {
        %sub3A = arith.constant 1 : i32
        %sub3A_36 = arith.subi %scan3A_23, %sub3A : i32
        %jit3A = arith.constant 4 : i32
        %eq3A = arith.constant 0 : i32
        %eq3A_37 = arith.cmpi eq, %jit3A, %eq3A : i32
        %jit3A_38 = arith.constant 1 : i32
        %select_n3A = arith.select %eq3A_37, %jit3A_38, %jit3A : i32
        %rem3A = arith.remsi %sub3A_36, %select_n3A : i32
        %ne3A = arith.constant 0 : i32
        %ne3A_39 = arith.cmpi ne, %rem3A, %ne3A : i32
        %lt3A_40 = arith.constant 0 : i32
        %lt3A_41 = arith.cmpi slt, %rem3A, %lt3A_40 : i32
        %lt3A_42 = arith.constant 0 : i32
        %lt3A_43 = arith.cmpi slt, %select_n3A, %lt3A_42 : i32
        %ne3A_44 = arith.xori %lt3A_41, %lt3A_43 : i1
        %and3A_45 = arith.andi %ne3A_44, %ne3A_39 : i1
        %add3A_46 = arith.addi %rem3A, %select_n3A : i32
        %select_n3A_47 = arith.select %and3A_45, %add3A_46, %rem3A : i32
        %eq3A_48 = arith.constant 0 : i32
        %eq3A_49 = arith.cmpi eq, %select_n3A_47, %eq3A_48 : i32
        %convert_element_type3A_50 = arith.extui %eq3A_49 : i1 to i32
        %cond3A_51 = arith.constant 0 : i32
        %cond3A_52 = arith.cmpi ne, %convert_element_type3A_50, %cond3A_51 : i32
        scf.if %cond3A_52 {
          %dma_wait3A_116 = arith.constant 0 : i32
          %dma_wait3A_117 = arith.constant 0 : i32
          %dma_wait3A_118 = tpu.memref_slice %arg7[%dma_wait3A_116, %dma_wait3A_117] : memref<125x80xi32, #tpu.memory_space<vmem>> -> memref<1x80xi32, #tpu.memory_space<vmem>>
          %dma_wait3A_119 = tpu.memref_squeeze %dma_wait3A_118 : memref<1x80xi32, #tpu.memory_space<vmem>> -> memref<80xi32, #tpu.memory_space<vmem>>
          %dma_wait3A_120 = arith.constant 0 : i32
          %dma_wait3A_121 = arith.constant 0 : i32
          %dma_wait3A_122 = tpu.memref_slice %arg2[%dma_wait3A_120, %dma_wait3A_121] : memref<10000x128xf32, #tpu.memory_space<hbm>> -> memref<10000x128xf32, #tpu.memory_space<hbm>>
          tpu.wait_indirect_dma semaphore(%arg13 : memref<!tpu.dma_semaphore, #tpu.memory_space<semaphore_mem>>) src(%dma_wait3A_122 : memref<10000x128xf32, #tpu.memory_space<hbm>>) dst(%arg9 : memref<80x128xf32, #tpu.memory_space<vmem>>)
          %dma_start3A = arith.constant 0 : i32
          %dma_start3A_123 = tpu.memref_slice %arg8[%sub3A_36, %dma_start3A] : memref<125x80xi32, #tpu.memory_space<vmem>> -> memref<1x80xi32, #tpu.memory_space<vmem>>
          %dma_start3A_124 = tpu.memref_squeeze %dma_start3A_123 : memref<1x80xi32, #tpu.memory_space<vmem>> -> memref<80xi32, #tpu.memory_space<vmem>>
          %dma_start3A_125 = arith.constant 0 : i32
          %dma_start3A_126 = arith.constant 0 : i32
          %dma_start3A_127 = tpu.memref_slice %arg3[%dma_start3A_125, %dma_start3A_126] : memref<10000x128xf32, #tpu.memory_space<hbm>> -> memref<10000x128xf32, #tpu.memory_space<hbm>>
          tpu.enqueue_indirect_dma source(%dma_start3A_127 : memref<10000x128xf32, #tpu.memory_space<hbm>>) target(%arg9 : memref<80x128xf32, #tpu.memory_space<vmem>>) offsets(%dma_start3A_124 : memref<80xi32, #tpu.memory_space<vmem>>) semaphore(%arg17 : memref<!tpu.dma_semaphore, #tpu.memory_space<semaphore_mem>>) {add = true}
        } else {
        }
        %jit3A_53 = arith.constant 4 : i32
        %eq3A_54 = arith.constant 0 : i32
        %eq3A_55 = arith.cmpi eq, %jit3A_53, %eq3A_54 : i32
        %jit3A_56 = arith.constant 1 : i32
        %select_n3A_57 = arith.select %eq3A_55, %jit3A_56, %jit3A_53 : i32
        %rem3A_58 = arith.remsi %sub3A_36, %select_n3A_57 : i32
        %ne3A_59 = arith.constant 0 : i32
        %ne3A_60 = arith.cmpi ne, %rem3A_58, %ne3A_59 : i32
        %lt3A_61 = arith.constant 0 : i32
        %lt3A_62 = arith.cmpi slt, %rem3A_58, %lt3A_61 : i32
        %lt3A_63 = arith.constant 0 : i32
        %lt3A_64 = arith.cmpi slt, %select_n3A_57, %lt3A_63 : i32
        %ne3A_65 = arith.xori %lt3A_62, %lt3A_64 : i1
        %and3A_66 = arith.andi %ne3A_65, %ne3A_60 : i1
        %add3A_67 = arith.addi %rem3A_58, %select_n3A_57 : i32
        %select_n3A_68 = arith.select %and3A_66, %add3A_67, %rem3A_58 : i32
        %eq3A_69 = arith.constant 1 : i32
        %eq3A_70 = arith.cmpi eq, %select_n3A_68, %eq3A_69 : i32
        %convert_element_type3A_71 = arith.extui %eq3A_70 : i1 to i32
        %cond3A_72 = arith.constant 0 : i32
        %cond3A_73 = arith.cmpi ne, %convert_element_type3A_71, %cond3A_72 : i32
        scf.if %cond3A_73 {
          %dma_wait3A_116 = arith.constant 0 : i32
          %dma_wait3A_117 = arith.constant 0 : i32
          %dma_wait3A_118 = tpu.memref_slice %arg7[%dma_wait3A_116, %dma_wait3A_117] : memref<125x80xi32, #tpu.memory_space<vmem>> -> memref<1x80xi32, #tpu.memory_space<vmem>>
          %dma_wait3A_119 = tpu.memref_squeeze %dma_wait3A_118 : memref<1x80xi32, #tpu.memory_space<vmem>> -> memref<80xi32, #tpu.memory_space<vmem>>
          %dma_wait3A_120 = arith.constant 0 : i32
          %dma_wait3A_121 = arith.constant 0 : i32
          %dma_wait3A_122 = tpu.memref_slice %arg2[%dma_wait3A_120, %dma_wait3A_121] : memref<10000x128xf32, #tpu.memory_space<hbm>> -> memref<10000x128xf32, #tpu.memory_space<hbm>>
          tpu.wait_indirect_dma semaphore(%arg14 : memref<!tpu.dma_semaphore, #tpu.memory_space<semaphore_mem>>) src(%dma_wait3A_122 : memref<10000x128xf32, #tpu.memory_space<hbm>>) dst(%arg10 : memref<80x128xf32, #tpu.memory_space<vmem>>)
          %dma_start3A = arith.constant 0 : i32
          %dma_start3A_123 = tpu.memref_slice %arg8[%sub3A_36, %dma_start3A] : memref<125x80xi32, #tpu.memory_space<vmem>> -> memref<1x80xi32, #tpu.memory_space<vmem>>
          %dma_start3A_124 = tpu.memref_squeeze %dma_start3A_123 : memref<1x80xi32, #tpu.memory_space<vmem>> -> memref<80xi32, #tpu.memory_space<vmem>>
          %dma_start3A_125 = arith.constant 0 : i32
          %dma_start3A_126 = arith.constant 0 : i32
          %dma_start3A_127 = tpu.memref_slice %arg3[%dma_start3A_125, %dma_start3A_126] : memref<10000x128xf32, #tpu.memory_space<hbm>> -> memref<10000x128xf32, #tpu.memory_space<hbm>>
          tpu.enqueue_indirect_dma source(%dma_start3A_127 : memref<10000x128xf32, #tpu.memory_space<hbm>>) target(%arg10 : memref<80x128xf32, #tpu.memory_space<vmem>>) offsets(%dma_start3A_124 : memref<80xi32, #tpu.memory_space<vmem>>) semaphore(%arg18 : memref<!tpu.dma_semaphore, #tpu.memory_space<semaphore_mem>>) {add = true}
        } else {
        }
        %jit3A_74 = arith.constant 4 : i32
        %eq3A_75 = arith.constant 0 : i32
        %eq3A_76 = arith.cmpi eq, %jit3A_74, %eq3A_75 : i32
        %jit3A_77 = arith.constant 1 : i32
        %select_n3A_78 = arith.select %eq3A_76, %jit3A_77, %jit3A_74 : i32
        %rem3A_79 = arith.remsi %sub3A_36, %select_n3A_78 : i32
        %ne3A_80 = arith.constant 0 : i32
        %ne3A_81 = arith.cmpi ne, %rem3A_79, %ne3A_80 : i32
        %lt3A_82 = arith.constant 0 : i32
        %lt3A_83 = arith.cmpi slt, %rem3A_79, %lt3A_82 : i32
        %lt3A_84 = arith.constant 0 : i32
        %lt3A_85 = arith.cmpi slt, %select_n3A_78, %lt3A_84 : i32
        %ne3A_86 = arith.xori %lt3A_83, %lt3A_85 : i1
        %and3A_87 = arith.andi %ne3A_86, %ne3A_81 : i1
        %add3A_88 = arith.addi %rem3A_79, %select_n3A_78 : i32
        %select_n3A_89 = arith.select %and3A_87, %add3A_88, %rem3A_79 : i32
        %eq3A_90 = arith.constant 2 : i32
        %eq3A_91 = arith.cmpi eq, %select_n3A_89, %eq3A_90 : i32
        %convert_element_type3A_92 = arith.extui %eq3A_91 : i1 to i32
        %cond3A_93 = arith.constant 0 : i32
        %cond3A_94 = arith.cmpi ne, %convert_element_type3A_92, %cond3A_93 : i32
        scf.if %cond3A_94 {
          %dma_wait3A_116 = arith.constant 0 : i32
          %dma_wait3A_117 = arith.constant 0 : i32
          %dma_wait3A_118 = tpu.memref_slice %arg7[%dma_wait3A_116, %dma_wait3A_117] : memref<125x80xi32, #tpu.memory_space<vmem>> -> memref<1x80xi32, #tpu.memory_space<vmem>>
          %dma_wait3A_119 = tpu.memref_squeeze %dma_wait3A_118 : memref<1x80xi32, #tpu.memory_space<vmem>> -> memref<80xi32, #tpu.memory_space<vmem>>
          %dma_wait3A_120 = arith.constant 0 : i32
          %dma_wait3A_121 = arith.constant 0 : i32
          %dma_wait3A_122 = tpu.memref_slice %arg2[%dma_wait3A_120, %dma_wait3A_121] : memref<10000x128xf32, #tpu.memory_space<hbm>> -> memref<10000x128xf32, #tpu.memory_space<hbm>>
          tpu.wait_indirect_dma semaphore(%arg15 : memref<!tpu.dma_semaphore, #tpu.memory_space<semaphore_mem>>) src(%dma_wait3A_122 : memref<10000x128xf32, #tpu.memory_space<hbm>>) dst(%arg11 : memref<80x128xf32, #tpu.memory_space<vmem>>)
          %dma_start3A = arith.constant 0 : i32
          %dma_start3A_123 = tpu.memref_slice %arg8[%sub3A_36, %dma_start3A] : memref<125x80xi32, #tpu.memory_space<vmem>> -> memref<1x80xi32, #tpu.memory_space<vmem>>
          %dma_start3A_124 = tpu.memref_squeeze %dma_start3A_123 : memref<1x80xi32, #tpu.memory_space<vmem>> -> memref<80xi32, #tpu.memory_space<vmem>>
          %dma_start3A_125 = arith.constant 0 : i32
          %dma_start3A_126 = arith.constant 0 : i32
          %dma_start3A_127 = tpu.memref_slice %arg3[%dma_start3A_125, %dma_start3A_126] : memref<10000x128xf32, #tpu.memory_space<hbm>> -> memref<10000x128xf32, #tpu.memory_space<hbm>>
          tpu.enqueue_indirect_dma source(%dma_start3A_127 : memref<10000x128xf32, #tpu.memory_space<hbm>>) target(%arg11 : memref<80x128xf32, #tpu.memory_space<vmem>>) offsets(%dma_start3A_124 : memref<80xi32, #tpu.memory_space<vmem>>) semaphore(%arg19 : memref<!tpu.dma_semaphore, #tpu.memory_space<semaphore_mem>>) {add = true}
        } else {
        }
        %jit3A_95 = arith.constant 4 : i32
        %eq3A_96 = arith.constant 0 : i32
        %eq3A_97 = arith.cmpi eq, %jit3A_95, %eq3A_96 : i32
        %jit3A_98 = arith.constant 1 : i32
        %select_n3A_99 = arith.select %eq3A_97, %jit3A_98, %jit3A_95 : i32
        %rem3A_100 = arith.remsi %sub3A_36, %select_n3A_99 : i32
        %ne3A_101 = arith.constant 0 : i32
        %ne3A_102 = arith.cmpi ne, %rem3A_100, %ne3A_101 : i32
        %lt3A_103 = arith.constant 0 : i32
        %lt3A_104 = arith.cmpi slt, %rem3A_100, %lt3A_103 : i32
        %lt3A_105 = arith.constant 0 : i32
        %lt3A_106 = arith.cmpi slt, %select_n3A_99, %lt3A_105 : i32
        %ne3A_107 = arith.xori %lt3A_104, %lt3A_106 : i1
        %and3A_108 = arith.andi %ne3A_107, %ne3A_102 : i1
        %add3A_109 = arith.addi %rem3A_100, %select_n3A_99 : i32
        %select_n3A_110 = arith.select %and3A_108, %add3A_109, %rem3A_100 : i32
        %eq3A_111 = arith.constant 3 : i32
        %eq3A_112 = arith.cmpi eq, %select_n3A_110, %eq3A_111 : i32
        %convert_element_type3A_113 = arith.extui %eq3A_112 : i1 to i32
        %cond3A_114 = arith.constant 0 : i32
        %cond3A_115 = arith.cmpi ne, %convert_element_type3A_113, %cond3A_114 : i32
        scf.if %cond3A_115 {
          %dma_wait3A_116 = arith.constant 0 : i32
          %dma_wait3A_117 = arith.constant 0 : i32
          %dma_wait3A_118 = tpu.memref_slice %arg7[%dma_wait3A_116, %dma_wait3A_117] : memref<125x80xi32, #tpu.memory_space<vmem>> -> memref<1x80xi32, #tpu.memory_space<vmem>>
          %dma_wait3A_119 = tpu.memref_squeeze %dma_wait3A_118 : memref<1x80xi32, #tpu.memory_space<vmem>> -> memref<80xi32, #tpu.memory_space<vmem>>
          %dma_wait3A_120 = arith.constant 0 : i32
          %dma_wait3A_121 = arith.constant 0 : i32
          %dma_wait3A_122 = tpu.memref_slice %arg2[%dma_wait3A_120, %dma_wait3A_121] : memref<10000x128xf32, #tpu.memory_space<hbm>> -> memref<10000x128xf32, #tpu.memory_space<hbm>>
          tpu.wait_indirect_dma semaphore(%arg16 : memref<!tpu.dma_semaphore, #tpu.memory_space<semaphore_mem>>) src(%dma_wait3A_122 : memref<10000x128xf32, #tpu.memory_space<hbm>>) dst(%arg12 : memref<80x128xf32, #tpu.memory_space<vmem>>)
          %dma_start3A = arith.constant 0 : i32
          %dma_start3A_123 = tpu.memref_slice %arg8[%sub3A_36, %dma_start3A] : memref<125x80xi32, #tpu.memory_space<vmem>> -> memref<1x80xi32, #tpu.memory_space<vmem>>
          %dma_start3A_124 = tpu.memref_squeeze %dma_start3A_123 : memref<1x80xi32, #tpu.memory_space<vmem>> -> memref<80xi32, #tpu.memory_space<vmem>>
          %dma_start3A_125 = arith.constant 0 : i32
          %dma_start3A_126 = arith.constant 0 : i32
          %dma_start3A_127 = tpu.memref_slice %arg3[%dma_start3A_125, %dma_start3A_126] : memref<10000x128xf32, #tpu.memory_space<hbm>> -> memref<10000x128xf32, #tpu.memory_space<hbm>>
          tpu.enqueue_indirect_dma source(%dma_start3A_127 : memref<10000x128xf32, #tpu.memory_space<hbm>>) target(%arg12 : memref<80x128xf32, #tpu.memory_space<vmem>>) offsets(%dma_start3A_124 : memref<80xi32, #tpu.memory_space<vmem>>) semaphore(%arg20 : memref<!tpu.dma_semaphore, #tpu.memory_space<semaphore_mem>>) {add = true}
        } else {
        }
      } else {
      }
      %lt3A = arith.constant 125 : i32
      %lt3A_32 = arith.cmpi slt, %scan3A_23, %lt3A : i32
      %convert_element_type3A_33 = arith.extui %lt3A_32 : i1 to i32
      %cond3A_34 = arith.constant 0 : i32
      %cond3A_35 = arith.cmpi ne, %convert_element_type3A_33, %cond3A_34 : i32
      scf.if %cond3A_35 {
        %jit3A = arith.constant 4 : i32
        %eq3A = arith.constant 0 : i32
        %eq3A_36 = arith.cmpi eq, %jit3A, %eq3A : i32
        %jit3A_37 = arith.constant 1 : i32
        %select_n3A = arith.select %eq3A_36, %jit3A_37, %jit3A : i32
        %rem3A = arith.remsi %scan3A_23, %select_n3A : i32
        %ne3A = arith.constant 0 : i32
        %ne3A_38 = arith.cmpi ne, %rem3A, %ne3A : i32
        %lt3A_39 = arith.constant 0 : i32
        %lt3A_40 = arith.cmpi slt, %rem3A, %lt3A_39 : i32
        %lt3A_41 = arith.constant 0 : i32
        %lt3A_42 = arith.cmpi slt, %select_n3A, %lt3A_41 : i32
        %ne3A_43 = arith.xori %lt3A_40, %lt3A_42 : i1
        %and3A_44 = arith.andi %ne3A_43, %ne3A_38 : i1
        %add3A_45 = arith.addi %rem3A, %select_n3A : i32
        %select_n3A_46 = arith.select %and3A_44, %add3A_45, %rem3A : i32
        %eq3A_47 = arith.constant 0 : i32
        %eq3A_48 = arith.cmpi eq, %select_n3A_46, %eq3A_47 : i32
        %convert_element_type3A_49 = arith.extui %eq3A_48 : i1 to i32
        %cond3A_50 = arith.constant 0 : i32
        %cond3A_51 = arith.cmpi ne, %convert_element_type3A_49, %cond3A_50 : i32
        scf.if %cond3A_51 {
          %ge3A_115 = arith.constant 4 : i32
          %ge3A_116 = arith.cmpi sge, %scan3A_23, %ge3A_115 : i32
          %convert_element_type3A_117 = arith.extui %ge3A_116 : i1 to i32
          %cond3A_118 = arith.constant 0 : i32
          %cond3A_119 = arith.cmpi ne, %convert_element_type3A_117, %cond3A_118 : i32
          scf.if %cond3A_119 {
            %dma_wait3A_125 = arith.constant 0 : i32
            %dma_wait3A_126 = tpu.memref_slice %arg6[%mul3A_2, %dma_wait3A_125] : memref<320000x128xf32, #tpu.memory_space<hbm>> -> memref<80x128xf32, #tpu.memory_space<hbm>>
            %dma_wait3A_127 = arith.constant 0 : i32
            %dma_wait3A_128 = tpu.memref_slice %arg6[%mul3A_2, %dma_wait3A_127] : memref<320000x128xf32, #tpu.memory_space<hbm>> -> memref<80x128xf32, #tpu.memory_space<hbm>>
            tpu.wait_dma2 semaphore(%arg13 : memref<!tpu.dma_semaphore, #tpu.memory_space<semaphore_mem>>) src(%arg9 : memref<80x128xf32, #tpu.memory_space<vmem>>) dst(%dma_wait3A_128 : memref<80x128xf32, #tpu.memory_space<hbm>>)
          } else {
          }
          %dma_start3A = arith.constant 0 : i32
          %dma_start3A_120 = tpu.memref_slice %arg7[%scan3A_23, %dma_start3A] : memref<125x80xi32, #tpu.memory_space<vmem>> -> memref<1x80xi32, #tpu.memory_space<vmem>>
          %dma_start3A_121 = tpu.memref_squeeze %dma_start3A_120 : memref<1x80xi32, #tpu.memory_space<vmem>> -> memref<80xi32, #tpu.memory_space<vmem>>
          %dma_start3A_122 = arith.constant 0 : i32
          %dma_start3A_123 = arith.constant 0 : i32
          %dma_start3A_124 = tpu.memref_slice %arg2[%dma_start3A_122, %dma_start3A_123] : memref<10000x128xf32, #tpu.memory_space<hbm>> -> memref<10000x128xf32, #tpu.memory_space<hbm>>
          tpu.enqueue_indirect_dma source(%dma_start3A_124 : memref<10000x128xf32, #tpu.memory_space<hbm>>) target(%arg9 : memref<80x128xf32, #tpu.memory_space<vmem>>) offsets(%dma_start3A_121 : memref<80xi32, #tpu.memory_space<vmem>>) semaphore(%arg13 : memref<!tpu.dma_semaphore, #tpu.memory_space<semaphore_mem>>)
        } else {
        }
        %jit3A_52 = arith.constant 4 : i32
        %eq3A_53 = arith.constant 0 : i32
        %eq3A_54 = arith.cmpi eq, %jit3A_52, %eq3A_53 : i32
        %jit3A_55 = arith.constant 1 : i32
        %select_n3A_56 = arith.select %eq3A_54, %jit3A_55, %jit3A_52 : i32
        %rem3A_57 = arith.remsi %scan3A_23, %select_n3A_56 : i32
        %ne3A_58 = arith.constant 0 : i32
        %ne3A_59 = arith.cmpi ne, %rem3A_57, %ne3A_58 : i32
        %lt3A_60 = arith.constant 0 : i32
        %lt3A_61 = arith.cmpi slt, %rem3A_57, %lt3A_60 : i32
        %lt3A_62 = arith.constant 0 : i32
        %lt3A_63 = arith.cmpi slt, %select_n3A_56, %lt3A_62 : i32
        %ne3A_64 = arith.xori %lt3A_61, %lt3A_63 : i1
        %and3A_65 = arith.andi %ne3A_64, %ne3A_59 : i1
        %add3A_66 = arith.addi %rem3A_57, %select_n3A_56 : i32
        %select_n3A_67 = arith.select %and3A_65, %add3A_66, %rem3A_57 : i32
        %eq3A_68 = arith.constant 1 : i32
        %eq3A_69 = arith.cmpi eq, %select_n3A_67, %eq3A_68 : i32
        %convert_element_type3A_70 = arith.extui %eq3A_69 : i1 to i32
        %cond3A_71 = arith.constant 0 : i32
        %cond3A_72 = arith.cmpi ne, %convert_element_type3A_70, %cond3A_71 : i32
        scf.if %cond3A_72 {
          %ge3A_115 = arith.constant 4 : i32
          %ge3A_116 = arith.cmpi sge, %scan3A_23, %ge3A_115 : i32
          %convert_element_type3A_117 = arith.extui %ge3A_116 : i1 to i32
          %cond3A_118 = arith.constant 0 : i32
          %cond3A_119 = arith.cmpi ne, %convert_element_type3A_117, %cond3A_118 : i32
          scf.if %cond3A_119 {
            %dma_wait3A_125 = arith.constant 0 : i32
            %dma_wait3A_126 = tpu.memref_slice %arg6[%mul3A_2, %dma_wait3A_125] : memref<320000x128xf32, #tpu.memory_space<hbm>> -> memref<80x128xf32, #tpu.memory_space<hbm>>
            %dma_wait3A_127 = arith.constant 0 : i32
            %dma_wait3A_128 = tpu.memref_slice %arg6[%mul3A_2, %dma_wait3A_127] : memref<320000x128xf32, #tpu.memory_space<hbm>> -> memref<80x128xf32, #tpu.memory_space<hbm>>
            tpu.wait_dma2 semaphore(%arg14 : memref<!tpu.dma_semaphore, #tpu.memory_space<semaphore_mem>>) src(%arg10 : memref<80x128xf32, #tpu.memory_space<vmem>>) dst(%dma_wait3A_128 : memref<80x128xf32, #tpu.memory_space<hbm>>)
          } else {
          }
          %dma_start3A = arith.constant 0 : i32
          %dma_start3A_120 = tpu.memref_slice %arg7[%scan3A_23, %dma_start3A] : memref<125x80xi32, #tpu.memory_space<vmem>> -> memref<1x80xi32, #tpu.memory_space<vmem>>
          %dma_start3A_121 = tpu.memref_squeeze %dma_start3A_120 : memref<1x80xi32, #tpu.memory_space<vmem>> -> memref<80xi32, #tpu.memory_space<vmem>>
          %dma_start3A_122 = arith.constant 0 : i32
          %dma_start3A_123 = arith.constant 0 : i32
          %dma_start3A_124 = tpu.memref_slice %arg2[%dma_start3A_122, %dma_start3A_123] : memref<10000x128xf32, #tpu.memory_space<hbm>> -> memref<10000x128xf32, #tpu.memory_space<hbm>>
          tpu.enqueue_indirect_dma source(%dma_start3A_124 : memref<10000x128xf32, #tpu.memory_space<hbm>>) target(%arg10 : memref<80x128xf32, #tpu.memory_space<vmem>>) offsets(%dma_start3A_121 : memref<80xi32, #tpu.memory_space<vmem>>) semaphore(%arg14 : memref<!tpu.dma_semaphore, #tpu.memory_space<semaphore_mem>>)
        } else {
        }
        %jit3A_73 = arith.constant 4 : i32
        %eq3A_74 = arith.constant 0 : i32
        %eq3A_75 = arith.cmpi eq, %jit3A_73, %eq3A_74 : i32
        %jit3A_76 = arith.constant 1 : i32
        %select_n3A_77 = arith.select %eq3A_75, %jit3A_76, %jit3A_73 : i32
        %rem3A_78 = arith.remsi %scan3A_23, %select_n3A_77 : i32
        %ne3A_79 = arith.constant 0 : i32
        %ne3A_80 = arith.cmpi ne, %rem3A_78, %ne3A_79 : i32
        %lt3A_81 = arith.constant 0 : i32
        %lt3A_82 = arith.cmpi slt, %rem3A_78, %lt3A_81 : i32
        %lt3A_83 = arith.constant 0 : i32
        %lt3A_84 = arith.cmpi slt, %select_n3A_77, %lt3A_83 : i32
        %ne3A_85 = arith.xori %lt3A_82, %lt3A_84 : i1
        %and3A_86 = arith.andi %ne3A_85, %ne3A_80 : i1
        %add3A_87 = arith.addi %rem3A_78, %select_n3A_77 : i32
        %select_n3A_88 = arith.select %and3A_86, %add3A_87, %rem3A_78 : i32
        %eq3A_89 = arith.constant 2 : i32
        %eq3A_90 = arith.cmpi eq, %select_n3A_88, %eq3A_89 : i32
        %convert_element_type3A_91 = arith.extui %eq3A_90 : i1 to i32
        %cond3A_92 = arith.constant 0 : i32
        %cond3A_93 = arith.cmpi ne, %convert_element_type3A_91, %cond3A_92 : i32
        scf.if %cond3A_93 {
          %ge3A_115 = arith.constant 4 : i32
          %ge3A_116 = arith.cmpi sge, %scan3A_23, %ge3A_115 : i32
          %convert_element_type3A_117 = arith.extui %ge3A_116 : i1 to i32
          %cond3A_118 = arith.constant 0 : i32
          %cond3A_119 = arith.cmpi ne, %convert_element_type3A_117, %cond3A_118 : i32
          scf.if %cond3A_119 {
            %dma_wait3A_125 = arith.constant 0 : i32
            %dma_wait3A_126 = tpu.memref_slice %arg6[%mul3A_2, %dma_wait3A_125] : memref<320000x128xf32, #tpu.memory_space<hbm>> -> memref<80x128xf32, #tpu.memory_space<hbm>>
            %dma_wait3A_127 = arith.constant 0 : i32
            %dma_wait3A_128 = tpu.memref_slice %arg6[%mul3A_2, %dma_wait3A_127] : memref<320000x128xf32, #tpu.memory_space<hbm>> -> memref<80x128xf32, #tpu.memory_space<hbm>>
            tpu.wait_dma2 semaphore(%arg15 : memref<!tpu.dma_semaphore, #tpu.memory_space<semaphore_mem>>) src(%arg11 : memref<80x128xf32, #tpu.memory_space<vmem>>) dst(%dma_wait3A_128 : memref<80x128xf32, #tpu.memory_space<hbm>>)
          } else {
          }
          %dma_start3A = arith.constant 0 : i32
          %dma_start3A_120 = tpu.memref_slice %arg7[%scan3A_23, %dma_start3A] : memref<125x80xi32, #tpu.memory_space<vmem>> -> memref<1x80xi32, #tpu.memory_space<vmem>>
          %dma_start3A_121 = tpu.memref_squeeze %dma_start3A_120 : memref<1x80xi32, #tpu.memory_space<vmem>> -> memref<80xi32, #tpu.memory_space<vmem>>
          %dma_start3A_122 = arith.constant 0 : i32
          %dma_start3A_123 = arith.constant 0 : i32
          %dma_start3A_124 = tpu.memref_slice %arg2[%dma_start3A_122, %dma_start3A_123] : memref<10000x128xf32, #tpu.memory_space<hbm>> -> memref<10000x128xf32, #tpu.memory_space<hbm>>
          tpu.enqueue_indirect_dma source(%dma_start3A_124 : memref<10000x128xf32, #tpu.memory_space<hbm>>) target(%arg11 : memref<80x128xf32, #tpu.memory_space<vmem>>) offsets(%dma_start3A_121 : memref<80xi32, #tpu.memory_space<vmem>>) semaphore(%arg15 : memref<!tpu.dma_semaphore, #tpu.memory_space<semaphore_mem>>)
        } else {
        }
        %jit3A_94 = arith.constant 4 : i32
        %eq3A_95 = arith.constant 0 : i32
        %eq3A_96 = arith.cmpi eq, %jit3A_94, %eq3A_95 : i32
        %jit3A_97 = arith.constant 1 : i32
        %select_n3A_98 = arith.select %eq3A_96, %jit3A_97, %jit3A_94 : i32
        %rem3A_99 = arith.remsi %scan3A_23, %select_n3A_98 : i32
        %ne3A_100 = arith.constant 0 : i32
        %ne3A_101 = arith.cmpi ne, %rem3A_99, %ne3A_100 : i32
        %lt3A_102 = arith.constant 0 : i32
        %lt3A_103 = arith.cmpi slt, %rem3A_99, %lt3A_102 : i32
        %lt3A_104 = arith.constant 0 : i32
        %lt3A_105 = arith.cmpi slt, %select_n3A_98, %lt3A_104 : i32
        %ne3A_106 = arith.xori %lt3A_103, %lt3A_105 : i1
        %and3A_107 = arith.andi %ne3A_106, %ne3A_101 : i1
        %add3A_108 = arith.addi %rem3A_99, %select_n3A_98 : i32
        %select_n3A_109 = arith.select %and3A_107, %add3A_108, %rem3A_99 : i32
        %eq3A_110 = arith.constant 3 : i32
        %eq3A_111 = arith.cmpi eq, %select_n3A_109, %eq3A_110 : i32
        %convert_element_type3A_112 = arith.extui %eq3A_111 : i1 to i32
        %cond3A_113 = arith.constant 0 : i32
        %cond3A_114 = arith.cmpi ne, %convert_element_type3A_112, %cond3A_113 : i32
        scf.if %cond3A_114 {
          %ge3A_115 = arith.constant 4 : i32
          %ge3A_116 = arith.cmpi sge, %scan3A_23, %ge3A_115 : i32
          %convert_element_type3A_117 = arith.extui %ge3A_116 : i1 to i32
          %cond3A_118 = arith.constant 0 : i32
          %cond3A_119 = arith.cmpi ne, %convert_element_type3A_117, %cond3A_118 : i32
          scf.if %cond3A_119 {
            %dma_wait3A_125 = arith.constant 0 : i32
            %dma_wait3A_126 = tpu.memref_slice %arg6[%mul3A_2, %dma_wait3A_125] : memref<320000x128xf32, #tpu.memory_space<hbm>> -> memref<80x128xf32, #tpu.memory_space<hbm>>
            %dma_wait3A_127 = arith.constant 0 : i32
            %dma_wait3A_128 = tpu.memref_slice %arg6[%mul3A_2, %dma_wait3A_127] : memref<320000x128xf32, #tpu.memory_space<hbm>> -> memref<80x128xf32, #tpu.memory_space<hbm>>
            tpu.wait_dma2 semaphore(%arg16 : memref<!tpu.dma_semaphore, #tpu.memory_space<semaphore_mem>>) src(%arg12 : memref<80x128xf32, #tpu.memory_space<vmem>>) dst(%dma_wait3A_128 : memref<80x128xf32, #tpu.memory_space<hbm>>)
          } else {
          }
          %dma_start3A = arith.constant 0 : i32
          %dma_start3A_120 = tpu.memref_slice %arg7[%scan3A_23, %dma_start3A] : memref<125x80xi32, #tpu.memory_space<vmem>> -> memref<1x80xi32, #tpu.memory_space<vmem>>
          %dma_start3A_121 = tpu.memref_squeeze %dma_start3A_120 : memref<1x80xi32, #tpu.memory_space<vmem>> -> memref<80xi32, #tpu.memory_space<vmem>>
          %dma_start3A_122 = arith.constant 0 : i32
          %dma_start3A_123 = arith.constant 0 : i32
          %dma_start3A_124 = tpu.memref_slice %arg2[%dma_start3A_122, %dma_start3A_123] : memref<10000x128xf32, #tpu.memory_space<hbm>> -> memref<10000x128xf32, #tpu.memory_space<hbm>>
          tpu.enqueue_indirect_dma source(%dma_start3A_124 : memref<10000x128xf32, #tpu.memory_space<hbm>>) target(%arg12 : memref<80x128xf32, #tpu.memory_space<vmem>>) offsets(%dma_start3A_121 : memref<80xi32, #tpu.memory_space<vmem>>) semaphore(%arg16 : memref<!tpu.dma_semaphore, #tpu.memory_space<semaphore_mem>>)
        } else {
        }
      } else {
      }
    }
    %scan3A_7 = arith.constant 127 : i32
    %dma_wait3A = arith.constant 0 : i32
    %dma_wait3A_8 = tpu.memref_slice %arg6[%mul3A_2, %dma_wait3A] : memref<320000x128xf32, #tpu.memory_space<hbm>> -> memref<80x128xf32, #tpu.memory_space<hbm>>
    %dma_wait3A_9 = arith.constant 0 : i32
    %dma_wait3A_10 = tpu.memref_slice %arg6[%mul3A_2, %dma_wait3A_9] : memref<320000x128xf32, #tpu.memory_space<hbm>> -> memref<80x128xf32, #tpu.memory_space<hbm>>
    tpu.wait_dma2 semaphore(%arg13 : memref<!tpu.dma_semaphore, #tpu.memory_space<semaphore_mem>>) src(%arg9 : memref<80x128xf32, #tpu.memory_space<vmem>>) dst(%dma_wait3A_10 : memref<80x128xf32, #tpu.memory_space<hbm>>)
    %dma_wait3A_11 = arith.constant 0 : i32
    %dma_wait3A_12 = tpu.memref_slice %arg6[%mul3A_2, %dma_wait3A_11] : memref<320000x128xf32, #tpu.memory_space<hbm>> -> memref<80x128xf32, #tpu.memory_space<hbm>>
    %dma_wait3A_13 = arith.constant 0 : i32
    %dma_wait3A_14 = tpu.memref_slice %arg6[%mul3A_2, %dma_wait3A_13] : memref<320000x128xf32, #tpu.memory_space<hbm>> -> memref<80x128xf32, #tpu.memory_space<hbm>>
    tpu.wait_dma2 semaphore(%arg14 : memref<!tpu.dma_semaphore, #tpu.memory_space<semaphore_mem>>) src(%arg10 : memref<80x128xf32, #tpu.memory_space<vmem>>) dst(%dma_wait3A_14 : memref<80x128xf32, #tpu.memory_space<hbm>>)
    %dma_wait3A_15 = arith.constant 0 : i32
    %dma_wait3A_16 = tpu.memref_slice %arg6[%mul3A_2, %dma_wait3A_15] : memref<320000x128xf32, #tpu.memory_space<hbm>> -> memref<80x128xf32, #tpu.memory_space<hbm>>
    %dma_wait3A_17 = arith.constant 0 : i32
    %dma_wait3A_18 = tpu.memref_slice %arg6[%mul3A_2, %dma_wait3A_17] : memref<320000x128xf32, #tpu.memory_space<hbm>> -> memref<80x128xf32, #tpu.memory_space<hbm>>
    tpu.wait_dma2 semaphore(%arg15 : memref<!tpu.dma_semaphore, #tpu.memory_space<semaphore_mem>>) src(%arg11 : memref<80x128xf32, #tpu.memory_space<vmem>>) dst(%dma_wait3A_18 : memref<80x128xf32, #tpu.memory_space<hbm>>)
    %dma_wait3A_19 = arith.constant 0 : i32
    %dma_wait3A_20 = tpu.memref_slice %arg6[%mul3A_2, %dma_wait3A_19] : memref<320000x128xf32, #tpu.memory_space<hbm>> -> memref<80x128xf32, #tpu.memory_space<hbm>>
    %dma_wait3A_21 = arith.constant 0 : i32
    %dma_wait3A_22 = tpu.memref_slice %arg6[%mul3A_2, %dma_wait3A_21] : memref<320000x128xf32, #tpu.memory_space<hbm>> -> memref<80x128xf32, #tpu.memory_space<hbm>>
    tpu.wait_dma2 semaphore(%arg16 : memref<!tpu.dma_semaphore, #tpu.memory_space<semaphore_mem>>) src(%arg12 : memref<80x128xf32, #tpu.memory_space<vmem>>) dst(%dma_wait3A_22 : memref<80x128xf32, #tpu.memory_space<hbm>>)
    return
  }
}

#map = affine_map<(d0, d1) -> (0, 0)>
#map1 = affine_map<(d0, d1) -> (0, 0, 0)>
module attributes {stable_mosaic.version = 14 : i64} {
  func.func @k(%arg0: i32, %arg1: i32, %arg2: memref<320000x128xf32, #tpu.memory_space<hbm>>, %arg3: memref<32x125x80xi32, #tpu.memory_space<hbm>>, %arg4: memref<10240x128xf32, #tpu.memory_space<hbm>>, %arg5: memref<10240x128xf32, #tpu.memory_space<hbm>>, %arg6: memref<125x80xi32, #tpu.memory_space<vmem>>, %arg7: memref<80x128xf32, #tpu.memory_space<vmem>>, %arg8: memref<80x128xf32, #tpu.memory_space<vmem>>, %arg9: memref<80x128xf32, #tpu.memory_space<vmem>>, %arg10: memref<10240x128xf32, #tpu.memory_space<vmem_shared>>, %arg11: memref<!tpu.dma_semaphore, #tpu.memory_space<semaphore_mem>>, %arg12: memref<!tpu.dma_semaphore, #tpu.memory_space<semaphore_mem>>) attributes {dimension_semantics = [#tpu.dimension_semantics<core_parallel>, #tpu.dimension_semantics<subcore_parallel>], iteration_bounds = array<i64: 2, 16>, scalar_prefetch = 0 : i64, scratch_operands = 7 : i64, tpu.core_type = #tpu.core_type<sc_vector_subcore>, window_params = [{transform_indices = #map}, {transform_indices = #map1}, {transform_indices = #map}, {transform_indices = #map}]} {
    %mul3A = arith.constant 2 : i32
    %mul3A_0 = arith.muli %arg1, %mul3A : i32
    %add3A = arith.addi %mul3A_0, %arg0 : i32
    %mul3A_1 = arith.constant 10000 : i32
    %mul3A_2 = arith.muli %add3A, %mul3A_1 : i32
    %mul3A_3 = arith.constant 640 : i32
    %mul3A_4 = arith.muli %arg1, %mul3A_3 : i32
    %scan3A = arith.constant 0 : i32
    %scan3A_5 = arith.constant 0 : i32
    %scan3A_6 = arith.constant 640 : i32
    %scan3A_7 = arith.addi %scan3A_5, %scan3A_6 : i32
    %scan3A_8 = arith.constant 1 : i32
    scf.for %scan3A_129 = %scan3A_5 to %scan3A_7 step %scan3A_8  : i32 {
      %jit3A = arith.constant 8 : i32
      %div3A = arith.divsi %scan3A_129, %jit3A : i32
      %sign3A = arith.constant 0 : i32
      %sign3A_130 = arith.cmpi sgt, %scan3A_129, %sign3A : i32
      %sign3A_131 = arith.extui %sign3A_130 : i1 to i32
      %sign3A_132 = arith.constant 0 : i32
      %sign3A_133 = arith.cmpi slt, %scan3A_129, %sign3A_132 : i32
      %sign3A_134 = arith.extui %sign3A_133 : i1 to i32
      %sign3A_135 = arith.subi %sign3A_131, %sign3A_134 : i32
      %sign3A_136 = arith.constant 0 : i32
      %sign3A_137 = arith.cmpi sgt, %jit3A, %sign3A_136 : i32
      %sign3A_138 = arith.extui %sign3A_137 : i1 to i32
      %sign3A_139 = arith.constant 0 : i32
      %sign3A_140 = arith.cmpi slt, %jit3A, %sign3A_139 : i32
      %sign3A_141 = arith.extui %sign3A_140 : i1 to i32
      %sign3A_142 = arith.subi %sign3A_138, %sign3A_141 : i32
      %ne3A = arith.cmpi ne, %sign3A_135, %sign3A_142 : i32
      %rem3A = arith.remsi %scan3A_129, %jit3A : i32
      %ne3A_143 = arith.constant 0 : i32
      %ne3A_144 = arith.cmpi ne, %rem3A, %ne3A_143 : i32
      %and3A = arith.andi %ne3A, %ne3A_144 : i1
      %sub3A = arith.constant 1 : i32
      %sub3A_145 = arith.subi %div3A, %sub3A : i32
      %select_n3A = arith.select %and3A, %sub3A_145, %div3A : i32
      %jit3A_146 = arith.constant 8 : i32
      %eq3A_147 = arith.constant 0 : i32
      %eq3A_148 = arith.cmpi eq, %jit3A_146, %eq3A_147 : i32
      %jit3A_149 = arith.constant 1 : i32
      %select_n3A_150 = arith.select %eq3A_148, %jit3A_149, %jit3A_146 : i32
      %rem3A_151 = arith.remsi %scan3A_129, %select_n3A_150 : i32
      %ne3A_152 = arith.constant 0 : i32
      %ne3A_153 = arith.cmpi ne, %rem3A_151, %ne3A_152 : i32
      %lt3A = arith.constant 0 : i32
      %lt3A_154 = arith.cmpi slt, %rem3A_151, %lt3A : i32
      %lt3A_155 = arith.constant 0 : i32
      %lt3A_156 = arith.cmpi slt, %select_n3A_150, %lt3A_155 : i32
      %ne3A_157 = arith.xori %lt3A_154, %lt3A_156 : i1
      %and3A_158 = arith.andi %ne3A_157, %ne3A_153 : i1
      %add3A_159 = arith.addi %rem3A_151, %select_n3A_150 : i32
      %select_n3A_160 = arith.select %and3A_158, %add3A_159, %rem3A_151 : i32
      %mul3A_161 = arith.constant 16 : i32
      %mul3A_162 = arith.muli %select_n3A_160, %mul3A_161 : i32
      %broadcast_in_dim3A = arith.constant 0.000000e+00 : f32
      %broadcast_in_dim3A_163 = vector.broadcast %broadcast_in_dim3A : f32 to vector<16xf32>
      %swap3A = arith.index_cast %select_n3A : i32 to index
      %swap3A_164 = arith.index_cast %mul3A_162 : i32 to index
      %swap3A_165 = tpu.vector_load %arg9[%swap3A, %swap3A_164] {strides = array<i32>} : memref<80x128xf32, #tpu.memory_space<vmem>>, vector<1x16xf32>,
      %swap3A_166 = vector.shape_cast %swap3A_165 : vector<1x16xf32> to vector<16xf32>
      %swap3A_167 = vector.shape_cast %broadcast_in_dim3A_163 : vector<16xf32> to vector<1x16xf32>
      tpu.vector_store %arg9[%swap3A, %swap3A_164], %swap3A_167 {strides = array<i32>} : memref<80x128xf32, #tpu.memory_space<vmem>>, vector<1x16xf32>,
    }
    %scan3A_9 = arith.constant 640 : i32
    %add3A_10 = arith.constant 0 : i32
    %add3A_11 = arith.addi %mul3A_4, %add3A_10 : i32
    "tpu.region"() ({
      %run_scoped3A = tpu.sem_alloc : memref<!tpu.dma_semaphore, #tpu.memory_space<semaphore_mem>>
      %dma_start3A_129 = arith.constant 0 : i32
      %dma_start3A_130 = tpu.memref_slice %arg10[%add3A_11, %dma_start3A_129] : memref<10240x128xf32, #tpu.memory_space<vmem_shared>> -> memref<80x128xf32, #tpu.memory_space<vmem_shared>>
      %dma_start3A_131 = arith.constant 0 : i32
      %dma_start3A_132 = tpu.memref_slice %arg10[%add3A_11, %dma_start3A_131] : memref<10240x128xf32, #tpu.memory_space<vmem_shared>> -> memref<80x128xf32, #tpu.memory_space<vmem_shared>>
      tpu.enqueue_dma source(%arg9 : memref<80x128xf32, #tpu.memory_space<vmem>>) target(%dma_start3A_132 : memref<80x128xf32, #tpu.memory_space<vmem_shared>>) target_semaphore(%run_scoped3A : memref<!tpu.dma_semaphore, #tpu.memory_space<semaphore_mem>>)
      %dma_wait3A = arith.constant 0 : i32
      %dma_wait3A_133 = tpu.memref_slice %arg10[%add3A_11, %dma_wait3A] : memref<10240x128xf32, #tpu.memory_space<vmem_shared>> -> memref<80x128xf32, #tpu.memory_space<vmem_shared>>
      %dma_wait3A_134 = arith.constant 0 : i32
      %dma_wait3A_135 = tpu.memref_slice %arg10[%add3A_11, %dma_wait3A_134] : memref<10240x128xf32, #tpu.memory_space<vmem_shared>> -> memref<80x128xf32, #tpu.memory_space<vmem_shared>>
      tpu.wait_dma2 semaphore(%run_scoped3A : memref<!tpu.dma_semaphore, #tpu.memory_space<semaphore_mem>>) src(%arg9 : memref<80x128xf32, #tpu.memory_space<vmem>>) dst(%dma_wait3A_135 : memref<80x128xf32, #tpu.memory_space<vmem_shared>>)
      tpu.yield
    }) : () -> ()
    %add3A_12 = arith.constant 80 : i32
    %add3A_13 = arith.addi %mul3A_4, %add3A_12 : i32
    "tpu.region"() ({
      %run_scoped3A = tpu.sem_alloc : memref<!tpu.dma_semaphore, #tpu.memory_space<semaphore_mem>>
      %dma_start3A_129 = arith.constant 0 : i32
      %dma_start3A_130 = tpu.memref_slice %arg10[%add3A_13, %dma_start3A_129] : memref<10240x128xf32, #tpu.memory_space<vmem_shared>> -> memref<80x128xf32, #tpu.memory_space<vmem_shared>>
      %dma_start3A_131 = arith.constant 0 : i32
      %dma_start3A_132 = tpu.memref_slice %arg10[%add3A_13, %dma_start3A_131] : memref<10240x128xf32, #tpu.memory_space<vmem_shared>> -> memref<80x128xf32, #tpu.memory_space<vmem_shared>>
      tpu.enqueue_dma source(%arg9 : memref<80x128xf32, #tpu.memory_space<vmem>>) target(%dma_start3A_132 : memref<80x128xf32, #tpu.memory_space<vmem_shared>>) target_semaphore(%run_scoped3A : memref<!tpu.dma_semaphore, #tpu.memory_space<semaphore_mem>>)
      %dma_wait3A = arith.constant 0 : i32
      %dma_wait3A_133 = tpu.memref_slice %arg10[%add3A_13, %dma_wait3A] : memref<10240x128xf32, #tpu.memory_space<vmem_shared>> -> memref<80x128xf32, #tpu.memory_space<vmem_shared>>
      %dma_wait3A_134 = arith.constant 0 : i32
      %dma_wait3A_135 = tpu.memref_slice %arg10[%add3A_13, %dma_wait3A_134] : memref<10240x128xf32, #tpu.memory_space<vmem_shared>> -> memref<80x128xf32, #tpu.memory_space<vmem_shared>>
      tpu.wait_dma2 semaphore(%run_scoped3A : memref<!tpu.dma_semaphore, #tpu.memory_space<semaphore_mem>>) src(%arg9 : memref<80x128xf32, #tpu.memory_space<vmem>>) dst(%dma_wait3A_135 : memref<80x128xf32, #tpu.memory_space<vmem_shared>>)
      tpu.yield
    }) : () -> ()
    %add3A_14 = arith.constant 160 : i32
    %add3A_15 = arith.addi %mul3A_4, %add3A_14 : i32
    "tpu.region"() ({
      %run_scoped3A = tpu.sem_alloc : memref<!tpu.dma_semaphore, #tpu.memory_space<semaphore_mem>>
      %dma_start3A_129 = arith.constant 0 : i32
      %dma_start3A_130 = tpu.memref_slice %arg10[%add3A_15, %dma_start3A_129] : memref<10240x128xf32, #tpu.memory_space<vmem_shared>> -> memref<80x128xf32, #tpu.memory_space<vmem_shared>>
      %dma_start3A_131 = arith.constant 0 : i32
      %dma_start3A_132 = tpu.memref_slice %arg10[%add3A_15, %dma_start3A_131] : memref<10240x128xf32, #tpu.memory_space<vmem_shared>> -> memref<80x128xf32, #tpu.memory_space<vmem_shared>>
      tpu.enqueue_dma source(%arg9 : memref<80x128xf32, #tpu.memory_space<vmem>>) target(%dma_start3A_132 : memref<80x128xf32, #tpu.memory_space<vmem_shared>>) target_semaphore(%run_scoped3A : memref<!tpu.dma_semaphore, #tpu.memory_space<semaphore_mem>>)
      %dma_wait3A = arith.constant 0 : i32
      %dma_wait3A_133 = tpu.memref_slice %arg10[%add3A_15, %dma_wait3A] : memref<10240x128xf32, #tpu.memory_space<vmem_shared>> -> memref<80x128xf32, #tpu.memory_space<vmem_shared>>
      %dma_wait3A_134 = arith.constant 0 : i32
      %dma_wait3A_135 = tpu.memref_slice %arg10[%add3A_15, %dma_wait3A_134] : memref<10240x128xf32, #tpu.memory_space<vmem_shared>> -> memref<80x128xf32, #tpu.memory_space<vmem_shared>>
      tpu.wait_dma2 semaphore(%run_scoped3A : memref<!tpu.dma_semaphore, #tpu.memory_space<semaphore_mem>>) src(%arg9 : memref<80x128xf32, #tpu.memory_space<vmem>>) dst(%dma_wait3A_135 : memref<80x128xf32, #tpu.memory_space<vmem_shared>>)
      tpu.yield
    }) : () -> ()
    %add3A_16 = arith.constant 240 : i32
    %add3A_17 = arith.addi %mul3A_4, %add3A_16 : i32
    "tpu.region"() ({
      %run_scoped3A = tpu.sem_alloc : memref<!tpu.dma_semaphore, #tpu.memory_space<semaphore_mem>>
      %dma_start3A_129 = arith.constant 0 : i32
      %dma_start3A_130 = tpu.memref_slice %arg10[%add3A_17, %dma_start3A_129] : memref<10240x128xf32, #tpu.memory_space<vmem_shared>> -> memref<80x128xf32, #tpu.memory_space<vmem_shared>>
      %dma_start3A_131 = arith.constant 0 : i32
      %dma_start3A_132 = tpu.memref_slice %arg10[%add3A_17, %dma_start3A_131] : memref<10240x128xf32, #tpu.memory_space<vmem_shared>> -> memref<80x128xf32, #tpu.memory_space<vmem_shared>>
      tpu.enqueue_dma source(%arg9 : memref<80x128xf32, #tpu.memory_space<vmem>>) target(%dma_start3A_132 : memref<80x128xf32, #tpu.memory_space<vmem_shared>>) target_semaphore(%run_scoped3A : memref<!tpu.dma_semaphore, #tpu.memory_space<semaphore_mem>>)
      %dma_wait3A = arith.constant 0 : i32
      %dma_wait3A_133 = tpu.memref_slice %arg10[%add3A_17, %dma_wait3A] : memref<10240x128xf32, #tpu.memory_space<vmem_shared>> -> memref<80x128xf32, #tpu.memory_space<vmem_shared>>
      %dma_wait3A_134 = arith.constant 0 : i32
      %dma_wait3A_135 = tpu.memref_slice %arg10[%add3A_17, %dma_wait3A_134] : memref<10240x128xf32, #tpu.memory_space<vmem_shared>> -> memref<80x128xf32, #tpu.memory_space<vmem_shared>>
      tpu.wait_dma2 semaphore(%run_scoped3A : memref<!tpu.dma_semaphore, #tpu.memory_space<semaphore_mem>>) src(%arg9 : memref<80x128xf32, #tpu.memory_space<vmem>>) dst(%dma_wait3A_135 : memref<80x128xf32, #tpu.memory_space<vmem_shared>>)
      tpu.yield
    }) : () -> ()
    %add3A_18 = arith.constant 320 : i32
    %add3A_19 = arith.addi %mul3A_4, %add3A_18 : i32
    "tpu.region"() ({
      %run_scoped3A = tpu.sem_alloc : memref<!tpu.dma_semaphore, #tpu.memory_space<semaphore_mem>>
      %dma_start3A_129 = arith.constant 0 : i32
      %dma_start3A_130 = tpu.memref_slice %arg10[%add3A_19, %dma_start3A_129] : memref<10240x128xf32, #tpu.memory_space<vmem_shared>> -> memref<80x128xf32, #tpu.memory_space<vmem_shared>>
      %dma_start3A_131 = arith.constant 0 : i32
      %dma_start3A_132 = tpu.memref_slice %arg10[%add3A_19, %dma_start3A_131] : memref<10240x128xf32, #tpu.memory_space<vmem_shared>> -> memref<80x128xf32, #tpu.memory_space<vmem_shared>>
      tpu.enqueue_dma source(%arg9 : memref<80x128xf32, #tpu.memory_space<vmem>>) target(%dma_start3A_132 : memref<80x128xf32, #tpu.memory_space<vmem_shared>>) target_semaphore(%run_scoped3A : memref<!tpu.dma_semaphore, #tpu.memory_space<semaphore_mem>>)
      %dma_wait3A = arith.constant 0 : i32
      %dma_wait3A_133 = tpu.memref_slice %arg10[%add3A_19, %dma_wait3A] : memref<10240x128xf32, #tpu.memory_space<vmem_shared>> -> memref<80x128xf32, #tpu.memory_space<vmem_shared>>
      %dma_wait3A_134 = arith.constant 0 : i32
      %dma_wait3A_135 = tpu.memref_slice %arg10[%add3A_19, %dma_wait3A_134] : memref<10240x128xf32, #tpu.memory_space<vmem_shared>> -> memref<80x128xf32, #tpu.memory_space<vmem_shared>>
      tpu.wait_dma2 semaphore(%run_scoped3A : memref<!tpu.dma_semaphore, #tpu.memory_space<semaphore_mem>>) src(%arg9 : memref<80x128xf32, #tpu.memory_space<vmem>>) dst(%dma_wait3A_135 : memref<80x128xf32, #tpu.memory_space<vmem_shared>>)
      tpu.yield
    }) : () -> ()
    %add3A_20 = arith.constant 400 : i32
    %add3A_21 = arith.addi %mul3A_4, %add3A_20 : i32
    "tpu.region"() ({
      %run_scoped3A = tpu.sem_alloc : memref<!tpu.dma_semaphore, #tpu.memory_space<semaphore_mem>>
      %dma_start3A_129 = arith.constant 0 : i32
      %dma_start3A_130 = tpu.memref_slice %arg10[%add3A_21, %dma_start3A_129] : memref<10240x128xf32, #tpu.memory_space<vmem_shared>> -> memref<80x128xf32, #tpu.memory_space<vmem_shared>>
      %dma_start3A_131 = arith.constant 0 : i32
      %dma_start3A_132 = tpu.memref_slice %arg10[%add3A_21, %dma_start3A_131] : memref<10240x128xf32, #tpu.memory_space<vmem_shared>> -> memref<80x128xf32, #tpu.memory_space<vmem_shared>>
      tpu.enqueue_dma source(%arg9 : memref<80x128xf32, #tpu.memory_space<vmem>>) target(%dma_start3A_132 : memref<80x128xf32, #tpu.memory_space<vmem_shared>>) target_semaphore(%run_scoped3A : memref<!tpu.dma_semaphore, #tpu.memory_space<semaphore_mem>>)
      %dma_wait3A = arith.constant 0 : i32
      %dma_wait3A_133 = tpu.memref_slice %arg10[%add3A_21, %dma_wait3A] : memref<10240x128xf32, #tpu.memory_space<vmem_shared>> -> memref<80x128xf32, #tpu.memory_space<vmem_shared>>
      %dma_wait3A_134 = arith.constant 0 : i32
      %dma_wait3A_135 = tpu.memref_slice %arg10[%add3A_21, %dma_wait3A_134] : memref<10240x128xf32, #tpu.memory_space<vmem_shared>> -> memref<80x128xf32, #tpu.memory_space<vmem_shared>>
      tpu.wait_dma2 semaphore(%run_scoped3A : memref<!tpu.dma_semaphore, #tpu.memory_space<semaphore_mem>>) src(%arg9 : memref<80x128xf32, #tpu.memory_space<vmem>>) dst(%dma_wait3A_135 : memref<80x128xf32, #tpu.memory_space<vmem_shared>>)
      tpu.yield
    }) : () -> ()
    %add3A_22 = arith.constant 480 : i32
    %add3A_23 = arith.addi %mul3A_4, %add3A_22 : i32
    "tpu.region"() ({
      %run_scoped3A = tpu.sem_alloc : memref<!tpu.dma_semaphore, #tpu.memory_space<semaphore_mem>>
      %dma_start3A_129 = arith.constant 0 : i32
      %dma_start3A_130 = tpu.memref_slice %arg10[%add3A_23, %dma_start3A_129] : memref<10240x128xf32, #tpu.memory_space<vmem_shared>> -> memref<80x128xf32, #tpu.memory_space<vmem_shared>>
      %dma_start3A_131 = arith.constant 0 : i32
      %dma_start3A_132 = tpu.memref_slice %arg10[%add3A_23, %dma_start3A_131] : memref<10240x128xf32, #tpu.memory_space<vmem_shared>> -> memref<80x128xf32, #tpu.memory_space<vmem_shared>>
      tpu.enqueue_dma source(%arg9 : memref<80x128xf32, #tpu.memory_space<vmem>>) target(%dma_start3A_132 : memref<80x128xf32, #tpu.memory_space<vmem_shared>>) target_semaphore(%run_scoped3A : memref<!tpu.dma_semaphore, #tpu.memory_space<semaphore_mem>>)
      %dma_wait3A = arith.constant 0 : i32
      %dma_wait3A_133 = tpu.memref_slice %arg10[%add3A_23, %dma_wait3A] : memref<10240x128xf32, #tpu.memory_space<vmem_shared>> -> memref<80x128xf32, #tpu.memory_space<vmem_shared>>
      %dma_wait3A_134 = arith.constant 0 : i32
      %dma_wait3A_135 = tpu.memref_slice %arg10[%add3A_23, %dma_wait3A_134] : memref<10240x128xf32, #tpu.memory_space<vmem_shared>> -> memref<80x128xf32, #tpu.memory_space<vmem_shared>>
      tpu.wait_dma2 semaphore(%run_scoped3A : memref<!tpu.dma_semaphore, #tpu.memory_space<semaphore_mem>>) src(%arg9 : memref<80x128xf32, #tpu.memory_space<vmem>>) dst(%dma_wait3A_135 : memref<80x128xf32, #tpu.memory_space<vmem_shared>>)
      tpu.yield
    }) : () -> ()
    %add3A_24 = arith.constant 560 : i32
    %add3A_25 = arith.addi %mul3A_4, %add3A_24 : i32
    "tpu.region"() ({
      %run_scoped3A = tpu.sem_alloc : memref<!tpu.dma_semaphore, #tpu.memory_space<semaphore_mem>>
      %dma_start3A_129 = arith.constant 0 : i32
      %dma_start3A_130 = tpu.memref_slice %arg10[%add3A_25, %dma_start3A_129] : memref<10240x128xf32, #tpu.memory_space<vmem_shared>> -> memref<80x128xf32, #tpu.memory_space<vmem_shared>>
      %dma_start3A_131 = arith.constant 0 : i32
      %dma_start3A_132 = tpu.memref_slice %arg10[%add3A_25, %dma_start3A_131] : memref<10240x128xf32, #tpu.memory_space<vmem_shared>> -> memref<80x128xf32, #tpu.memory_space<vmem_shared>>
      tpu.enqueue_dma source(%arg9 : memref<80x128xf32, #tpu.memory_space<vmem>>) target(%dma_start3A_132 : memref<80x128xf32, #tpu.memory_space<vmem_shared>>) target_semaphore(%run_scoped3A : memref<!tpu.dma_semaphore, #tpu.memory_space<semaphore_mem>>)
      %dma_wait3A = arith.constant 0 : i32
      %dma_wait3A_133 = tpu.memref_slice %arg10[%add3A_25, %dma_wait3A] : memref<10240x128xf32, #tpu.memory_space<vmem_shared>> -> memref<80x128xf32, #tpu.memory_space<vmem_shared>>
      %dma_wait3A_134 = arith.constant 0 : i32
      %dma_wait3A_135 = tpu.memref_slice %arg10[%add3A_25, %dma_wait3A_134] : memref<10240x128xf32, #tpu.memory_space<vmem_shared>> -> memref<80x128xf32, #tpu.memory_space<vmem_shared>>
      tpu.wait_dma2 semaphore(%run_scoped3A : memref<!tpu.dma_semaphore, #tpu.memory_space<semaphore_mem>>) src(%arg9 : memref<80x128xf32, #tpu.memory_space<vmem>>) dst(%dma_wait3A_135 : memref<80x128xf32, #tpu.memory_space<vmem_shared>>)
      tpu.yield
    }) : () -> ()
    %barrier3A = arith.constant 0 : index
    tpu.barrier barrier_id(%barrier3A)
    "tpu.region"() ({
      %run_scoped3A = tpu.sem_alloc : memref<!tpu.dma_semaphore, #tpu.memory_space<semaphore_mem>>
      %dma_start3A_129 = arith.constant 0 : i32
      %dma_start3A_130 = arith.constant 0 : i32
      %dma_start3A_131 = tpu.memref_slice %arg3[%add3A, %dma_start3A_129, %dma_start3A_130] : memref<32x125x80xi32, #tpu.memory_space<hbm>> -> memref<1x125x80xi32, #tpu.memory_space<hbm>>
      %dma_start3A_132 = tpu.memref_squeeze %dma_start3A_131 : memref<1x125x80xi32, #tpu.memory_space<hbm>> -> memref<125x80xi32, #tpu.memory_space<hbm>>
      %dma_start3A_133 = arith.constant 0 : i32
      %dma_start3A_134 = arith.constant 0 : i32
      %dma_start3A_135 = tpu.memref_slice %arg3[%add3A, %dma_start3A_133, %dma_start3A_134] : memref<32x125x80xi32, #tpu.memory_space<hbm>> -> memref<1x125x80xi32, #tpu.memory_space<hbm>>
      %dma_start3A_136 = tpu.memref_squeeze %dma_start3A_135 : memref<1x125x80xi32, #tpu.memory_space<hbm>> -> memref<125x80xi32, #tpu.memory_space<hbm>>
      tpu.enqueue_dma source(%dma_start3A_136 : memref<125x80xi32, #tpu.memory_space<hbm>>) target(%arg6 : memref<125x80xi32, #tpu.memory_space<vmem>>) target_semaphore(%run_scoped3A : memref<!tpu.dma_semaphore, #tpu.memory_space<semaphore_mem>>)
      %dma_wait3A = arith.constant 0 : i32
      %dma_wait3A_137 = arith.constant 0 : i32
      %dma_wait3A_138 = tpu.memref_slice %arg3[%add3A, %dma_wait3A, %dma_wait3A_137] : memref<32x125x80xi32, #tpu.memory_space<hbm>> -> memref<1x125x80xi32, #tpu.memory_space<hbm>>
      %dma_wait3A_139 = tpu.memref_squeeze %dma_wait3A_138 : memref<1x125x80xi32, #tpu.memory_space<hbm>> -> memref<125x80xi32, #tpu.memory_space<hbm>>
      %dma_wait3A_140 = arith.constant 0 : i32
      %dma_wait3A_141 = arith.constant 0 : i32
      %dma_wait3A_142 = tpu.memref_slice %arg3[%add3A, %dma_wait3A_140, %dma_wait3A_141] : memref<32x125x80xi32, #tpu.memory_space<hbm>> -> memref<1x125x80xi32, #tpu.memory_space<hbm>>
      %dma_wait3A_143 = tpu.memref_squeeze %dma_wait3A_142 : memref<1x125x80xi32, #tpu.memory_space<hbm>> -> memref<125x80xi32, #tpu.memory_space<hbm>>
      tpu.wait_dma2 semaphore(%run_scoped3A : memref<!tpu.dma_semaphore, #tpu.memory_space<semaphore_mem>>) src(%dma_wait3A_143 : memref<125x80xi32, #tpu.memory_space<hbm>>) dst(%arg6 : memref<125x80xi32, #tpu.memory_space<vmem>>)
      tpu.yield
    }) : () -> ()
    %dma_start3A = arith.constant 0 : i32
    %dma_start3A_26 = tpu.memref_slice %arg2[%mul3A_2, %dma_start3A] : memref<320000x128xf32, #tpu.memory_space<hbm>> -> memref<80x128xf32, #tpu.memory_space<hbm>>
    %dma_start3A_27 = arith.constant 0 : i32
    %dma_start3A_28 = tpu.memref_slice %arg2[%mul3A_2, %dma_start3A_27] : memref<320000x128xf32, #tpu.memory_space<hbm>> -> memref<80x128xf32, #tpu.memory_space<hbm>>
    tpu.enqueue_dma source(%dma_start3A_28 : memref<80x128xf32, #tpu.memory_space<hbm>>) target(%arg7 : memref<80x128xf32, #tpu.memory_space<vmem>>) target_semaphore(%arg11 : memref<!tpu.dma_semaphore, #tpu.memory_space<semaphore_mem>>)
    %scan3A_29 = arith.constant 0 : i32
    %scan3A_30 = arith.constant 0 : i32
    %scan3A_31 = arith.constant 125 : i32
    %scan3A_32 = arith.addi %scan3A_30, %scan3A_31 : i32
    %scan3A_33 = arith.constant 1 : i32
    scf.for %scan3A_129 = %scan3A_30 to %scan3A_32 step %scan3A_33  : i32 {
      %jit3A = arith.constant 2 : i32
      %eq3A_130 = arith.constant 0 : i32
      %eq3A_131 = arith.cmpi eq, %jit3A, %eq3A_130 : i32
      %jit3A_132 = arith.constant 1 : i32
      %select_n3A = arith.select %eq3A_131, %jit3A_132, %jit3A : i32
      %rem3A = arith.remsi %scan3A_129, %select_n3A : i32
      %ne3A = arith.constant 0 : i32
      %ne3A_133 = arith.cmpi ne, %rem3A, %ne3A : i32
      %lt3A = arith.constant 0 : i32
      %lt3A_134 = arith.cmpi slt, %rem3A, %lt3A : i32
      %lt3A_135 = arith.constant 0 : i32
      %lt3A_136 = arith.cmpi slt, %select_n3A, %lt3A_135 : i32
      %ne3A_137 = arith.xori %lt3A_134, %lt3A_136 : i1
      %and3A = arith.andi %ne3A_137, %ne3A_133 : i1
      %add3A_138 = arith.addi %rem3A, %select_n3A : i32
      %select_n3A_139 = arith.select %and3A, %add3A_138, %rem3A : i32
      %eq3A_140 = arith.constant 0 : i32
      %eq3A_141 = arith.cmpi eq, %select_n3A_139, %eq3A_140 : i32
      %convert_element_type3A_142 = arith.extui %eq3A_141 : i1 to i32
      %cond3A_143 = arith.constant 0 : i32
      %cond3A_144 = arith.cmpi ne, %convert_element_type3A_142, %cond3A_143 : i32
      scf.if %cond3A_144 {
        %add3A_166 = arith.constant 1 : i32
        %add3A_167 = arith.addi %scan3A_129, %add3A_166 : i32
        %lt3A_168 = arith.constant 125 : i32
        %lt3A_169 = arith.cmpi slt, %add3A_167, %lt3A_168 : i32
        %convert_element_type3A_170 = arith.extui %lt3A_169 : i1 to i32
        %cond3A_171 = arith.constant 0 : i32
        %cond3A_172 = arith.cmpi ne, %convert_element_type3A_170, %cond3A_171 : i32
        scf.if %cond3A_172 {
          %add3A_176 = arith.constant 1 : i32
          %add3A_177 = arith.addi %scan3A_129, %add3A_176 : i32
          %mul3A_178 = arith.constant 80 : i32
          %mul3A_179 = arith.muli %add3A_177, %mul3A_178 : i32
          %add3A_180 = arith.addi %mul3A_2, %mul3A_179 : i32
          %dma_start3A_181 = arith.constant 0 : i32
          %dma_start3A_182 = tpu.memref_slice %arg2[%add3A_180, %dma_start3A_181] : memref<320000x128xf32, #tpu.memory_space<hbm>> -> memref<80x128xf32, #tpu.memory_space<hbm>>
          %dma_start3A_183 = arith.constant 0 : i32
          %dma_start3A_184 = tpu.memref_slice %arg2[%add3A_180, %dma_start3A_183] : memref<320000x128xf32, #tpu.memory_space<hbm>> -> memref<80x128xf32, #tpu.memory_space<hbm>>
          tpu.enqueue_dma source(%dma_start3A_184 : memref<80x128xf32, #tpu.memory_space<hbm>>) target(%arg8 : memref<80x128xf32, #tpu.memory_space<vmem>>) target_semaphore(%arg12 : memref<!tpu.dma_semaphore, #tpu.memory_space<semaphore_mem>>)
        } else {
        }
        %dma_wait3A = arith.constant 0 : i32
        %dma_wait3A_173 = tpu.memref_slice %arg2[%mul3A_2, %dma_wait3A] : memref<320000x128xf32, #tpu.memory_space<hbm>> -> memref<80x128xf32, #tpu.memory_space<hbm>>
        %dma_wait3A_174 = arith.constant 0 : i32
        %dma_wait3A_175 = tpu.memref_slice %arg2[%mul3A_2, %dma_wait3A_174] : memref<320000x128xf32, #tpu.memory_space<hbm>> -> memref<80x128xf32, #tpu.memory_space<hbm>>
        tpu.wait_dma2 semaphore(%arg11 : memref<!tpu.dma_semaphore, #tpu.memory_space<semaphore_mem>>) src(%dma_wait3A_175 : memref<80x128xf32, #tpu.memory_space<hbm>>) dst(%arg7 : memref<80x128xf32, #tpu.memory_space<vmem>>)
        "tpu.region"() ({
          %run_scoped3A = tpu.sem_alloc : memref<!tpu.dma_semaphore, #tpu.memory_space<semaphore_mem>>
          %dma_start3A_176 = arith.constant 0 : i32
          %dma_start3A_177 = tpu.memref_slice %arg6[%scan3A_129, %dma_start3A_176] : memref<125x80xi32, #tpu.memory_space<vmem>> -> memref<1x80xi32, #tpu.memory_space<vmem>>
          %dma_start3A_178 = tpu.memref_squeeze %dma_start3A_177 : memref<1x80xi32, #tpu.memory_space<vmem>> -> memref<80xi32, #tpu.memory_space<vmem>>
          %dma_start3A_179 = arith.constant 0 : i32
          %dma_start3A_180 = arith.constant 0 : i32
          %dma_start3A_181 = tpu.memref_slice %arg10[%dma_start3A_179, %dma_start3A_180] : memref<10240x128xf32, #tpu.memory_space<vmem_shared>> -> memref<10240x128xf32, #tpu.memory_space<vmem_shared>>
          tpu.enqueue_indirect_dma source(%arg7 : memref<80x128xf32, #tpu.memory_space<vmem>>) target(%dma_start3A_181 : memref<10240x128xf32, #tpu.memory_space<vmem_shared>>) offsets(%dma_start3A_178 : memref<80xi32, #tpu.memory_space<vmem>>) semaphore(%run_scoped3A : memref<!tpu.dma_semaphore, #tpu.memory_space<semaphore_mem>>) {add = true}
          %dma_wait3A_182 = arith.constant 0 : i32
          %dma_wait3A_183 = tpu.memref_slice %arg6[%scan3A_129, %dma_wait3A_182] : memref<125x80xi32, #tpu.memory_space<vmem>> -> memref<1x80xi32, #tpu.memory_space<vmem>>
          %dma_wait3A_184 = tpu.memref_squeeze %dma_wait3A_183 : memref<1x80xi32, #tpu.memory_space<vmem>> -> memref<80xi32, #tpu.memory_space<vmem>>
          %dma_wait3A_185 = arith.constant 0 : i32
          %dma_wait3A_186 = arith.constant 0 : i32
          %dma_wait3A_187 = tpu.memref_slice %arg10[%dma_wait3A_185, %dma_wait3A_186] : memref<10240x128xf32, #tpu.memory_space<vmem_shared>> -> memref<10240x128xf32, #tpu.memory_space<vmem_shared>>
          tpu.wait_indirect_dma semaphore(%run_scoped3A : memref<!tpu.dma_semaphore, #tpu.memory_space<semaphore_mem>>) src(%arg7 : memref<80x128xf32, #tpu.memory_space<vmem>>) dst(%dma_wait3A_187 : memref<10240x128xf32, #tpu.memory_space<vmem_shared>>)
          tpu.yield
        }) : () -> ()
      } else {
      }
      %jit3A_145 = arith.constant 2 : i32
      %eq3A_146 = arith.constant 0 : i32
      %eq3A_147 = arith.cmpi eq, %jit3A_145, %eq3A_146 : i32
      %jit3A_148 = arith.constant 1 : i32
      %select_n3A_149 = arith.select %eq3A_147, %jit3A_148, %jit3A_145 : i32
      %rem3A_150 = arith.remsi %scan3A_129, %select_n3A_149 : i32
      %ne3A_151 = arith.constant 0 : i32
      %ne3A_152 = arith.cmpi ne, %rem3A_150, %ne3A_151 : i32
      %lt3A_153 = arith.constant 0 : i32
      %lt3A_154 = arith.cmpi slt, %rem3A_150, %lt3A_153 : i32
      %lt3A_155 = arith.constant 0 : i32
      %lt3A_156 = arith.cmpi slt, %select_n3A_149, %lt3A_155 : i32
      %ne3A_157 = arith.xori %lt3A_154, %lt3A_156 : i1
      %and3A_158 = arith.andi %ne3A_157, %ne3A_152 : i1
      %add3A_159 = arith.addi %rem3A_150, %select_n3A_149 : i32
      %select_n3A_160 = arith.select %and3A_158, %add3A_159, %rem3A_150 : i32
      %eq3A_161 = arith.constant 1 : i32
      %eq3A_162 = arith.cmpi eq, %select_n3A_160, %eq3A_161 : i32
      %convert_element_type3A_163 = arith.extui %eq3A_162 : i1 to i32
      %cond3A_164 = arith.constant 0 : i32
      %cond3A_165 = arith.cmpi ne, %convert_element_type3A_163, %cond3A_164 : i32
      scf.if %cond3A_165 {
        %add3A_166 = arith.constant 1 : i32
        %add3A_167 = arith.addi %scan3A_129, %add3A_166 : i32
        %lt3A_168 = arith.constant 125 : i32
        %lt3A_169 = arith.cmpi slt, %add3A_167, %lt3A_168 : i32
        %convert_element_type3A_170 = arith.extui %lt3A_169 : i1 to i32
        %cond3A_171 = arith.constant 0 : i32
        %cond3A_172 = arith.cmpi ne, %convert_element_type3A_170, %cond3A_171 : i32
        scf.if %cond3A_172 {
          %add3A_176 = arith.constant 1 : i32
          %add3A_177 = arith.addi %scan3A_129, %add3A_176 : i32
          %mul3A_178 = arith.constant 80 : i32
          %mul3A_179 = arith.muli %add3A_177, %mul3A_178 : i32
          %add3A_180 = arith.addi %mul3A_2, %mul3A_179 : i32
          %dma_start3A_181 = arith.constant 0 : i32
          %dma_start3A_182 = tpu.memref_slice %arg2[%add3A_180, %dma_start3A_181] : memref<320000x128xf32, #tpu.memory_space<hbm>> -> memref<80x128xf32, #tpu.memory_space<hbm>>
          %dma_start3A_183 = arith.constant 0 : i32
          %dma_start3A_184 = tpu.memref_slice %arg2[%add3A_180, %dma_start3A_183] : memref<320000x128xf32, #tpu.memory_space<hbm>> -> memref<80x128xf32, #tpu.memory_space<hbm>>
          tpu.enqueue_dma source(%dma_start3A_184 : memref<80x128xf32, #tpu.memory_space<hbm>>) target(%arg7 : memref<80x128xf32, #tpu.memory_space<vmem>>) target_semaphore(%arg11 : memref<!tpu.dma_semaphore, #tpu.memory_space<semaphore_mem>>)
        } else {
        }
        %dma_wait3A = arith.constant 0 : i32
        %dma_wait3A_173 = tpu.memref_slice %arg2[%mul3A_2, %dma_wait3A] : memref<320000x128xf32, #tpu.memory_space<hbm>> -> memref<80x128xf32, #tpu.memory_space<hbm>>
        %dma_wait3A_174 = arith.constant 0 : i32
        %dma_wait3A_175 = tpu.memref_slice %arg2[%mul3A_2, %dma_wait3A_174] : memref<320000x128xf32, #tpu.memory_space<hbm>> -> memref<80x128xf32, #tpu.memory_space<hbm>>
        tpu.wait_dma2 semaphore(%arg12 : memref<!tpu.dma_semaphore, #tpu.memory_space<semaphore_mem>>) src(%dma_wait3A_175 : memref<80x128xf32, #tpu.memory_space<hbm>>) dst(%arg8 : memref<80x128xf32, #tpu.memory_space<vmem>>)
        "tpu.region"() ({
          %run_scoped3A = tpu.sem_alloc : memref<!tpu.dma_semaphore, #tpu.memory_space<semaphore_mem>>
          %dma_start3A_176 = arith.constant 0 : i32
          %dma_start3A_177 = tpu.memref_slice %arg6[%scan3A_129, %dma_start3A_176] : memref<125x80xi32, #tpu.memory_space<vmem>> -> memref<1x80xi32, #tpu.memory_space<vmem>>
          %dma_start3A_178 = tpu.memref_squeeze %dma_start3A_177 : memref<1x80xi32, #tpu.memory_space<vmem>> -> memref<80xi32, #tpu.memory_space<vmem>>
          %dma_start3A_179 = arith.constant 0 : i32
          %dma_start3A_180 = arith.constant 0 : i32
          %dma_start3A_181 = tpu.memref_slice %arg10[%dma_start3A_179, %dma_start3A_180] : memref<10240x128xf32, #tpu.memory_space<vmem_shared>> -> memref<10240x128xf32, #tpu.memory_space<vmem_shared>>
          tpu.enqueue_indirect_dma source(%arg8 : memref<80x128xf32, #tpu.memory_space<vmem>>) target(%dma_start3A_181 : memref<10240x128xf32, #tpu.memory_space<vmem_shared>>) offsets(%dma_start3A_178 : memref<80xi32, #tpu.memory_space<vmem>>) semaphore(%run_scoped3A : memref<!tpu.dma_semaphore, #tpu.memory_space<semaphore_mem>>) {add = true}
          %dma_wait3A_182 = arith.constant 0 : i32
          %dma_wait3A_183 = tpu.memref_slice %arg6[%scan3A_129, %dma_wait3A_182] : memref<125x80xi32, #tpu.memory_space<vmem>> -> memref<1x80xi32, #tpu.memory_space<vmem>>
          %dma_wait3A_184 = tpu.memref_squeeze %dma_wait3A_183 : memref<1x80xi32, #tpu.memory_space<vmem>> -> memref<80xi32, #tpu.memory_space<vmem>>
          %dma_wait3A_185 = arith.constant 0 : i32
          %dma_wait3A_186 = arith.constant 0 : i32
          %dma_wait3A_187 = tpu.memref_slice %arg10[%dma_wait3A_185, %dma_wait3A_186] : memref<10240x128xf32, #tpu.memory_space<vmem_shared>> -> memref<10240x128xf32, #tpu.memory_space<vmem_shared>>
          tpu.wait_indirect_dma semaphore(%run_scoped3A : memref<!tpu.dma_semaphore, #tpu.memory_space<semaphore_mem>>) src(%arg8 : memref<80x128xf32, #tpu.memory_space<vmem>>) dst(%dma_wait3A_187 : memref<10240x128xf32, #tpu.memory_space<vmem_shared>>)
          tpu.yield
        }) : () -> ()
      } else {
      }
    }
    %scan3A_34 = arith.constant 125 : i32
    %barrier3A_35 = arith.constant 0 : index
    tpu.barrier barrier_id(%barrier3A_35)
    %add3A_36 = arith.constant 0 : i32
    %add3A_37 = arith.addi %mul3A_4, %add3A_36 : i32
    "tpu.region"() ({
      %run_scoped3A = tpu.sem_alloc : memref<!tpu.dma_semaphore, #tpu.memory_space<semaphore_mem>>
      %dma_start3A_129 = arith.constant 0 : i32
      %dma_start3A_130 = tpu.memref_slice %arg10[%add3A_37, %dma_start3A_129] : memref<10240x128xf32, #tpu.memory_space<vmem_shared>> -> memref<80x128xf32, #tpu.memory_space<vmem_shared>>
      %dma_start3A_131 = arith.constant 0 : i32
      %dma_start3A_132 = tpu.memref_slice %arg10[%add3A_37, %dma_start3A_131] : memref<10240x128xf32, #tpu.memory_space<vmem_shared>> -> memref<80x128xf32, #tpu.memory_space<vmem_shared>>
      tpu.enqueue_dma source(%dma_start3A_132 : memref<80x128xf32, #tpu.memory_space<vmem_shared>>) target(%arg9 : memref<80x128xf32, #tpu.memory_space<vmem>>) target_semaphore(%run_scoped3A : memref<!tpu.dma_semaphore, #tpu.memory_space<semaphore_mem>>)
      %dma_wait3A = arith.constant 0 : i32
      %dma_wait3A_133 = tpu.memref_slice %arg10[%add3A_37, %dma_wait3A] : memref<10240x128xf32, #tpu.memory_space<vmem_shared>> -> memref<80x128xf32, #tpu.memory_space<vmem_shared>>
      %dma_wait3A_134 = arith.constant 0 : i32
      %dma_wait3A_135 = tpu.memref_slice %arg10[%add3A_37, %dma_wait3A_134] : memref<10240x128xf32, #tpu.memory_space<vmem_shared>> -> memref<80x128xf32, #tpu.memory_space<vmem_shared>>
      tpu.wait_dma2 semaphore(%run_scoped3A : memref<!tpu.dma_semaphore, #tpu.memory_space<semaphore_mem>>) src(%dma_wait3A_135 : memref<80x128xf32, #tpu.memory_space<vmem_shared>>) dst(%arg9 : memref<80x128xf32, #tpu.memory_space<vmem>>)
      tpu.yield
    }) : () -> ()
    %eq3A = arith.constant 0 : i32
    %eq3A_38 = arith.cmpi eq, %arg0, %eq3A : i32
    %convert_element_type3A = arith.extui %eq3A_38 : i1 to i32
    %cond3A = arith.constant 0 : i32
    %cond3A_39 = arith.cmpi ne, %convert_element_type3A, %cond3A : i32
    scf.if %cond3A_39 {
      %add3A_129 = arith.constant 0 : i32
      %add3A_130 = arith.addi %mul3A_4, %add3A_129 : i32
      "tpu.region"() ({
        %run_scoped3A = tpu.sem_alloc : memref<!tpu.dma_semaphore, #tpu.memory_space<semaphore_mem>>
        %dma_start3A_131 = arith.constant 0 : i32
        %dma_start3A_132 = tpu.memref_slice %arg4[%add3A_130, %dma_start3A_131] : memref<10240x128xf32, #tpu.memory_space<hbm>> -> memref<80x128xf32, #tpu.memory_space<hbm>>
        %dma_start3A_133 = arith.constant 0 : i32
        %dma_start3A_134 = tpu.memref_slice %arg4[%add3A_130, %dma_start3A_133] : memref<10240x128xf32, #tpu.memory_space<hbm>> -> memref<80x128xf32, #tpu.memory_space<hbm>>
        tpu.enqueue_dma source(%arg9 : memref<80x128xf32, #tpu.memory_space<vmem>>) target(%dma_start3A_134 : memref<80x128xf32, #tpu.memory_space<hbm>>) target_semaphore(%run_scoped3A : memref<!tpu.dma_semaphore, #tpu.memory_space<semaphore_mem>>)
        %dma_wait3A = arith.constant 0 : i32
        %dma_wait3A_135 = tpu.memref_slice %arg4[%add3A_130, %dma_wait3A] : memref<10240x128xf32, #tpu.memory_space<hbm>> -> memref<80x128xf32, #tpu.memory_space<hbm>>
        %dma_wait3A_136 = arith.constant 0 : i32
        %dma_wait3A_137 = tpu.memref_slice %arg4[%add3A_130, %dma_wait3A_136] : memref<10240x128xf32, #tpu.memory_space<hbm>> -> memref<80x128xf32, #tpu.memory_space<hbm>>
        tpu.wait_dma2 semaphore(%run_scoped3A : memref<!tpu.dma_semaphore, #tpu.memory_space<semaphore_mem>>) src(%arg9 : memref<80x128xf32, #tpu.memory_space<vmem>>) dst(%dma_wait3A_137 : memref<80x128xf32, #tpu.memory_space<hbm>>)
        tpu.yield
      }) : () -> ()
    } else {
    }
    %eq3A_40 = arith.constant 1 : i32
    %eq3A_41 = arith.cmpi eq, %arg0, %eq3A_40 : i32
    %convert_element_type3A_42 = arith.extui %eq3A_41 : i1 to i32
    %cond3A_43 = arith.constant 0 : i32
    %cond3A_44 = arith.cmpi ne, %convert_element_type3A_42, %cond3A_43 : i32
    scf.if %cond3A_44 {
      %add3A_129 = arith.constant 0 : i32
      %add3A_130 = arith.addi %mul3A_4, %add3A_129 : i32
      "tpu.region"() ({
        %run_scoped3A = tpu.sem_alloc : memref<!tpu.dma_semaphore, #tpu.memory_space<semaphore_mem>>
        %dma_start3A_131 = arith.constant 0 : i32
        %dma_start3A_132 = tpu.memref_slice %arg5[%add3A_130, %dma_start3A_131] : memref<10240x128xf32, #tpu.memory_space<hbm>> -> memref<80x128xf32, #tpu.memory_space<hbm>>
        %dma_start3A_133 = arith.constant 0 : i32
        %dma_start3A_134 = tpu.memref_slice %arg5[%add3A_130, %dma_start3A_133] : memref<10240x128xf32, #tpu.memory_space<hbm>> -> memref<80x128xf32, #tpu.memory_space<hbm>>
        tpu.enqueue_dma source(%arg9 : memref<80x128xf32, #tpu.memory_space<vmem>>) target(%dma_start3A_134 : memref<80x128xf32, #tpu.memory_space<hbm>>) target_semaphore(%run_scoped3A : memref<!tpu.dma_semaphore, #tpu.memory_space<semaphore_mem>>)
        %dma_wait3A = arith.constant 0 : i32
        %dma_wait3A_135 = tpu.memref_slice %arg5[%add3A_130, %dma_wait3A] : memref<10240x128xf32, #tpu.memory_space<hbm>> -> memref<80x128xf32, #tpu.memory_space<hbm>>
        %dma_wait3A_136 = arith.constant 0 : i32
        %dma_wait3A_137 = tpu.memref_slice %arg5[%add3A_130, %dma_wait3A_136] : memref<10240x128xf32, #tpu.memory_space<hbm>> -> memref<80x128xf32, #tpu.memory_space<hbm>>
        tpu.wait_dma2 semaphore(%run_scoped3A : memref<!tpu.dma_semaphore, #tpu.memory_space<semaphore_mem>>) src(%arg9 : memref<80x128xf32, #tpu.memory_space<vmem>>) dst(%dma_wait3A_137 : memref<80x128xf32, #tpu.memory_space<hbm>>)
        tpu.yield
      }) : () -> ()
    } else {
    }
    %add3A_45 = arith.constant 80 : i32
    %add3A_46 = arith.addi %mul3A_4, %add3A_45 : i32
    "tpu.region"() ({
      %run_scoped3A = tpu.sem_alloc : memref<!tpu.dma_semaphore, #tpu.memory_space<semaphore_mem>>
      %dma_start3A_129 = arith.constant 0 : i32
      %dma_start3A_130 = tpu.memref_slice %arg10[%add3A_46, %dma_start3A_129] : memref<10240x128xf32, #tpu.memory_space<vmem_shared>> -> memref<80x128xf32, #tpu.memory_space<vmem_shared>>
      %dma_start3A_131 = arith.constant 0 : i32
      %dma_start3A_132 = tpu.memref_slice %arg10[%add3A_46, %dma_start3A_131] : memref<10240x128xf32, #tpu.memory_space<vmem_shared>> -> memref<80x128xf32, #tpu.memory_space<vmem_shared>>
      tpu.enqueue_dma source(%dma_start3A_132 : memref<80x128xf32, #tpu.memory_space<vmem_shared>>) target(%arg9 : memref<80x128xf32, #tpu.memory_space<vmem>>) target_semaphore(%run_scoped3A : memref<!tpu.dma_semaphore, #tpu.memory_space<semaphore_mem>>)
      %dma_wait3A = arith.constant 0 : i32
      %dma_wait3A_133 = tpu.memref_slice %arg10[%add3A_46, %dma_wait3A] : memref<10240x128xf32, #tpu.memory_space<vmem_shared>> -> memref<80x128xf32, #tpu.memory_space<vmem_shared>>
      %dma_wait3A_134 = arith.constant 0 : i32
      %dma_wait3A_135 = tpu.memref_slice %arg10[%add3A_46, %dma_wait3A_134] : memref<10240x128xf32, #tpu.memory_space<vmem_shared>> -> memref<80x128xf32, #tpu.memory_space<vmem_shared>>
      tpu.wait_dma2 semaphore(%run_scoped3A : memref<!tpu.dma_semaphore, #tpu.memory_space<semaphore_mem>>) src(%dma_wait3A_135 : memref<80x128xf32, #tpu.memory_space<vmem_shared>>) dst(%arg9 : memref<80x128xf32, #tpu.memory_space<vmem>>)
      tpu.yield
    }) : () -> ()
    %eq3A_47 = arith.constant 0 : i32
    %eq3A_48 = arith.cmpi eq, %arg0, %eq3A_47 : i32
    %convert_element_type3A_49 = arith.extui %eq3A_48 : i1 to i32
    %cond3A_50 = arith.constant 0 : i32
    %cond3A_51 = arith.cmpi ne, %convert_element_type3A_49, %cond3A_50 : i32
    scf.if %cond3A_51 {
      %add3A_129 = arith.constant 80 : i32
      %add3A_130 = arith.addi %mul3A_4, %add3A_129 : i32
      "tpu.region"() ({
        %run_scoped3A = tpu.sem_alloc : memref<!tpu.dma_semaphore, #tpu.memory_space<semaphore_mem>>
        %dma_start3A_131 = arith.constant 0 : i32
        %dma_start3A_132 = tpu.memref_slice %arg4[%add3A_130, %dma_start3A_131] : memref<10240x128xf32, #tpu.memory_space<hbm>> -> memref<80x128xf32, #tpu.memory_space<hbm>>
        %dma_start3A_133 = arith.constant 0 : i32
        %dma_start3A_134 = tpu.memref_slice %arg4[%add3A_130, %dma_start3A_133] : memref<10240x128xf32, #tpu.memory_space<hbm>> -> memref<80x128xf32, #tpu.memory_space<hbm>>
        tpu.enqueue_dma source(%arg9 : memref<80x128xf32, #tpu.memory_space<vmem>>) target(%dma_start3A_134 : memref<80x128xf32, #tpu.memory_space<hbm>>) target_semaphore(%run_scoped3A : memref<!tpu.dma_semaphore, #tpu.memory_space<semaphore_mem>>)
        %dma_wait3A = arith.constant 0 : i32
        %dma_wait3A_135 = tpu.memref_slice %arg4[%add3A_130, %dma_wait3A] : memref<10240x128xf32, #tpu.memory_space<hbm>> -> memref<80x128xf32, #tpu.memory_space<hbm>>
        %dma_wait3A_136 = arith.constant 0 : i32
        %dma_wait3A_137 = tpu.memref_slice %arg4[%add3A_130, %dma_wait3A_136] : memref<10240x128xf32, #tpu.memory_space<hbm>> -> memref<80x128xf32, #tpu.memory_space<hbm>>
        tpu.wait_dma2 semaphore(%run_scoped3A : memref<!tpu.dma_semaphore, #tpu.memory_space<semaphore_mem>>) src(%arg9 : memref<80x128xf32, #tpu.memory_space<vmem>>) dst(%dma_wait3A_137 : memref<80x128xf32, #tpu.memory_space<hbm>>)
        tpu.yield
      }) : () -> ()
    } else {
    }
    %eq3A_52 = arith.constant 1 : i32
    %eq3A_53 = arith.cmpi eq, %arg0, %eq3A_52 : i32
    %convert_element_type3A_54 = arith.extui %eq3A_53 : i1 to i32
    %cond3A_55 = arith.constant 0 : i32
    %cond3A_56 = arith.cmpi ne, %convert_element_type3A_54, %cond3A_55 : i32
    scf.if %cond3A_56 {
      %add3A_129 = arith.constant 80 : i32
      %add3A_130 = arith.addi %mul3A_4, %add3A_129 : i32
      "tpu.region"() ({
        %run_scoped3A = tpu.sem_alloc : memref<!tpu.dma_semaphore, #tpu.memory_space<semaphore_mem>>
        %dma_start3A_131 = arith.constant 0 : i32
        %dma_start3A_132 = tpu.memref_slice %arg5[%add3A_130, %dma_start3A_131] : memref<10240x128xf32, #tpu.memory_space<hbm>> -> memref<80x128xf32, #tpu.memory_space<hbm>>
        %dma_start3A_133 = arith.constant 0 : i32
        %dma_start3A_134 = tpu.memref_slice %arg5[%add3A_130, %dma_start3A_133] : memref<10240x128xf32, #tpu.memory_space<hbm>> -> memref<80x128xf32, #tpu.memory_space<hbm>>
        tpu.enqueue_dma source(%arg9 : memref<80x128xf32, #tpu.memory_space<vmem>>) target(%dma_start3A_134 : memref<80x128xf32, #tpu.memory_space<hbm>>) target_semaphore(%run_scoped3A : memref<!tpu.dma_semaphore, #tpu.memory_space<semaphore_mem>>)
        %dma_wait3A = arith.constant 0 : i32
        %dma_wait3A_135 = tpu.memref_slice %arg5[%add3A_130, %dma_wait3A] : memref<10240x128xf32, #tpu.memory_space<hbm>> -> memref<80x128xf32, #tpu.memory_space<hbm>>
        %dma_wait3A_136 = arith.constant 0 : i32
        %dma_wait3A_137 = tpu.memref_slice %arg5[%add3A_130, %dma_wait3A_136] : memref<10240x128xf32, #tpu.memory_space<hbm>> -> memref<80x128xf32, #tpu.memory_space<hbm>>
        tpu.wait_dma2 semaphore(%run_scoped3A : memref<!tpu.dma_semaphore, #tpu.memory_space<semaphore_mem>>) src(%arg9 : memref<80x128xf32, #tpu.memory_space<vmem>>) dst(%dma_wait3A_137 : memref<80x128xf32, #tpu.memory_space<hbm>>)
        tpu.yield
      }) : () -> ()
    } else {
    }
    %add3A_57 = arith.constant 160 : i32
    %add3A_58 = arith.addi %mul3A_4, %add3A_57 : i32
    "tpu.region"() ({
      %run_scoped3A = tpu.sem_alloc : memref<!tpu.dma_semaphore, #tpu.memory_space<semaphore_mem>>
      %dma_start3A_129 = arith.constant 0 : i32
      %dma_start3A_130 = tpu.memref_slice %arg10[%add3A_58, %dma_start3A_129] : memref<10240x128xf32, #tpu.memory_space<vmem_shared>> -> memref<80x128xf32, #tpu.memory_space<vmem_shared>>
      %dma_start3A_131 = arith.constant 0 : i32
      %dma_start3A_132 = tpu.memref_slice %arg10[%add3A_58, %dma_start3A_131] : memref<10240x128xf32, #tpu.memory_space<vmem_shared>> -> memref<80x128xf32, #tpu.memory_space<vmem_shared>>
      tpu.enqueue_dma source(%dma_start3A_132 : memref<80x128xf32, #tpu.memory_space<vmem_shared>>) target(%arg9 : memref<80x128xf32, #tpu.memory_space<vmem>>) target_semaphore(%run_scoped3A : memref<!tpu.dma_semaphore, #tpu.memory_space<semaphore_mem>>)
      %dma_wait3A = arith.constant 0 : i32
      %dma_wait3A_133 = tpu.memref_slice %arg10[%add3A_58, %dma_wait3A] : memref<10240x128xf32, #tpu.memory_space<vmem_shared>> -> memref<80x128xf32, #tpu.memory_space<vmem_shared>>
      %dma_wait3A_134 = arith.constant 0 : i32
      %dma_wait3A_135 = tpu.memref_slice %arg10[%add3A_58, %dma_wait3A_134] : memref<10240x128xf32, #tpu.memory_space<vmem_shared>> -> memref<80x128xf32, #tpu.memory_space<vmem_shared>>
      tpu.wait_dma2 semaphore(%run_scoped3A : memref<!tpu.dma_semaphore, #tpu.memory_space<semaphore_mem>>) src(%dma_wait3A_135 : memref<80x128xf32, #tpu.memory_space<vmem_shared>>) dst(%arg9 : memref<80x128xf32, #tpu.memory_space<vmem>>)
      tpu.yield
    }) : () -> ()
    %eq3A_59 = arith.constant 0 : i32
    %eq3A_60 = arith.cmpi eq, %arg0, %eq3A_59 : i32
    %convert_element_type3A_61 = arith.extui %eq3A_60 : i1 to i32
    %cond3A_62 = arith.constant 0 : i32
    %cond3A_63 = arith.cmpi ne, %convert_element_type3A_61, %cond3A_62 : i32
    scf.if %cond3A_63 {
      %add3A_129 = arith.constant 160 : i32
      %add3A_130 = arith.addi %mul3A_4, %add3A_129 : i32
      "tpu.region"() ({
        %run_scoped3A = tpu.sem_alloc : memref<!tpu.dma_semaphore, #tpu.memory_space<semaphore_mem>>
        %dma_start3A_131 = arith.constant 0 : i32
        %dma_start3A_132 = tpu.memref_slice %arg4[%add3A_130, %dma_start3A_131] : memref<10240x128xf32, #tpu.memory_space<hbm>> -> memref<80x128xf32, #tpu.memory_space<hbm>>
        %dma_start3A_133 = arith.constant 0 : i32
        %dma_start3A_134 = tpu.memref_slice %arg4[%add3A_130, %dma_start3A_133] : memref<10240x128xf32, #tpu.memory_space<hbm>> -> memref<80x128xf32, #tpu.memory_space<hbm>>
        tpu.enqueue_dma source(%arg9 : memref<80x128xf32, #tpu.memory_space<vmem>>) target(%dma_start3A_134 : memref<80x128xf32, #tpu.memory_space<hbm>>) target_semaphore(%run_scoped3A : memref<!tpu.dma_semaphore, #tpu.memory_space<semaphore_mem>>)
        %dma_wait3A = arith.constant 0 : i32
        %dma_wait3A_135 = tpu.memref_slice %arg4[%add3A_130, %dma_wait3A] : memref<10240x128xf32, #tpu.memory_space<hbm>> -> memref<80x128xf32, #tpu.memory_space<hbm>>
        %dma_wait3A_136 = arith.constant 0 : i32
        %dma_wait3A_137 = tpu.memref_slice %arg4[%add3A_130, %dma_wait3A_136] : memref<10240x128xf32, #tpu.memory_space<hbm>> -> memref<80x128xf32, #tpu.memory_space<hbm>>
        tpu.wait_dma2 semaphore(%run_scoped3A : memref<!tpu.dma_semaphore, #tpu.memory_space<semaphore_mem>>) src(%arg9 : memref<80x128xf32, #tpu.memory_space<vmem>>) dst(%dma_wait3A_137 : memref<80x128xf32, #tpu.memory_space<hbm>>)
        tpu.yield
      }) : () -> ()
    } else {
    }
    %eq3A_64 = arith.constant 1 : i32
    %eq3A_65 = arith.cmpi eq, %arg0, %eq3A_64 : i32
    %convert_element_type3A_66 = arith.extui %eq3A_65 : i1 to i32
    %cond3A_67 = arith.constant 0 : i32
    %cond3A_68 = arith.cmpi ne, %convert_element_type3A_66, %cond3A_67 : i32
    scf.if %cond3A_68 {
      %add3A_129 = arith.constant 160 : i32
      %add3A_130 = arith.addi %mul3A_4, %add3A_129 : i32
      "tpu.region"() ({
        %run_scoped3A = tpu.sem_alloc : memref<!tpu.dma_semaphore, #tpu.memory_space<semaphore_mem>>
        %dma_start3A_131 = arith.constant 0 : i32
        %dma_start3A_132 = tpu.memref_slice %arg5[%add3A_130, %dma_start3A_131] : memref<10240x128xf32, #tpu.memory_space<hbm>> -> memref<80x128xf32, #tpu.memory_space<hbm>>
        %dma_start3A_133 = arith.constant 0 : i32
        %dma_start3A_134 = tpu.memref_slice %arg5[%add3A_130, %dma_start3A_133] : memref<10240x128xf32, #tpu.memory_space<hbm>> -> memref<80x128xf32, #tpu.memory_space<hbm>>
        tpu.enqueue_dma source(%arg9 : memref<80x128xf32, #tpu.memory_space<vmem>>) target(%dma_start3A_134 : memref<80x128xf32, #tpu.memory_space<hbm>>) target_semaphore(%run_scoped3A : memref<!tpu.dma_semaphore, #tpu.memory_space<semaphore_mem>>)
        %dma_wait3A = arith.constant 0 : i32
        %dma_wait3A_135 = tpu.memref_slice %arg5[%add3A_130, %dma_wait3A] : memref<10240x128xf32, #tpu.memory_space<hbm>> -> memref<80x128xf32, #tpu.memory_space<hbm>>
        %dma_wait3A_136 = arith.constant 0 : i32
        %dma_wait3A_137 = tpu.memref_slice %arg5[%add3A_130, %dma_wait3A_136] : memref<10240x128xf32, #tpu.memory_space<hbm>> -> memref<80x128xf32, #tpu.memory_space<hbm>>
        tpu.wait_dma2 semaphore(%run_scoped3A : memref<!tpu.dma_semaphore, #tpu.memory_space<semaphore_mem>>) src(%arg9 : memref<80x128xf32, #tpu.memory_space<vmem>>) dst(%dma_wait3A_137 : memref<80x128xf32, #tpu.memory_space<hbm>>)
        tpu.yield
      }) : () -> ()
    } else {
    }
    %add3A_69 = arith.constant 240 : i32
    %add3A_70 = arith.addi %mul3A_4, %add3A_69 : i32
    "tpu.region"() ({
      %run_scoped3A = tpu.sem_alloc : memref<!tpu.dma_semaphore, #tpu.memory_space<semaphore_mem>>
      %dma_start3A_129 = arith.constant 0 : i32
      %dma_start3A_130 = tpu.memref_slice %arg10[%add3A_70, %dma_start3A_129] : memref<10240x128xf32, #tpu.memory_space<vmem_shared>> -> memref<80x128xf32, #tpu.memory_space<vmem_shared>>
      %dma_start3A_131 = arith.constant 0 : i32
      %dma_start3A_132 = tpu.memref_slice %arg10[%add3A_70, %dma_start3A_131] : memref<10240x128xf32, #tpu.memory_space<vmem_shared>> -> memref<80x128xf32, #tpu.memory_space<vmem_shared>>
      tpu.enqueue_dma source(%dma_start3A_132 : memref<80x128xf32, #tpu.memory_space<vmem_shared>>) target(%arg9 : memref<80x128xf32, #tpu.memory_space<vmem>>) target_semaphore(%run_scoped3A : memref<!tpu.dma_semaphore, #tpu.memory_space<semaphore_mem>>)
      %dma_wait3A = arith.constant 0 : i32
      %dma_wait3A_133 = tpu.memref_slice %arg10[%add3A_70, %dma_wait3A] : memref<10240x128xf32, #tpu.memory_space<vmem_shared>> -> memref<80x128xf32, #tpu.memory_space<vmem_shared>>
      %dma_wait3A_134 = arith.constant 0 : i32
      %dma_wait3A_135 = tpu.memref_slice %arg10[%add3A_70, %dma_wait3A_134] : memref<10240x128xf32, #tpu.memory_space<vmem_shared>> -> memref<80x128xf32, #tpu.memory_space<vmem_shared>>
      tpu.wait_dma2 semaphore(%run_scoped3A : memref<!tpu.dma_semaphore, #tpu.memory_space<semaphore_mem>>) src(%dma_wait3A_135 : memref<80x128xf32, #tpu.memory_space<vmem_shared>>) dst(%arg9 : memref<80x128xf32, #tpu.memory_space<vmem>>)
      tpu.yield
    }) : () -> ()
    %eq3A_71 = arith.constant 0 : i32
    %eq3A_72 = arith.cmpi eq, %arg0, %eq3A_71 : i32
    %convert_element_type3A_73 = arith.extui %eq3A_72 : i1 to i32
    %cond3A_74 = arith.constant 0 : i32
    %cond3A_75 = arith.cmpi ne, %convert_element_type3A_73, %cond3A_74 : i32
    scf.if %cond3A_75 {
      %add3A_129 = arith.constant 240 : i32
      %add3A_130 = arith.addi %mul3A_4, %add3A_129 : i32
      "tpu.region"() ({
        %run_scoped3A = tpu.sem_alloc : memref<!tpu.dma_semaphore, #tpu.memory_space<semaphore_mem>>
        %dma_start3A_131 = arith.constant 0 : i32
        %dma_start3A_132 = tpu.memref_slice %arg4[%add3A_130, %dma_start3A_131] : memref<10240x128xf32, #tpu.memory_space<hbm>> -> memref<80x128xf32, #tpu.memory_space<hbm>>
        %dma_start3A_133 = arith.constant 0 : i32
        %dma_start3A_134 = tpu.memref_slice %arg4[%add3A_130, %dma_start3A_133] : memref<10240x128xf32, #tpu.memory_space<hbm>> -> memref<80x128xf32, #tpu.memory_space<hbm>>
        tpu.enqueue_dma source(%arg9 : memref<80x128xf32, #tpu.memory_space<vmem>>) target(%dma_start3A_134 : memref<80x128xf32, #tpu.memory_space<hbm>>) target_semaphore(%run_scoped3A : memref<!tpu.dma_semaphore, #tpu.memory_space<semaphore_mem>>)
        %dma_wait3A = arith.constant 0 : i32
        %dma_wait3A_135 = tpu.memref_slice %arg4[%add3A_130, %dma_wait3A] : memref<10240x128xf32, #tpu.memory_space<hbm>> -> memref<80x128xf32, #tpu.memory_space<hbm>>
        %dma_wait3A_136 = arith.constant 0 : i32
        %dma_wait3A_137 = tpu.memref_slice %arg4[%add3A_130, %dma_wait3A_136] : memref<10240x128xf32, #tpu.memory_space<hbm>> -> memref<80x128xf32, #tpu.memory_space<hbm>>
        tpu.wait_dma2 semaphore(%run_scoped3A : memref<!tpu.dma_semaphore, #tpu.memory_space<semaphore_mem>>) src(%arg9 : memref<80x128xf32, #tpu.memory_space<vmem>>) dst(%dma_wait3A_137 : memref<80x128xf32, #tpu.memory_space<hbm>>)
        tpu.yield
      }) : () -> ()
    } else {
    }
    %eq3A_76 = arith.constant 1 : i32
    %eq3A_77 = arith.cmpi eq, %arg0, %eq3A_76 : i32
    %convert_element_type3A_78 = arith.extui %eq3A_77 : i1 to i32
    %cond3A_79 = arith.constant 0 : i32
    %cond3A_80 = arith.cmpi ne, %convert_element_type3A_78, %cond3A_79 : i32
    scf.if %cond3A_80 {
      %add3A_129 = arith.constant 240 : i32
      %add3A_130 = arith.addi %mul3A_4, %add3A_129 : i32
      "tpu.region"() ({
        %run_scoped3A = tpu.sem_alloc : memref<!tpu.dma_semaphore, #tpu.memory_space<semaphore_mem>>
        %dma_start3A_131 = arith.constant 0 : i32
        %dma_start3A_132 = tpu.memref_slice %arg5[%add3A_130, %dma_start3A_131] : memref<10240x128xf32, #tpu.memory_space<hbm>> -> memref<80x128xf32, #tpu.memory_space<hbm>>
        %dma_start3A_133 = arith.constant 0 : i32
        %dma_start3A_134 = tpu.memref_slice %arg5[%add3A_130, %dma_start3A_133] : memref<10240x128xf32, #tpu.memory_space<hbm>> -> memref<80x128xf32, #tpu.memory_space<hbm>>
        tpu.enqueue_dma source(%arg9 : memref<80x128xf32, #tpu.memory_space<vmem>>) target(%dma_start3A_134 : memref<80x128xf32, #tpu.memory_space<hbm>>) target_semaphore(%run_scoped3A : memref<!tpu.dma_semaphore, #tpu.memory_space<semaphore_mem>>)
        %dma_wait3A = arith.constant 0 : i32
        %dma_wait3A_135 = tpu.memref_slice %arg5[%add3A_130, %dma_wait3A] : memref<10240x128xf32, #tpu.memory_space<hbm>> -> memref<80x128xf32, #tpu.memory_space<hbm>>
        %dma_wait3A_136 = arith.constant 0 : i32
        %dma_wait3A_137 = tpu.memref_slice %arg5[%add3A_130, %dma_wait3A_136] : memref<10240x128xf32, #tpu.memory_space<hbm>> -> memref<80x128xf32, #tpu.memory_space<hbm>>
        tpu.wait_dma2 semaphore(%run_scoped3A : memref<!tpu.dma_semaphore, #tpu.memory_space<semaphore_mem>>) src(%arg9 : memref<80x128xf32, #tpu.memory_space<vmem>>) dst(%dma_wait3A_137 : memref<80x128xf32, #tpu.memory_space<hbm>>)
        tpu.yield
      }) : () -> ()
    } else {
    }
    %add3A_81 = arith.constant 320 : i32
    %add3A_82 = arith.addi %mul3A_4, %add3A_81 : i32
    "tpu.region"() ({
      %run_scoped3A = tpu.sem_alloc : memref<!tpu.dma_semaphore, #tpu.memory_space<semaphore_mem>>
      %dma_start3A_129 = arith.constant 0 : i32
      %dma_start3A_130 = tpu.memref_slice %arg10[%add3A_82, %dma_start3A_129] : memref<10240x128xf32, #tpu.memory_space<vmem_shared>> -> memref<80x128xf32, #tpu.memory_space<vmem_shared>>
      %dma_start3A_131 = arith.constant 0 : i32
      %dma_start3A_132 = tpu.memref_slice %arg10[%add3A_82, %dma_start3A_131] : memref<10240x128xf32, #tpu.memory_space<vmem_shared>> -> memref<80x128xf32, #tpu.memory_space<vmem_shared>>
      tpu.enqueue_dma source(%dma_start3A_132 : memref<80x128xf32, #tpu.memory_space<vmem_shared>>) target(%arg9 : memref<80x128xf32, #tpu.memory_space<vmem>>) target_semaphore(%run_scoped3A : memref<!tpu.dma_semaphore, #tpu.memory_space<semaphore_mem>>)
      %dma_wait3A = arith.constant 0 : i32
      %dma_wait3A_133 = tpu.memref_slice %arg10[%add3A_82, %dma_wait3A] : memref<10240x128xf32, #tpu.memory_space<vmem_shared>> -> memref<80x128xf32, #tpu.memory_space<vmem_shared>>
      %dma_wait3A_134 = arith.constant 0 : i32
      %dma_wait3A_135 = tpu.memref_slice %arg10[%add3A_82, %dma_wait3A_134] : memref<10240x128xf32, #tpu.memory_space<vmem_shared>> -> memref<80x128xf32, #tpu.memory_space<vmem_shared>>
      tpu.wait_dma2 semaphore(%run_scoped3A : memref<!tpu.dma_semaphore, #tpu.memory_space<semaphore_mem>>) src(%dma_wait3A_135 : memref<80x128xf32, #tpu.memory_space<vmem_shared>>) dst(%arg9 : memref<80x128xf32, #tpu.memory_space<vmem>>)
      tpu.yield
    }) : () -> ()
    %eq3A_83 = arith.constant 0 : i32
    %eq3A_84 = arith.cmpi eq, %arg0, %eq3A_83 : i32
    %convert_element_type3A_85 = arith.extui %eq3A_84 : i1 to i32
    %cond3A_86 = arith.constant 0 : i32
    %cond3A_87 = arith.cmpi ne, %convert_element_type3A_85, %cond3A_86 : i32
    scf.if %cond3A_87 {
      %add3A_129 = arith.constant 320 : i32
      %add3A_130 = arith.addi %mul3A_4, %add3A_129 : i32
      "tpu.region"() ({
        %run_scoped3A = tpu.sem_alloc : memref<!tpu.dma_semaphore, #tpu.memory_space<semaphore_mem>>
        %dma_start3A_131 = arith.constant 0 : i32
        %dma_start3A_132 = tpu.memref_slice %arg4[%add3A_130, %dma_start3A_131] : memref<10240x128xf32, #tpu.memory_space<hbm>> -> memref<80x128xf32, #tpu.memory_space<hbm>>
        %dma_start3A_133 = arith.constant 0 : i32
        %dma_start3A_134 = tpu.memref_slice %arg4[%add3A_130, %dma_start3A_133] : memref<10240x128xf32, #tpu.memory_space<hbm>> -> memref<80x128xf32, #tpu.memory_space<hbm>>
        tpu.enqueue_dma source(%arg9 : memref<80x128xf32, #tpu.memory_space<vmem>>) target(%dma_start3A_134 : memref<80x128xf32, #tpu.memory_space<hbm>>) target_semaphore(%run_scoped3A : memref<!tpu.dma_semaphore, #tpu.memory_space<semaphore_mem>>)
        %dma_wait3A = arith.constant 0 : i32
        %dma_wait3A_135 = tpu.memref_slice %arg4[%add3A_130, %dma_wait3A] : memref<10240x128xf32, #tpu.memory_space<hbm>> -> memref<80x128xf32, #tpu.memory_space<hbm>>
        %dma_wait3A_136 = arith.constant 0 : i32
        %dma_wait3A_137 = tpu.memref_slice %arg4[%add3A_130, %dma_wait3A_136] : memref<10240x128xf32, #tpu.memory_space<hbm>> -> memref<80x128xf32, #tpu.memory_space<hbm>>
        tpu.wait_dma2 semaphore(%run_scoped3A : memref<!tpu.dma_semaphore, #tpu.memory_space<semaphore_mem>>) src(%arg9 : memref<80x128xf32, #tpu.memory_space<vmem>>) dst(%dma_wait3A_137 : memref<80x128xf32, #tpu.memory_space<hbm>>)
        tpu.yield
      }) : () -> ()
    } else {
    }
    %eq3A_88 = arith.constant 1 : i32
    %eq3A_89 = arith.cmpi eq, %arg0, %eq3A_88 : i32
    %convert_element_type3A_90 = arith.extui %eq3A_89 : i1 to i32
    %cond3A_91 = arith.constant 0 : i32
    %cond3A_92 = arith.cmpi ne, %convert_element_type3A_90, %cond3A_91 : i32
    scf.if %cond3A_92 {
      %add3A_129 = arith.constant 320 : i32
      %add3A_130 = arith.addi %mul3A_4, %add3A_129 : i32
      "tpu.region"() ({
        %run_scoped3A = tpu.sem_alloc : memref<!tpu.dma_semaphore, #tpu.memory_space<semaphore_mem>>
        %dma_start3A_131 = arith.constant 0 : i32
        %dma_start3A_132 = tpu.memref_slice %arg5[%add3A_130, %dma_start3A_131] : memref<10240x128xf32, #tpu.memory_space<hbm>> -> memref<80x128xf32, #tpu.memory_space<hbm>>
        %dma_start3A_133 = arith.constant 0 : i32
        %dma_start3A_134 = tpu.memref_slice %arg5[%add3A_130, %dma_start3A_133] : memref<10240x128xf32, #tpu.memory_space<hbm>> -> memref<80x128xf32, #tpu.memory_space<hbm>>
        tpu.enqueue_dma source(%arg9 : memref<80x128xf32, #tpu.memory_space<vmem>>) target(%dma_start3A_134 : memref<80x128xf32, #tpu.memory_space<hbm>>) target_semaphore(%run_scoped3A : memref<!tpu.dma_semaphore, #tpu.memory_space<semaphore_mem>>)
        %dma_wait3A = arith.constant 0 : i32
        %dma_wait3A_135 = tpu.memref_slice %arg5[%add3A_130, %dma_wait3A] : memref<10240x128xf32, #tpu.memory_space<hbm>> -> memref<80x128xf32, #tpu.memory_space<hbm>>
        %dma_wait3A_136 = arith.constant 0 : i32
        %dma_wait3A_137 = tpu.memref_slice %arg5[%add3A_130, %dma_wait3A_136] : memref<10240x128xf32, #tpu.memory_space<hbm>> -> memref<80x128xf32, #tpu.memory_space<hbm>>
        tpu.wait_dma2 semaphore(%run_scoped3A : memref<!tpu.dma_semaphore, #tpu.memory_space<semaphore_mem>>) src(%arg9 : memref<80x128xf32, #tpu.memory_space<vmem>>) dst(%dma_wait3A_137 : memref<80x128xf32, #tpu.memory_space<hbm>>)
        tpu.yield
      }) : () -> ()
    } else {
    }
    %add3A_93 = arith.constant 400 : i32
    %add3A_94 = arith.addi %mul3A_4, %add3A_93 : i32
    "tpu.region"() ({
      %run_scoped3A = tpu.sem_alloc : memref<!tpu.dma_semaphore, #tpu.memory_space<semaphore_mem>>
      %dma_start3A_129 = arith.constant 0 : i32
      %dma_start3A_130 = tpu.memref_slice %arg10[%add3A_94, %dma_start3A_129] : memref<10240x128xf32, #tpu.memory_space<vmem_shared>> -> memref<80x128xf32, #tpu.memory_space<vmem_shared>>
      %dma_start3A_131 = arith.constant 0 : i32
      %dma_start3A_132 = tpu.memref_slice %arg10[%add3A_94, %dma_start3A_131] : memref<10240x128xf32, #tpu.memory_space<vmem_shared>> -> memref<80x128xf32, #tpu.memory_space<vmem_shared>>
      tpu.enqueue_dma source(%dma_start3A_132 : memref<80x128xf32, #tpu.memory_space<vmem_shared>>) target(%arg9 : memref<80x128xf32, #tpu.memory_space<vmem>>) target_semaphore(%run_scoped3A : memref<!tpu.dma_semaphore, #tpu.memory_space<semaphore_mem>>)
      %dma_wait3A = arith.constant 0 : i32
      %dma_wait3A_133 = tpu.memref_slice %arg10[%add3A_94, %dma_wait3A] : memref<10240x128xf32, #tpu.memory_space<vmem_shared>> -> memref<80x128xf32, #tpu.memory_space<vmem_shared>>
      %dma_wait3A_134 = arith.constant 0 : i32
      %dma_wait3A_135 = tpu.memref_slice %arg10[%add3A_94, %dma_wait3A_134] : memref<10240x128xf32, #tpu.memory_space<vmem_shared>> -> memref<80x128xf32, #tpu.memory_space<vmem_shared>>
      tpu.wait_dma2 semaphore(%run_scoped3A : memref<!tpu.dma_semaphore, #tpu.memory_space<semaphore_mem>>) src(%dma_wait3A_135 : memref<80x128xf32, #tpu.memory_space<vmem_shared>>) dst(%arg9 : memref<80x128xf32, #tpu.memory_space<vmem>>)
      tpu.yield
    }) : () -> ()
    %eq3A_95 = arith.constant 0 : i32
    %eq3A_96 = arith.cmpi eq, %arg0, %eq3A_95 : i32
    %convert_element_type3A_97 = arith.extui %eq3A_96 : i1 to i32
    %cond3A_98 = arith.constant 0 : i32
    %cond3A_99 = arith.cmpi ne, %convert_element_type3A_97, %cond3A_98 : i32
    scf.if %cond3A_99 {
      %add3A_129 = arith.constant 400 : i32
      %add3A_130 = arith.addi %mul3A_4, %add3A_129 : i32
      "tpu.region"() ({
        %run_scoped3A = tpu.sem_alloc : memref<!tpu.dma_semaphore, #tpu.memory_space<semaphore_mem>>
        %dma_start3A_131 = arith.constant 0 : i32
        %dma_start3A_132 = tpu.memref_slice %arg4[%add3A_130, %dma_start3A_131] : memref<10240x128xf32, #tpu.memory_space<hbm>> -> memref<80x128xf32, #tpu.memory_space<hbm>>
        %dma_start3A_133 = arith.constant 0 : i32
        %dma_start3A_134 = tpu.memref_slice %arg4[%add3A_130, %dma_start3A_133] : memref<10240x128xf32, #tpu.memory_space<hbm>> -> memref<80x128xf32, #tpu.memory_space<hbm>>
        tpu.enqueue_dma source(%arg9 : memref<80x128xf32, #tpu.memory_space<vmem>>) target(%dma_start3A_134 : memref<80x128xf32, #tpu.memory_space<hbm>>) target_semaphore(%run_scoped3A : memref<!tpu.dma_semaphore, #tpu.memory_space<semaphore_mem>>)
        %dma_wait3A = arith.constant 0 : i32
        %dma_wait3A_135 = tpu.memref_slice %arg4[%add3A_130, %dma_wait3A] : memref<10240x128xf32, #tpu.memory_space<hbm>> -> memref<80x128xf32, #tpu.memory_space<hbm>>
        %dma_wait3A_136 = arith.constant 0 : i32
        %dma_wait3A_137 = tpu.memref_slice %arg4[%add3A_130, %dma_wait3A_136] : memref<10240x128xf32, #tpu.memory_space<hbm>> -> memref<80x128xf32, #tpu.memory_space<hbm>>
        tpu.wait_dma2 semaphore(%run_scoped3A : memref<!tpu.dma_semaphore, #tpu.memory_space<semaphore_mem>>) src(%arg9 : memref<80x128xf32, #tpu.memory_space<vmem>>) dst(%dma_wait3A_137 : memref<80x128xf32, #tpu.memory_space<hbm>>)
        tpu.yield
      }) : () -> ()
    } else {
    }
    %eq3A_100 = arith.constant 1 : i32
    %eq3A_101 = arith.cmpi eq, %arg0, %eq3A_100 : i32
    %convert_element_type3A_102 = arith.extui %eq3A_101 : i1 to i32
    %cond3A_103 = arith.constant 0 : i32
    %cond3A_104 = arith.cmpi ne, %convert_element_type3A_102, %cond3A_103 : i32
    scf.if %cond3A_104 {
      %add3A_129 = arith.constant 400 : i32
      %add3A_130 = arith.addi %mul3A_4, %add3A_129 : i32
      "tpu.region"() ({
        %run_scoped3A = tpu.sem_alloc : memref<!tpu.dma_semaphore, #tpu.memory_space<semaphore_mem>>
        %dma_start3A_131 = arith.constant 0 : i32
        %dma_start3A_132 = tpu.memref_slice %arg5[%add3A_130, %dma_start3A_131] : memref<10240x128xf32, #tpu.memory_space<hbm>> -> memref<80x128xf32, #tpu.memory_space<hbm>>
        %dma_start3A_133 = arith.constant 0 : i32
        %dma_start3A_134 = tpu.memref_slice %arg5[%add3A_130, %dma_start3A_133] : memref<10240x128xf32, #tpu.memory_space<hbm>> -> memref<80x128xf32, #tpu.memory_space<hbm>>
        tpu.enqueue_dma source(%arg9 : memref<80x128xf32, #tpu.memory_space<vmem>>) target(%dma_start3A_134 : memref<80x128xf32, #tpu.memory_space<hbm>>) target_semaphore(%run_scoped3A : memref<!tpu.dma_semaphore, #tpu.memory_space<semaphore_mem>>)
        %dma_wait3A = arith.constant 0 : i32
        %dma_wait3A_135 = tpu.memref_slice %arg5[%add3A_130, %dma_wait3A] : memref<10240x128xf32, #tpu.memory_space<hbm>> -> memref<80x128xf32, #tpu.memory_space<hbm>>
        %dma_wait3A_136 = arith.constant 0 : i32
        %dma_wait3A_137 = tpu.memref_slice %arg5[%add3A_130, %dma_wait3A_136] : memref<10240x128xf32, #tpu.memory_space<hbm>> -> memref<80x128xf32, #tpu.memory_space<hbm>>
        tpu.wait_dma2 semaphore(%run_scoped3A : memref<!tpu.dma_semaphore, #tpu.memory_space<semaphore_mem>>) src(%arg9 : memref<80x128xf32, #tpu.memory_space<vmem>>) dst(%dma_wait3A_137 : memref<80x128xf32, #tpu.memory_space<hbm>>)
        tpu.yield
      }) : () -> ()
    } else {
    }
    %add3A_105 = arith.constant 480 : i32
    %add3A_106 = arith.addi %mul3A_4, %add3A_105 : i32
    "tpu.region"() ({
      %run_scoped3A = tpu.sem_alloc : memref<!tpu.dma_semaphore, #tpu.memory_space<semaphore_mem>>
      %dma_start3A_129 = arith.constant 0 : i32
      %dma_start3A_130 = tpu.memref_slice %arg10[%add3A_106, %dma_start3A_129] : memref<10240x128xf32, #tpu.memory_space<vmem_shared>> -> memref<80x128xf32, #tpu.memory_space<vmem_shared>>
      %dma_start3A_131 = arith.constant 0 : i32
      %dma_start3A_132 = tpu.memref_slice %arg10[%add3A_106, %dma_start3A_131] : memref<10240x128xf32, #tpu.memory_space<vmem_shared>> -> memref<80x128xf32, #tpu.memory_space<vmem_shared>>
      tpu.enqueue_dma source(%dma_start3A_132 : memref<80x128xf32, #tpu.memory_space<vmem_shared>>) target(%arg9 : memref<80x128xf32, #tpu.memory_space<vmem>>) target_semaphore(%run_scoped3A : memref<!tpu.dma_semaphore, #tpu.memory_space<semaphore_mem>>)
      %dma_wait3A = arith.constant 0 : i32
      %dma_wait3A_133 = tpu.memref_slice %arg10[%add3A_106, %dma_wait3A] : memref<10240x128xf32, #tpu.memory_space<vmem_shared>> -> memref<80x128xf32, #tpu.memory_space<vmem_shared>>
      %dma_wait3A_134 = arith.constant 0 : i32
      %dma_wait3A_135 = tpu.memref_slice %arg10[%add3A_106, %dma_wait3A_134] : memref<10240x128xf32, #tpu.memory_space<vmem_shared>> -> memref<80x128xf32, #tpu.memory_space<vmem_shared>>
      tpu.wait_dma2 semaphore(%run_scoped3A : memref<!tpu.dma_semaphore, #tpu.memory_space<semaphore_mem>>) src(%dma_wait3A_135 : memref<80x128xf32, #tpu.memory_space<vmem_shared>>) dst(%arg9 : memref<80x128xf32, #tpu.memory_space<vmem>>)
      tpu.yield
    }) : () -> ()
    %eq3A_107 = arith.constant 0 : i32
    %eq3A_108 = arith.cmpi eq, %arg0, %eq3A_107 : i32
    %convert_element_type3A_109 = arith.extui %eq3A_108 : i1 to i32
    %cond3A_110 = arith.constant 0 : i32
    %cond3A_111 = arith.cmpi ne, %convert_element_type3A_109, %cond3A_110 : i32
    scf.if %cond3A_111 {
      %add3A_129 = arith.constant 480 : i32
      %add3A_130 = arith.addi %mul3A_4, %add3A_129 : i32
      "tpu.region"() ({
        %run_scoped3A = tpu.sem_alloc : memref<!tpu.dma_semaphore, #tpu.memory_space<semaphore_mem>>
        %dma_start3A_131 = arith.constant 0 : i32
        %dma_start3A_132 = tpu.memref_slice %arg4[%add3A_130, %dma_start3A_131] : memref<10240x128xf32, #tpu.memory_space<hbm>> -> memref<80x128xf32, #tpu.memory_space<hbm>>
        %dma_start3A_133 = arith.constant 0 : i32
        %dma_start3A_134 = tpu.memref_slice %arg4[%add3A_130, %dma_start3A_133] : memref<10240x128xf32, #tpu.memory_space<hbm>> -> memref<80x128xf32, #tpu.memory_space<hbm>>
        tpu.enqueue_dma source(%arg9 : memref<80x128xf32, #tpu.memory_space<vmem>>) target(%dma_start3A_134 : memref<80x128xf32, #tpu.memory_space<hbm>>) target_semaphore(%run_scoped3A : memref<!tpu.dma_semaphore, #tpu.memory_space<semaphore_mem>>)
        %dma_wait3A = arith.constant 0 : i32
        %dma_wait3A_135 = tpu.memref_slice %arg4[%add3A_130, %dma_wait3A] : memref<10240x128xf32, #tpu.memory_space<hbm>> -> memref<80x128xf32, #tpu.memory_space<hbm>>
        %dma_wait3A_136 = arith.constant 0 : i32
        %dma_wait3A_137 = tpu.memref_slice %arg4[%add3A_130, %dma_wait3A_136] : memref<10240x128xf32, #tpu.memory_space<hbm>> -> memref<80x128xf32, #tpu.memory_space<hbm>>
        tpu.wait_dma2 semaphore(%run_scoped3A : memref<!tpu.dma_semaphore, #tpu.memory_space<semaphore_mem>>) src(%arg9 : memref<80x128xf32, #tpu.memory_space<vmem>>) dst(%dma_wait3A_137 : memref<80x128xf32, #tpu.memory_space<hbm>>)
        tpu.yield
      }) : () -> ()
    } else {
    }
    %eq3A_112 = arith.constant 1 : i32
    %eq3A_113 = arith.cmpi eq, %arg0, %eq3A_112 : i32
    %convert_element_type3A_114 = arith.extui %eq3A_113 : i1 to i32
    %cond3A_115 = arith.constant 0 : i32
    %cond3A_116 = arith.cmpi ne, %convert_element_type3A_114, %cond3A_115 : i32
    scf.if %cond3A_116 {
      %add3A_129 = arith.constant 480 : i32
      %add3A_130 = arith.addi %mul3A_4, %add3A_129 : i32
      "tpu.region"() ({
        %run_scoped3A = tpu.sem_alloc : memref<!tpu.dma_semaphore, #tpu.memory_space<semaphore_mem>>
        %dma_start3A_131 = arith.constant 0 : i32
        %dma_start3A_132 = tpu.memref_slice %arg5[%add3A_130, %dma_start3A_131] : memref<10240x128xf32, #tpu.memory_space<hbm>> -> memref<80x128xf32, #tpu.memory_space<hbm>>
        %dma_start3A_133 = arith.constant 0 : i32
        %dma_start3A_134 = tpu.memref_slice %arg5[%add3A_130, %dma_start3A_133] : memref<10240x128xf32, #tpu.memory_space<hbm>> -> memref<80x128xf32, #tpu.memory_space<hbm>>
        tpu.enqueue_dma source(%arg9 : memref<80x128xf32, #tpu.memory_space<vmem>>) target(%dma_start3A_134 : memref<80x128xf32, #tpu.memory_space<hbm>>) target_semaphore(%run_scoped3A : memref<!tpu.dma_semaphore, #tpu.memory_space<semaphore_mem>>)
        %dma_wait3A = arith.constant 0 : i32
        %dma_wait3A_135 = tpu.memref_slice %arg5[%add3A_130, %dma_wait3A] : memref<10240x128xf32, #tpu.memory_space<hbm>> -> memref<80x128xf32, #tpu.memory_space<hbm>>
        %dma_wait3A_136 = arith.constant 0 : i32
        %dma_wait3A_137 = tpu.memref_slice %arg5[%add3A_130, %dma_wait3A_136] : memref<10240x128xf32, #tpu.memory_space<hbm>> -> memref<80x128xf32, #tpu.memory_space<hbm>>
        tpu.wait_dma2 semaphore(%run_scoped3A : memref<!tpu.dma_semaphore, #tpu.memory_space<semaphore_mem>>) src(%arg9 : memref<80x128xf32, #tpu.memory_space<vmem>>) dst(%dma_wait3A_137 : memref<80x128xf32, #tpu.memory_space<hbm>>)
        tpu.yield
      }) : () -> ()
    } else {
    }
    %add3A_117 = arith.constant 560 : i32
    %add3A_118 = arith.addi %mul3A_4, %add3A_117 : i32
    "tpu.region"() ({
      %run_scoped3A = tpu.sem_alloc : memref<!tpu.dma_semaphore, #tpu.memory_space<semaphore_mem>>
      %dma_start3A_129 = arith.constant 0 : i32
      %dma_start3A_130 = tpu.memref_slice %arg10[%add3A_118, %dma_start3A_129] : memref<10240x128xf32, #tpu.memory_space<vmem_shared>> -> memref<80x128xf32, #tpu.memory_space<vmem_shared>>
      %dma_start3A_131 = arith.constant 0 : i32
      %dma_start3A_132 = tpu.memref_slice %arg10[%add3A_118, %dma_start3A_131] : memref<10240x128xf32, #tpu.memory_space<vmem_shared>> -> memref<80x128xf32, #tpu.memory_space<vmem_shared>>
      tpu.enqueue_dma source(%dma_start3A_132 : memref<80x128xf32, #tpu.memory_space<vmem_shared>>) target(%arg9 : memref<80x128xf32, #tpu.memory_space<vmem>>) target_semaphore(%run_scoped3A : memref<!tpu.dma_semaphore, #tpu.memory_space<semaphore_mem>>)
      %dma_wait3A = arith.constant 0 : i32
      %dma_wait3A_133 = tpu.memref_slice %arg10[%add3A_118, %dma_wait3A] : memref<10240x128xf32, #tpu.memory_space<vmem_shared>> -> memref<80x128xf32, #tpu.memory_space<vmem_shared>>
      %dma_wait3A_134 = arith.constant 0 : i32
      %dma_wait3A_135 = tpu.memref_slice %arg10[%add3A_118, %dma_wait3A_134] : memref<10240x128xf32, #tpu.memory_space<vmem_shared>> -> memref<80x128xf32, #tpu.memory_space<vmem_shared>>
      tpu.wait_dma2 semaphore(%run_scoped3A : memref<!tpu.dma_semaphore, #tpu.memory_space<semaphore_mem>>) src(%dma_wait3A_135 : memref<80x128xf32, #tpu.memory_space<vmem_shared>>) dst(%arg9 : memref<80x128xf32, #tpu.memory_space<vmem>>)
      tpu.yield
    }) : () -> ()
    %eq3A_119 = arith.constant 0 : i32
    %eq3A_120 = arith.cmpi eq, %arg0, %eq3A_119 : i32
    %convert_element_type3A_121 = arith.extui %eq3A_120 : i1 to i32
    %cond3A_122 = arith.constant 0 : i32
    %cond3A_123 = arith.cmpi ne, %convert_element_type3A_121, %cond3A_122 : i32
    scf.if %cond3A_123 {
      %add3A_129 = arith.constant 560 : i32
      %add3A_130 = arith.addi %mul3A_4, %add3A_129 : i32
      "tpu.region"() ({
        %run_scoped3A = tpu.sem_alloc : memref<!tpu.dma_semaphore, #tpu.memory_space<semaphore_mem>>
        %dma_start3A_131 = arith.constant 0 : i32
        %dma_start3A_132 = tpu.memref_slice %arg4[%add3A_130, %dma_start3A_131] : memref<10240x128xf32, #tpu.memory_space<hbm>> -> memref<80x128xf32, #tpu.memory_space<hbm>>
        %dma_start3A_133 = arith.constant 0 : i32
        %dma_start3A_134 = tpu.memref_slice %arg4[%add3A_130, %dma_start3A_133] : memref<10240x128xf32, #tpu.memory_space<hbm>> -> memref<80x128xf32, #tpu.memory_space<hbm>>
        tpu.enqueue_dma source(%arg9 : memref<80x128xf32, #tpu.memory_space<vmem>>) target(%dma_start3A_134 : memref<80x128xf32, #tpu.memory_space<hbm>>) target_semaphore(%run_scoped3A : memref<!tpu.dma_semaphore, #tpu.memory_space<semaphore_mem>>)
        %dma_wait3A = arith.constant 0 : i32
        %dma_wait3A_135 = tpu.memref_slice %arg4[%add3A_130, %dma_wait3A] : memref<10240x128xf32, #tpu.memory_space<hbm>> -> memref<80x128xf32, #tpu.memory_space<hbm>>
        %dma_wait3A_136 = arith.constant 0 : i32
        %dma_wait3A_137 = tpu.memref_slice %arg4[%add3A_130, %dma_wait3A_136] : memref<10240x128xf32, #tpu.memory_space<hbm>> -> memref<80x128xf32, #tpu.memory_space<hbm>>
        tpu.wait_dma2 semaphore(%run_scoped3A : memref<!tpu.dma_semaphore, #tpu.memory_space<semaphore_mem>>) src(%arg9 : memref<80x128xf32, #tpu.memory_space<vmem>>) dst(%dma_wait3A_137 : memref<80x128xf32, #tpu.memory_space<hbm>>)
        tpu.yield
      }) : () -> ()
    } else {
    }
    %eq3A_124 = arith.constant 1 : i32
    %eq3A_125 = arith.cmpi eq, %arg0, %eq3A_124 : i32
    %convert_element_type3A_126 = arith.extui %eq3A_125 : i1 to i32
    %cond3A_127 = arith.constant 0 : i32
    %cond3A_128 = arith.cmpi ne, %convert_element_type3A_126, %cond3A_127 : i32
    scf.if %cond3A_128 {
      %add3A_129 = arith.constant 560 : i32
      %add3A_130 = arith.addi %mul3A_4, %add3A_129 : i32
      "tpu.region"() ({
        %run_scoped3A = tpu.sem_alloc : memref<!tpu.dma_semaphore, #tpu.memory_space<semaphore_mem>>
        %dma_start3A_131 = arith.constant 0 : i32
        %dma_start3A_132 = tpu.memref_slice %arg5[%add3A_130, %dma_start3A_131] : memref<10240x128xf32, #tpu.memory_space<hbm>> -> memref<80x128xf32, #tpu.memory_space<hbm>>
        %dma_start3A_133 = arith.constant 0 : i32
        %dma_start3A_134 = tpu.memref_slice %arg5[%add3A_130, %dma_start3A_133] : memref<10240x128xf32, #tpu.memory_space<hbm>> -> memref<80x128xf32, #tpu.memory_space<hbm>>
        tpu.enqueue_dma source(%arg9 : memref<80x128xf32, #tpu.memory_space<vmem>>) target(%dma_start3A_134 : memref<80x128xf32, #tpu.memory_space<hbm>>) target_semaphore(%run_scoped3A : memref<!tpu.dma_semaphore, #tpu.memory_space<semaphore_mem>>)
        %dma_wait3A = arith.constant 0 : i32
        %dma_wait3A_135 = tpu.memref_slice %arg5[%add3A_130, %dma_wait3A] : memref<10240x128xf32, #tpu.memory_space<hbm>> -> memref<80x128xf32, #tpu.memory_space<hbm>>
        %dma_wait3A_136 = arith.constant 0 : i32
        %dma_wait3A_137 = tpu.memref_slice %arg5[%add3A_130, %dma_wait3A_136] : memref<10240x128xf32, #tpu.memory_space<hbm>> -> memref<80x128xf32, #tpu.memory_space<hbm>>
        tpu.wait_dma2 semaphore(%run_scoped3A : memref<!tpu.dma_semaphore, #tpu.memory_space<semaphore_mem>>) src(%arg9 : memref<80x128xf32, #tpu.memory_space<vmem>>) dst(%dma_wait3A_137 : memref<80x128xf32, #tpu.memory_space<hbm>>)
        tpu.yield
      }) : () -> ()
    } else {
    }
    return
  }
}

#map = affine_map<(d0, d1) -> (0, 0)>
#map1 = affine_map<(d0, d1) -> (0, 0, 0)>
module attributes {stable_mosaic.version = 14 : i64} {
  func.func @k(%arg0: i32, %arg1: i32, %arg2: memref<10000x128xf32, #tpu.memory_space<hbm>>, %arg3: memref<10000x128xf32, #tpu.memory_space<hbm>>, %arg4: memref<32x125x80xi32, #tpu.memory_space<hbm>>, %arg5: memref<32x125x80xi32, #tpu.memory_space<hbm>>, %arg6: memref<320000x128xf32, #tpu.memory_space<hbm>>, %arg7: memref<125x80xi32, #tpu.memory_space<vmem>>, %arg8: memref<125x80xi32, #tpu.memory_space<vmem>>, %arg9: memref<80x128xf32, #tpu.memory_space<vmem>>, %arg10: memref<80x128xf32, #tpu.memory_space<vmem>>, %arg11: memref<80x128xf32, #tpu.memory_space<vmem>>, %arg12: memref<80x128xf32, #tpu.memory_space<vmem>>, %arg13: memref<!tpu.dma_semaphore, #tpu.memory_space<semaphore_mem>>, %arg14: memref<!tpu.dma_semaphore, #tpu.memory_space<semaphore_mem>>, %arg15: memref<!tpu.dma_semaphore, #tpu.memory_space<semaphore_mem>>, %arg16: memref<!tpu.dma_semaphore, #tpu.memory_space<semaphore_mem>>, %arg17: memref<!tpu.dma_semaphore, #tpu.memory_space<semaphore_mem>>, %arg18: memref<!tpu.dma_semaphore, #tpu.memory_space<semaphore_mem>>, %arg19: memref<!tpu.dma_semaphore, #tpu.memory_space<semaphore_mem>>, %arg20: memref<!tpu.dma_semaphore, #tpu.memory_space<semaphore_mem>>) attributes {dimension_semantics = [#tpu.dimension_semantics<core_parallel>, #tpu.dimension_semantics<subcore_parallel>], iteration_bounds = array<i64: 2, 16>, scalar_prefetch = 0 : i64, scratch_operands = 14 : i64, tpu.core_type = #tpu.core_type<sc_vector_subcore>, window_params = [{transform_indices = #map}, {transform_indices = #map}, {transform_indices = #map1}, {transform_indices = #map1}, {transform_indices = #map}]} {
    %mul3A = arith.constant 2 : i32
    %mul3A_0 = arith.muli %arg1, %mul3A : i32
    %add3A = arith.addi %mul3A_0, %arg0 : i32
    %mul3A_1 = arith.constant 10000 : i32
    %mul3A_2 = arith.muli %add3A, %mul3A_1 : i32
    "tpu.region"() ({
      %run_scoped3A = tpu.sem_alloc : memref<!tpu.dma_semaphore, #tpu.memory_space<semaphore_mem>>
      %dma_start3A = arith.constant 0 : i32
      %dma_start3A_23 = arith.constant 0 : i32
      %dma_start3A_24 = tpu.memref_slice %arg4[%add3A, %dma_start3A, %dma_start3A_23] : memref<32x125x80xi32, #tpu.memory_space<hbm>> -> memref<1x125x80xi32, #tpu.memory_space<hbm>>
      %dma_start3A_25 = tpu.memref_squeeze %dma_start3A_24 : memref<1x125x80xi32, #tpu.memory_space<hbm>> -> memref<125x80xi32, #tpu.memory_space<hbm>>
      %dma_start3A_26 = arith.constant 0 : i32
      %dma_start3A_27 = arith.constant 0 : i32
      %dma_start3A_28 = tpu.memref_slice %arg4[%add3A, %dma_start3A_26, %dma_start3A_27] : memref<32x125x80xi32, #tpu.memory_space<hbm>> -> memref<1x125x80xi32, #tpu.memory_space<hbm>>
      %dma_start3A_29 = tpu.memref_squeeze %dma_start3A_28 : memref<1x125x80xi32, #tpu.memory_space<hbm>> -> memref<125x80xi32, #tpu.memory_space<hbm>>
      tpu.enqueue_dma source(%dma_start3A_29 : memref<125x80xi32, #tpu.memory_space<hbm>>) target(%arg7 : memref<125x80xi32, #tpu.memory_space<vmem>>) target_semaphore(%run_scoped3A : memref<!tpu.dma_semaphore, #tpu.memory_space<semaphore_mem>>)
      %dma_wait3A_30 = arith.constant 0 : i32
      %dma_wait3A_31 = arith.constant 0 : i32
      %dma_wait3A_32 = tpu.memref_slice %arg4[%add3A, %dma_wait3A_30, %dma_wait3A_31] : memref<32x125x80xi32, #tpu.memory_space<hbm>> -> memref<1x125x80xi32, #tpu.memory_space<hbm>>
      %dma_wait3A_33 = tpu.memref_squeeze %dma_wait3A_32 : memref<1x125x80xi32, #tpu.memory_space<hbm>> -> memref<125x80xi32, #tpu.memory_space<hbm>>
      %dma_wait3A_34 = arith.constant 0 : i32
      %dma_wait3A_35 = arith.constant 0 : i32
      %dma_wait3A_36 = tpu.memref_slice %arg4[%add3A, %dma_wait3A_34, %dma_wait3A_35] : memref<32x125x80xi32, #tpu.memory_space<hbm>> -> memref<1x125x80xi32, #tpu.memory_space<hbm>>
      %dma_wait3A_37 = tpu.memref_squeeze %dma_wait3A_36 : memref<1x125x80xi32, #tpu.memory_space<hbm>> -> memref<125x80xi32, #tpu.memory_space<hbm>>
      tpu.wait_dma2 semaphore(%run_scoped3A : memref<!tpu.dma_semaphore, #tpu.memory_space<semaphore_mem>>) src(%dma_wait3A_37 : memref<125x80xi32, #tpu.memory_space<hbm>>) dst(%arg7 : memref<125x80xi32, #tpu.memory_space<vmem>>)
      tpu.yield
    }) : () -> ()
    "tpu.region"() ({
      %run_scoped3A = tpu.sem_alloc : memref<!tpu.dma_semaphore, #tpu.memory_space<semaphore_mem>>
      %dma_start3A = arith.constant 0 : i32
      %dma_start3A_23 = arith.constant 0 : i32
      %dma_start3A_24 = tpu.memref_slice %arg5[%add3A, %dma_start3A, %dma_start3A_23] : memref<32x125x80xi32, #tpu.memory_space<hbm>> -> memref<1x125x80xi32, #tpu.memory_space<hbm>>
      %dma_start3A_25 = tpu.memref_squeeze %dma_start3A_24 : memref<1x125x80xi32, #tpu.memory_space<hbm>> -> memref<125x80xi32, #tpu.memory_space<hbm>>
      %dma_start3A_26 = arith.constant 0 : i32
      %dma_start3A_27 = arith.constant 0 : i32
      %dma_start3A_28 = tpu.memref_slice %arg5[%add3A, %dma_start3A_26, %dma_start3A_27] : memref<32x125x80xi32, #tpu.memory_space<hbm>> -> memref<1x125x80xi32, #tpu.memory_space<hbm>>
      %dma_start3A_29 = tpu.memref_squeeze %dma_start3A_28 : memref<1x125x80xi32, #tpu.memory_space<hbm>> -> memref<125x80xi32, #tpu.memory_space<hbm>>
      tpu.enqueue_dma source(%dma_start3A_29 : memref<125x80xi32, #tpu.memory_space<hbm>>) target(%arg8 : memref<125x80xi32, #tpu.memory_space<vmem>>) target_semaphore(%run_scoped3A : memref<!tpu.dma_semaphore, #tpu.memory_space<semaphore_mem>>)
      %dma_wait3A_30 = arith.constant 0 : i32
      %dma_wait3A_31 = arith.constant 0 : i32
      %dma_wait3A_32 = tpu.memref_slice %arg5[%add3A, %dma_wait3A_30, %dma_wait3A_31] : memref<32x125x80xi32, #tpu.memory_space<hbm>> -> memref<1x125x80xi32, #tpu.memory_space<hbm>>
      %dma_wait3A_33 = tpu.memref_squeeze %dma_wait3A_32 : memref<1x125x80xi32, #tpu.memory_space<hbm>> -> memref<125x80xi32, #tpu.memory_space<hbm>>
      %dma_wait3A_34 = arith.constant 0 : i32
      %dma_wait3A_35 = arith.constant 0 : i32
      %dma_wait3A_36 = tpu.memref_slice %arg5[%add3A, %dma_wait3A_34, %dma_wait3A_35] : memref<32x125x80xi32, #tpu.memory_space<hbm>> -> memref<1x125x80xi32, #tpu.memory_space<hbm>>
      %dma_wait3A_37 = tpu.memref_squeeze %dma_wait3A_36 : memref<1x125x80xi32, #tpu.memory_space<hbm>> -> memref<125x80xi32, #tpu.memory_space<hbm>>
      tpu.wait_dma2 semaphore(%run_scoped3A : memref<!tpu.dma_semaphore, #tpu.memory_space<semaphore_mem>>) src(%dma_wait3A_37 : memref<125x80xi32, #tpu.memory_space<hbm>>) dst(%arg8 : memref<125x80xi32, #tpu.memory_space<vmem>>)
      tpu.yield
    }) : () -> ()
    %scan3A = arith.constant 0 : i32
    %scan3A_3 = arith.constant 0 : i32
    %scan3A_4 = arith.constant 127 : i32
    %scan3A_5 = arith.addi %scan3A_3, %scan3A_4 : i32
    %scan3A_6 = arith.constant 1 : i32
    scf.for %scan3A_23 = %scan3A_3 to %scan3A_5 step %scan3A_6  : i32 {
      %ge3A = arith.constant 2 : i32
      %ge3A_24 = arith.cmpi sge, %scan3A_23, %ge3A : i32
      %convert_element_type3A = arith.extui %ge3A_24 : i1 to i32
      %cond3A = arith.constant 0 : i32
      %cond3A_25 = arith.cmpi ne, %convert_element_type3A, %cond3A : i32
      scf.if %cond3A_25 {
        %sub3A = arith.constant 2 : i32
        %sub3A_36 = arith.subi %scan3A_23, %sub3A : i32
        %jit3A = arith.constant 4 : i32
        %eq3A = arith.constant 0 : i32
        %eq3A_37 = arith.cmpi eq, %jit3A, %eq3A : i32
        %jit3A_38 = arith.constant 1 : i32
        %select_n3A = arith.select %eq3A_37, %jit3A_38, %jit3A : i32
        %rem3A = arith.remsi %sub3A_36, %select_n3A : i32
        %ne3A = arith.constant 0 : i32
        %ne3A_39 = arith.cmpi ne, %rem3A, %ne3A : i32
        %lt3A_40 = arith.constant 0 : i32
        %lt3A_41 = arith.cmpi slt, %rem3A, %lt3A_40 : i32
        %lt3A_42 = arith.constant 0 : i32
        %lt3A_43 = arith.cmpi slt, %select_n3A, %lt3A_42 : i32
        %ne3A_44 = arith.xori %lt3A_41, %lt3A_43 : i1
        %and3A_45 = arith.andi %ne3A_44, %ne3A_39 : i1
        %add3A_46 = arith.addi %rem3A, %select_n3A : i32
        %select_n3A_47 = arith.select %and3A_45, %add3A_46, %rem3A : i32
        %eq3A_48 = arith.constant 0 : i32
        %eq3A_49 = arith.cmpi eq, %select_n3A_47, %eq3A_48 : i32
        %convert_element_type3A_50 = arith.extui %eq3A_49 : i1 to i32
        %cond3A_51 = arith.constant 0 : i32
        %cond3A_52 = arith.cmpi ne, %convert_element_type3A_50, %cond3A_51 : i32
        scf.if %cond3A_52 {
          %dma_wait3A_116 = arith.constant 0 : i32
          %dma_wait3A_117 = arith.constant 0 : i32
          %dma_wait3A_118 = tpu.memref_slice %arg8[%dma_wait3A_116, %dma_wait3A_117] : memref<125x80xi32, #tpu.memory_space<vmem>> -> memref<1x80xi32, #tpu.memory_space<vmem>>
          %dma_wait3A_119 = tpu.memref_squeeze %dma_wait3A_118 : memref<1x80xi32, #tpu.memory_space<vmem>> -> memref<80xi32, #tpu.memory_space<vmem>>
          %dma_wait3A_120 = arith.constant 0 : i32
          %dma_wait3A_121 = arith.constant 0 : i32
          %dma_wait3A_122 = tpu.memref_slice %arg3[%dma_wait3A_120, %dma_wait3A_121] : memref<10000x128xf32, #tpu.memory_space<hbm>> -> memref<10000x128xf32, #tpu.memory_space<hbm>>
          tpu.wait_indirect_dma semaphore(%arg17 : memref<!tpu.dma_semaphore, #tpu.memory_space<semaphore_mem>>) src(%dma_wait3A_122 : memref<10000x128xf32, #tpu.memory_space<hbm>>) dst(%arg9 : memref<80x128xf32, #tpu.memory_space<vmem>>)
          %mul3A_123 = arith.constant 80 : i32
          %mul3A_124 = arith.muli %sub3A_36, %mul3A_123 : i32
          %add3A_125 = arith.addi %mul3A_2, %mul3A_124 : i32
          %dma_start3A = arith.constant 0 : i32
          %dma_start3A_126 = tpu.memref_slice %arg6[%add3A_125, %dma_start3A] : memref<320000x128xf32, #tpu.memory_space<hbm>> -> memref<80x128xf32, #tpu.memory_space<hbm>>
          %dma_start3A_127 = arith.constant 0 : i32
          %dma_start3A_128 = tpu.memref_slice %arg6[%add3A_125, %dma_start3A_127] : memref<320000x128xf32, #tpu.memory_space<hbm>> -> memref<80x128xf32, #tpu.memory_space<hbm>>
          tpu.enqueue_dma source(%arg9 : memref<80x128xf32, #tpu.memory_space<vmem>>) target(%dma_start3A_128 : memref<80x128xf32, #tpu.memory_space<hbm>>) target_semaphore(%arg13 : memref<!tpu.dma_semaphore, #tpu.memory_space<semaphore_mem>>)
        } else {
        }
        %jit3A_53 = arith.constant 4 : i32
        %eq3A_54 = arith.constant 0 : i32
        %eq3A_55 = arith.cmpi eq, %jit3A_53, %eq3A_54 : i32
        %jit3A_56 = arith.constant 1 : i32
        %select_n3A_57 = arith.select %eq3A_55, %jit3A_56, %jit3A_53 : i32
        %rem3A_58 = arith.remsi %sub3A_36, %select_n3A_57 : i32
        %ne3A_59 = arith.constant 0 : i32
        %ne3A_60 = arith.cmpi ne, %rem3A_58, %ne3A_59 : i32
        %lt3A_61 = arith.constant 0 : i32
        %lt3A_62 = arith.cmpi slt, %rem3A_58, %lt3A_61 : i32
        %lt3A_63 = arith.constant 0 : i32
        %lt3A_64 = arith.cmpi slt, %select_n3A_57, %lt3A_63 : i32
        %ne3A_65 = arith.xori %lt3A_62, %lt3A_64 : i1
        %and3A_66 = arith.andi %ne3A_65, %ne3A_60 : i1
        %add3A_67 = arith.addi %rem3A_58, %select_n3A_57 : i32
        %select_n3A_68 = arith.select %and3A_66, %add3A_67, %rem3A_58 : i32
        %eq3A_69 = arith.constant 1 : i32
        %eq3A_70 = arith.cmpi eq, %select_n3A_68, %eq3A_69 : i32
        %convert_element_type3A_71 = arith.extui %eq3A_70 : i1 to i32
        %cond3A_72 = arith.constant 0 : i32
        %cond3A_73 = arith.cmpi ne, %convert_element_type3A_71, %cond3A_72 : i32
        scf.if %cond3A_73 {
          %dma_wait3A_116 = arith.constant 0 : i32
          %dma_wait3A_117 = arith.constant 0 : i32
          %dma_wait3A_118 = tpu.memref_slice %arg8[%dma_wait3A_116, %dma_wait3A_117] : memref<125x80xi32, #tpu.memory_space<vmem>> -> memref<1x80xi32, #tpu.memory_space<vmem>>
          %dma_wait3A_119 = tpu.memref_squeeze %dma_wait3A_118 : memref<1x80xi32, #tpu.memory_space<vmem>> -> memref<80xi32, #tpu.memory_space<vmem>>
          %dma_wait3A_120 = arith.constant 0 : i32
          %dma_wait3A_121 = arith.constant 0 : i32
          %dma_wait3A_122 = tpu.memref_slice %arg3[%dma_wait3A_120, %dma_wait3A_121] : memref<10000x128xf32, #tpu.memory_space<hbm>> -> memref<10000x128xf32, #tpu.memory_space<hbm>>
          tpu.wait_indirect_dma semaphore(%arg18 : memref<!tpu.dma_semaphore, #tpu.memory_space<semaphore_mem>>) src(%dma_wait3A_122 : memref<10000x128xf32, #tpu.memory_space<hbm>>) dst(%arg10 : memref<80x128xf32, #tpu.memory_space<vmem>>)
          %mul3A_123 = arith.constant 80 : i32
          %mul3A_124 = arith.muli %sub3A_36, %mul3A_123 : i32
          %add3A_125 = arith.addi %mul3A_2, %mul3A_124 : i32
          %dma_start3A = arith.constant 0 : i32
          %dma_start3A_126 = tpu.memref_slice %arg6[%add3A_125, %dma_start3A] : memref<320000x128xf32, #tpu.memory_space<hbm>> -> memref<80x128xf32, #tpu.memory_space<hbm>>
          %dma_start3A_127 = arith.constant 0 : i32
          %dma_start3A_128 = tpu.memref_slice %arg6[%add3A_125, %dma_start3A_127] : memref<320000x128xf32, #tpu.memory_space<hbm>> -> memref<80x128xf32, #tpu.memory_space<hbm>>
          tpu.enqueue_dma source(%arg10 : memref<80x128xf32, #tpu.memory_space<vmem>>) target(%dma_start3A_128 : memref<80x128xf32, #tpu.memory_space<hbm>>) target_semaphore(%arg14 : memref<!tpu.dma_semaphore, #tpu.memory_space<semaphore_mem>>)
        } else {
        }
        %jit3A_74 = arith.constant 4 : i32
        %eq3A_75 = arith.constant 0 : i32
        %eq3A_76 = arith.cmpi eq, %jit3A_74, %eq3A_75 : i32
        %jit3A_77 = arith.constant 1 : i32
        %select_n3A_78 = arith.select %eq3A_76, %jit3A_77, %jit3A_74 : i32
        %rem3A_79 = arith.remsi %sub3A_36, %select_n3A_78 : i32
        %ne3A_80 = arith.constant 0 : i32
        %ne3A_81 = arith.cmpi ne, %rem3A_79, %ne3A_80 : i32
        %lt3A_82 = arith.constant 0 : i32
        %lt3A_83 = arith.cmpi slt, %rem3A_79, %lt3A_82 : i32
        %lt3A_84 = arith.constant 0 : i32
        %lt3A_85 = arith.cmpi slt, %select_n3A_78, %lt3A_84 : i32
        %ne3A_86 = arith.xori %lt3A_83, %lt3A_85 : i1
        %and3A_87 = arith.andi %ne3A_86, %ne3A_81 : i1
        %add3A_88 = arith.addi %rem3A_79, %select_n3A_78 : i32
        %select_n3A_89 = arith.select %and3A_87, %add3A_88, %rem3A_79 : i32
        %eq3A_90 = arith.constant 2 : i32
        %eq3A_91 = arith.cmpi eq, %select_n3A_89, %eq3A_90 : i32
        %convert_element_type3A_92 = arith.extui %eq3A_91 : i1 to i32
        %cond3A_93 = arith.constant 0 : i32
        %cond3A_94 = arith.cmpi ne, %convert_element_type3A_92, %cond3A_93 : i32
        scf.if %cond3A_94 {
          %dma_wait3A_116 = arith.constant 0 : i32
          %dma_wait3A_117 = arith.constant 0 : i32
          %dma_wait3A_118 = tpu.memref_slice %arg8[%dma_wait3A_116, %dma_wait3A_117] : memref<125x80xi32, #tpu.memory_space<vmem>> -> memref<1x80xi32, #tpu.memory_space<vmem>>
          %dma_wait3A_119 = tpu.memref_squeeze %dma_wait3A_118 : memref<1x80xi32, #tpu.memory_space<vmem>> -> memref<80xi32, #tpu.memory_space<vmem>>
          %dma_wait3A_120 = arith.constant 0 : i32
          %dma_wait3A_121 = arith.constant 0 : i32
          %dma_wait3A_122 = tpu.memref_slice %arg3[%dma_wait3A_120, %dma_wait3A_121] : memref<10000x128xf32, #tpu.memory_space<hbm>> -> memref<10000x128xf32, #tpu.memory_space<hbm>>
          tpu.wait_indirect_dma semaphore(%arg19 : memref<!tpu.dma_semaphore, #tpu.memory_space<semaphore_mem>>) src(%dma_wait3A_122 : memref<10000x128xf32, #tpu.memory_space<hbm>>) dst(%arg11 : memref<80x128xf32, #tpu.memory_space<vmem>>)
          %mul3A_123 = arith.constant 80 : i32
          %mul3A_124 = arith.muli %sub3A_36, %mul3A_123 : i32
          %add3A_125 = arith.addi %mul3A_2, %mul3A_124 : i32
          %dma_start3A = arith.constant 0 : i32
          %dma_start3A_126 = tpu.memref_slice %arg6[%add3A_125, %dma_start3A] : memref<320000x128xf32, #tpu.memory_space<hbm>> -> memref<80x128xf32, #tpu.memory_space<hbm>>
          %dma_start3A_127 = arith.constant 0 : i32
          %dma_start3A_128 = tpu.memref_slice %arg6[%add3A_125, %dma_start3A_127] : memref<320000x128xf32, #tpu.memory_space<hbm>> -> memref<80x128xf32, #tpu.memory_space<hbm>>
          tpu.enqueue_dma source(%arg11 : memref<80x128xf32, #tpu.memory_space<vmem>>) target(%dma_start3A_128 : memref<80x128xf32, #tpu.memory_space<hbm>>) target_semaphore(%arg15 : memref<!tpu.dma_semaphore, #tpu.memory_space<semaphore_mem>>)
        } else {
        }
        %jit3A_95 = arith.constant 4 : i32
        %eq3A_96 = arith.constant 0 : i32
        %eq3A_97 = arith.cmpi eq, %jit3A_95, %eq3A_96 : i32
        %jit3A_98 = arith.constant 1 : i32
        %select_n3A_99 = arith.select %eq3A_97, %jit3A_98, %jit3A_95 : i32
        %rem3A_100 = arith.remsi %sub3A_36, %select_n3A_99 : i32
        %ne3A_101 = arith.constant 0 : i32
        %ne3A_102 = arith.cmpi ne, %rem3A_100, %ne3A_101 : i32
        %lt3A_103 = arith.constant 0 : i32
        %lt3A_104 = arith.cmpi slt, %rem3A_100, %lt3A_103 : i32
        %lt3A_105 = arith.constant 0 : i32
        %lt3A_106 = arith.cmpi slt, %select_n3A_99, %lt3A_105 : i32
        %ne3A_107 = arith.xori %lt3A_104, %lt3A_106 : i1
        %and3A_108 = arith.andi %ne3A_107, %ne3A_102 : i1
        %add3A_109 = arith.addi %rem3A_100, %select_n3A_99 : i32
        %select_n3A_110 = arith.select %and3A_108, %add3A_109, %rem3A_100 : i32
        %eq3A_111 = arith.constant 3 : i32
        %eq3A_112 = arith.cmpi eq, %select_n3A_110, %eq3A_111 : i32
        %convert_element_type3A_113 = arith.extui %eq3A_112 : i1 to i32
        %cond3A_114 = arith.constant 0 : i32
        %cond3A_115 = arith.cmpi ne, %convert_element_type3A_113, %cond3A_114 : i32
        scf.if %cond3A_115 {
          %dma_wait3A_116 = arith.constant 0 : i32
          %dma_wait3A_117 = arith.constant 0 : i32
          %dma_wait3A_118 = tpu.memref_slice %arg8[%dma_wait3A_116, %dma_wait3A_117] : memref<125x80xi32, #tpu.memory_space<vmem>> -> memref<1x80xi32, #tpu.memory_space<vmem>>
          %dma_wait3A_119 = tpu.memref_squeeze %dma_wait3A_118 : memref<1x80xi32, #tpu.memory_space<vmem>> -> memref<80xi32, #tpu.memory_space<vmem>>
          %dma_wait3A_120 = arith.constant 0 : i32
          %dma_wait3A_121 = arith.constant 0 : i32
          %dma_wait3A_122 = tpu.memref_slice %arg3[%dma_wait3A_120, %dma_wait3A_121] : memref<10000x128xf32, #tpu.memory_space<hbm>> -> memref<10000x128xf32, #tpu.memory_space<hbm>>
          tpu.wait_indirect_dma semaphore(%arg20 : memref<!tpu.dma_semaphore, #tpu.memory_space<semaphore_mem>>) src(%dma_wait3A_122 : memref<10000x128xf32, #tpu.memory_space<hbm>>) dst(%arg12 : memref<80x128xf32, #tpu.memory_space<vmem>>)
          %mul3A_123 = arith.constant 80 : i32
          %mul3A_124 = arith.muli %sub3A_36, %mul3A_123 : i32
          %add3A_125 = arith.addi %mul3A_2, %mul3A_124 : i32
          %dma_start3A = arith.constant 0 : i32
          %dma_start3A_126 = tpu.memref_slice %arg6[%add3A_125, %dma_start3A] : memref<320000x128xf32, #tpu.memory_space<hbm>> -> memref<80x128xf32, #tpu.memory_space<hbm>>
          %dma_start3A_127 = arith.constant 0 : i32
          %dma_start3A_128 = tpu.memref_slice %arg6[%add3A_125, %dma_start3A_127] : memref<320000x128xf32, #tpu.memory_space<hbm>> -> memref<80x128xf32, #tpu.memory_space<hbm>>
          tpu.enqueue_dma source(%arg12 : memref<80x128xf32, #tpu.memory_space<vmem>>) target(%dma_start3A_128 : memref<80x128xf32, #tpu.memory_space<hbm>>) target_semaphore(%arg16 : memref<!tpu.dma_semaphore, #tpu.memory_space<semaphore_mem>>)
        } else {
        }
      } else {
      }
      %ge3A_26 = arith.constant 1 : i32
      %ge3A_27 = arith.cmpi sge, %scan3A_23, %ge3A_26 : i32
      %le3A = arith.constant 125 : i32
      %le3A_28 = arith.cmpi sle, %scan3A_23, %le3A : i32
      %and3A = arith.andi %ge3A_27, %le3A_28 : i1
      %convert_element_type3A_29 = arith.extui %and3A : i1 to i32
      %cond3A_30 = arith.constant 0 : i32
      %cond3A_31 = arith.cmpi ne, %convert_element_type3A_29, %cond3A_30 : i32
      scf.if %cond3A_31 {
        %sub3A = arith.constant 1 : i32
        %sub3A_36 = arith.subi %scan3A_23, %sub3A : i32
        %jit3A = arith.constant 4 : i32
        %eq3A = arith.constant 0 : i32
        %eq3A_37 = arith.cmpi eq, %jit3A, %eq3A : i32
        %jit3A_38 = arith.constant 1 : i32
        %select_n3A = arith.select %eq3A_37, %jit3A_38, %jit3A : i32
        %rem3A = arith.remsi %sub3A_36, %select_n3A : i32
        %ne3A = arith.constant 0 : i32
        %ne3A_39 = arith.cmpi ne, %rem3A, %ne3A : i32
        %lt3A_40 = arith.constant 0 : i32
        %lt3A_41 = arith.cmpi slt, %rem3A, %lt3A_40 : i32
        %lt3A_42 = arith.constant 0 : i32
        %lt3A_43 = arith.cmpi slt, %select_n3A, %lt3A_42 : i32
        %ne3A_44 = arith.xori %lt3A_41, %lt3A_43 : i1
        %and3A_45 = arith.andi %ne3A_44, %ne3A_39 : i1
        %add3A_46 = arith.addi %rem3A, %select_n3A : i32
        %select_n3A_47 = arith.select %and3A_45, %add3A_46, %rem3A : i32
        %eq3A_48 = arith.constant 0 : i32
        %eq3A_49 = arith.cmpi eq, %select_n3A_47, %eq3A_48 : i32
        %convert_element_type3A_50 = arith.extui %eq3A_49 : i1 to i32
        %cond3A_51 = arith.constant 0 : i32
        %cond3A_52 = arith.cmpi ne, %convert_element_type3A_50, %cond3A_51 : i32
        scf.if %cond3A_52 {
          %dma_wait3A_116 = arith.constant 0 : i32
          %dma_wait3A_117 = arith.constant 0 : i32
          %dma_wait3A_118 = tpu.memref_slice %arg7[%dma_wait3A_116, %dma_wait3A_117] : memref<125x80xi32, #tpu.memory_space<vmem>> -> memref<1x80xi32, #tpu.memory_space<vmem>>
          %dma_wait3A_119 = tpu.memref_squeeze %dma_wait3A_118 : memref<1x80xi32, #tpu.memory_space<vmem>> -> memref<80xi32, #tpu.memory_space<vmem>>
          %dma_wait3A_120 = arith.constant 0 : i32
          %dma_wait3A_121 = arith.constant 0 : i32
          %dma_wait3A_122 = tpu.memref_slice %arg2[%dma_wait3A_120, %dma_wait3A_121] : memref<10000x128xf32, #tpu.memory_space<hbm>> -> memref<10000x128xf32, #tpu.memory_space<hbm>>
          tpu.wait_indirect_dma semaphore(%arg13 : memref<!tpu.dma_semaphore, #tpu.memory_space<semaphore_mem>>) src(%dma_wait3A_122 : memref<10000x128xf32, #tpu.memory_space<hbm>>) dst(%arg9 : memref<80x128xf32, #tpu.memory_space<vmem>>)
          %dma_start3A = arith.constant 0 : i32
          %dma_start3A_123 = tpu.memref_slice %arg8[%sub3A_36, %dma_start3A] : memref<125x80xi32, #tpu.memory_space<vmem>> -> memref<1x80xi32, #tpu.memory_space<vmem>>
          %dma_start3A_124 = tpu.memref_squeeze %dma_start3A_123 : memref<1x80xi32, #tpu.memory_space<vmem>> -> memref<80xi32, #tpu.memory_space<vmem>>
          %dma_start3A_125 = arith.constant 0 : i32
          %dma_start3A_126 = arith.constant 0 : i32
          %dma_start3A_127 = tpu.memref_slice %arg3[%dma_start3A_125, %dma_start3A_126] : memref<10000x128xf32, #tpu.memory_space<hbm>> -> memref<10000x128xf32, #tpu.memory_space<hbm>>
          tpu.enqueue_indirect_dma source(%dma_start3A_127 : memref<10000x128xf32, #tpu.memory_space<hbm>>) target(%arg9 : memref<80x128xf32, #tpu.memory_space<vmem>>) offsets(%dma_start3A_124 : memref<80xi32, #tpu.memory_space<vmem>>) semaphore(%arg17 : memref<!tpu.dma_semaphore, #tpu.memory_space<semaphore_mem>>) {add = true}
        } else {
        }
        %jit3A_53 = arith.constant 4 : i32
        %eq3A_54 = arith.constant 0 : i32
        %eq3A_55 = arith.cmpi eq, %jit3A_53, %eq3A_54 : i32
        %jit3A_56 = arith.constant 1 : i32
        %select_n3A_57 = arith.select %eq3A_55, %jit3A_56, %jit3A_53 : i32
        %rem3A_58 = arith.remsi %sub3A_36, %select_n3A_57 : i32
        %ne3A_59 = arith.constant 0 : i32
        %ne3A_60 = arith.cmpi ne, %rem3A_58, %ne3A_59 : i32
        %lt3A_61 = arith.constant 0 : i32
        %lt3A_62 = arith.cmpi slt, %rem3A_58, %lt3A_61 : i32
        %lt3A_63 = arith.constant 0 : i32
        %lt3A_64 = arith.cmpi slt, %select_n3A_57, %lt3A_63 : i32
        %ne3A_65 = arith.xori %lt3A_62, %lt3A_64 : i1
        %and3A_66 = arith.andi %ne3A_65, %ne3A_60 : i1
        %add3A_67 = arith.addi %rem3A_58, %select_n3A_57 : i32
        %select_n3A_68 = arith.select %and3A_66, %add3A_67, %rem3A_58 : i32
        %eq3A_69 = arith.constant 1 : i32
        %eq3A_70 = arith.cmpi eq, %select_n3A_68, %eq3A_69 : i32
        %convert_element_type3A_71 = arith.extui %eq3A_70 : i1 to i32
        %cond3A_72 = arith.constant 0 : i32
        %cond3A_73 = arith.cmpi ne, %convert_element_type3A_71, %cond3A_72 : i32
        scf.if %cond3A_73 {
          %dma_wait3A_116 = arith.constant 0 : i32
          %dma_wait3A_117 = arith.constant 0 : i32
          %dma_wait3A_118 = tpu.memref_slice %arg7[%dma_wait3A_116, %dma_wait3A_117] : memref<125x80xi32, #tpu.memory_space<vmem>> -> memref<1x80xi32, #tpu.memory_space<vmem>>
          %dma_wait3A_119 = tpu.memref_squeeze %dma_wait3A_118 : memref<1x80xi32, #tpu.memory_space<vmem>> -> memref<80xi32, #tpu.memory_space<vmem>>
          %dma_wait3A_120 = arith.constant 0 : i32
          %dma_wait3A_121 = arith.constant 0 : i32
          %dma_wait3A_122 = tpu.memref_slice %arg2[%dma_wait3A_120, %dma_wait3A_121] : memref<10000x128xf32, #tpu.memory_space<hbm>> -> memref<10000x128xf32, #tpu.memory_space<hbm>>
          tpu.wait_indirect_dma semaphore(%arg14 : memref<!tpu.dma_semaphore, #tpu.memory_space<semaphore_mem>>) src(%dma_wait3A_122 : memref<10000x128xf32, #tpu.memory_space<hbm>>) dst(%arg10 : memref<80x128xf32, #tpu.memory_space<vmem>>)
          %dma_start3A = arith.constant 0 : i32
          %dma_start3A_123 = tpu.memref_slice %arg8[%sub3A_36, %dma_start3A] : memref<125x80xi32, #tpu.memory_space<vmem>> -> memref<1x80xi32, #tpu.memory_space<vmem>>
          %dma_start3A_124 = tpu.memref_squeeze %dma_start3A_123 : memref<1x80xi32, #tpu.memory_space<vmem>> -> memref<80xi32, #tpu.memory_space<vmem>>
          %dma_start3A_125 = arith.constant 0 : i32
          %dma_start3A_126 = arith.constant 0 : i32
          %dma_start3A_127 = tpu.memref_slice %arg3[%dma_start3A_125, %dma_start3A_126] : memref<10000x128xf32, #tpu.memory_space<hbm>> -> memref<10000x128xf32, #tpu.memory_space<hbm>>
          tpu.enqueue_indirect_dma source(%dma_start3A_127 : memref<10000x128xf32, #tpu.memory_space<hbm>>) target(%arg10 : memref<80x128xf32, #tpu.memory_space<vmem>>) offsets(%dma_start3A_124 : memref<80xi32, #tpu.memory_space<vmem>>) semaphore(%arg18 : memref<!tpu.dma_semaphore, #tpu.memory_space<semaphore_mem>>) {add = true}
        } else {
        }
        %jit3A_74 = arith.constant 4 : i32
        %eq3A_75 = arith.constant 0 : i32
        %eq3A_76 = arith.cmpi eq, %jit3A_74, %eq3A_75 : i32
        %jit3A_77 = arith.constant 1 : i32
        %select_n3A_78 = arith.select %eq3A_76, %jit3A_77, %jit3A_74 : i32
        %rem3A_79 = arith.remsi %sub3A_36, %select_n3A_78 : i32
        %ne3A_80 = arith.constant 0 : i32
        %ne3A_81 = arith.cmpi ne, %rem3A_79, %ne3A_80 : i32
        %lt3A_82 = arith.constant 0 : i32
        %lt3A_83 = arith.cmpi slt, %rem3A_79, %lt3A_82 : i32
        %lt3A_84 = arith.constant 0 : i32
        %lt3A_85 = arith.cmpi slt, %select_n3A_78, %lt3A_84 : i32
        %ne3A_86 = arith.xori %lt3A_83, %lt3A_85 : i1
        %and3A_87 = arith.andi %ne3A_86, %ne3A_81 : i1
        %add3A_88 = arith.addi %rem3A_79, %select_n3A_78 : i32
        %select_n3A_89 = arith.select %and3A_87, %add3A_88, %rem3A_79 : i32
        %eq3A_90 = arith.constant 2 : i32
        %eq3A_91 = arith.cmpi eq, %select_n3A_89, %eq3A_90 : i32
        %convert_element_type3A_92 = arith.extui %eq3A_91 : i1 to i32
        %cond3A_93 = arith.constant 0 : i32
        %cond3A_94 = arith.cmpi ne, %convert_element_type3A_92, %cond3A_93 : i32
        scf.if %cond3A_94 {
          %dma_wait3A_116 = arith.constant 0 : i32
          %dma_wait3A_117 = arith.constant 0 : i32
          %dma_wait3A_118 = tpu.memref_slice %arg7[%dma_wait3A_116, %dma_wait3A_117] : memref<125x80xi32, #tpu.memory_space<vmem>> -> memref<1x80xi32, #tpu.memory_space<vmem>>
          %dma_wait3A_119 = tpu.memref_squeeze %dma_wait3A_118 : memref<1x80xi32, #tpu.memory_space<vmem>> -> memref<80xi32, #tpu.memory_space<vmem>>
          %dma_wait3A_120 = arith.constant 0 : i32
          %dma_wait3A_121 = arith.constant 0 : i32
          %dma_wait3A_122 = tpu.memref_slice %arg2[%dma_wait3A_120, %dma_wait3A_121] : memref<10000x128xf32, #tpu.memory_space<hbm>> -> memref<10000x128xf32, #tpu.memory_space<hbm>>
          tpu.wait_indirect_dma semaphore(%arg15 : memref<!tpu.dma_semaphore, #tpu.memory_space<semaphore_mem>>) src(%dma_wait3A_122 : memref<10000x128xf32, #tpu.memory_space<hbm>>) dst(%arg11 : memref<80x128xf32, #tpu.memory_space<vmem>>)
          %dma_start3A = arith.constant 0 : i32
          %dma_start3A_123 = tpu.memref_slice %arg8[%sub3A_36, %dma_start3A] : memref<125x80xi32, #tpu.memory_space<vmem>> -> memref<1x80xi32, #tpu.memory_space<vmem>>
          %dma_start3A_124 = tpu.memref_squeeze %dma_start3A_123 : memref<1x80xi32, #tpu.memory_space<vmem>> -> memref<80xi32, #tpu.memory_space<vmem>>
          %dma_start3A_125 = arith.constant 0 : i32
          %dma_start3A_126 = arith.constant 0 : i32
          %dma_start3A_127 = tpu.memref_slice %arg3[%dma_start3A_125, %dma_start3A_126] : memref<10000x128xf32, #tpu.memory_space<hbm>> -> memref<10000x128xf32, #tpu.memory_space<hbm>>
          tpu.enqueue_indirect_dma source(%dma_start3A_127 : memref<10000x128xf32, #tpu.memory_space<hbm>>) target(%arg11 : memref<80x128xf32, #tpu.memory_space<vmem>>) offsets(%dma_start3A_124 : memref<80xi32, #tpu.memory_space<vmem>>) semaphore(%arg19 : memref<!tpu.dma_semaphore, #tpu.memory_space<semaphore_mem>>) {add = true}
        } else {
        }
        %jit3A_95 = arith.constant 4 : i32
        %eq3A_96 = arith.constant 0 : i32
        %eq3A_97 = arith.cmpi eq, %jit3A_95, %eq3A_96 : i32
        %jit3A_98 = arith.constant 1 : i32
        %select_n3A_99 = arith.select %eq3A_97, %jit3A_98, %jit3A_95 : i32
        %rem3A_100 = arith.remsi %sub3A_36, %select_n3A_99 : i32
        %ne3A_101 = arith.constant 0 : i32
        %ne3A_102 = arith.cmpi ne, %rem3A_100, %ne3A_101 : i32
        %lt3A_103 = arith.constant 0 : i32
        %lt3A_104 = arith.cmpi slt, %rem3A_100, %lt3A_103 : i32
        %lt3A_105 = arith.constant 0 : i32
        %lt3A_106 = arith.cmpi slt, %select_n3A_99, %lt3A_105 : i32
        %ne3A_107 = arith.xori %lt3A_104, %lt3A_106 : i1
        %and3A_108 = arith.andi %ne3A_107, %ne3A_102 : i1
        %add3A_109 = arith.addi %rem3A_100, %select_n3A_99 : i32
        %select_n3A_110 = arith.select %and3A_108, %add3A_109, %rem3A_100 : i32
        %eq3A_111 = arith.constant 3 : i32
        %eq3A_112 = arith.cmpi eq, %select_n3A_110, %eq3A_111 : i32
        %convert_element_type3A_113 = arith.extui %eq3A_112 : i1 to i32
        %cond3A_114 = arith.constant 0 : i32
        %cond3A_115 = arith.cmpi ne, %convert_element_type3A_113, %cond3A_114 : i32
        scf.if %cond3A_115 {
          %dma_wait3A_116 = arith.constant 0 : i32
          %dma_wait3A_117 = arith.constant 0 : i32
          %dma_wait3A_118 = tpu.memref_slice %arg7[%dma_wait3A_116, %dma_wait3A_117] : memref<125x80xi32, #tpu.memory_space<vmem>> -> memref<1x80xi32, #tpu.memory_space<vmem>>
          %dma_wait3A_119 = tpu.memref_squeeze %dma_wait3A_118 : memref<1x80xi32, #tpu.memory_space<vmem>> -> memref<80xi32, #tpu.memory_space<vmem>>
          %dma_wait3A_120 = arith.constant 0 : i32
          %dma_wait3A_121 = arith.constant 0 : i32
          %dma_wait3A_122 = tpu.memref_slice %arg2[%dma_wait3A_120, %dma_wait3A_121] : memref<10000x128xf32, #tpu.memory_space<hbm>> -> memref<10000x128xf32, #tpu.memory_space<hbm>>
          tpu.wait_indirect_dma semaphore(%arg16 : memref<!tpu.dma_semaphore, #tpu.memory_space<semaphore_mem>>) src(%dma_wait3A_122 : memref<10000x128xf32, #tpu.memory_space<hbm>>) dst(%arg12 : memref<80x128xf32, #tpu.memory_space<vmem>>)
          %dma_start3A = arith.constant 0 : i32
          %dma_start3A_123 = tpu.memref_slice %arg8[%sub3A_36, %dma_start3A] : memref<125x80xi32, #tpu.memory_space<vmem>> -> memref<1x80xi32, #tpu.memory_space<vmem>>
          %dma_start3A_124 = tpu.memref_squeeze %dma_start3A_123 : memref<1x80xi32, #tpu.memory_space<vmem>> -> memref<80xi32, #tpu.memory_space<vmem>>
          %dma_start3A_125 = arith.constant 0 : i32
          %dma_start3A_126 = arith.constant 0 : i32
          %dma_start3A_127 = tpu.memref_slice %arg3[%dma_start3A_125, %dma_start3A_126] : memref<10000x128xf32, #tpu.memory_space<hbm>> -> memref<10000x128xf32, #tpu.memory_space<hbm>>
          tpu.enqueue_indirect_dma source(%dma_start3A_127 : memref<10000x128xf32, #tpu.memory_space<hbm>>) target(%arg12 : memref<80x128xf32, #tpu.memory_space<vmem>>) offsets(%dma_start3A_124 : memref<80xi32, #tpu.memory_space<vmem>>) semaphore(%arg20 : memref<!tpu.dma_semaphore, #tpu.memory_space<semaphore_mem>>) {add = true}
        } else {
        }
      } else {
      }
      %lt3A = arith.constant 125 : i32
      %lt3A_32 = arith.cmpi slt, %scan3A_23, %lt3A : i32
      %convert_element_type3A_33 = arith.extui %lt3A_32 : i1 to i32
      %cond3A_34 = arith.constant 0 : i32
      %cond3A_35 = arith.cmpi ne, %convert_element_type3A_33, %cond3A_34 : i32
      scf.if %cond3A_35 {
        %jit3A = arith.constant 4 : i32
        %eq3A = arith.constant 0 : i32
        %eq3A_36 = arith.cmpi eq, %jit3A, %eq3A : i32
        %jit3A_37 = arith.constant 1 : i32
        %select_n3A = arith.select %eq3A_36, %jit3A_37, %jit3A : i32
        %rem3A = arith.remsi %scan3A_23, %select_n3A : i32
        %ne3A = arith.constant 0 : i32
        %ne3A_38 = arith.cmpi ne, %rem3A, %ne3A : i32
        %lt3A_39 = arith.constant 0 : i32
        %lt3A_40 = arith.cmpi slt, %rem3A, %lt3A_39 : i32
        %lt3A_41 = arith.constant 0 : i32
        %lt3A_42 = arith.cmpi slt, %select_n3A, %lt3A_41 : i32
        %ne3A_43 = arith.xori %lt3A_40, %lt3A_42 : i1
        %and3A_44 = arith.andi %ne3A_43, %ne3A_38 : i1
        %add3A_45 = arith.addi %rem3A, %select_n3A : i32
        %select_n3A_46 = arith.select %and3A_44, %add3A_45, %rem3A : i32
        %eq3A_47 = arith.constant 0 : i32
        %eq3A_48 = arith.cmpi eq, %select_n3A_46, %eq3A_47 : i32
        %convert_element_type3A_49 = arith.extui %eq3A_48 : i1 to i32
        %cond3A_50 = arith.constant 0 : i32
        %cond3A_51 = arith.cmpi ne, %convert_element_type3A_49, %cond3A_50 : i32
        scf.if %cond3A_51 {
          %ge3A_115 = arith.constant 4 : i32
          %ge3A_116 = arith.cmpi sge, %scan3A_23, %ge3A_115 : i32
          %convert_element_type3A_117 = arith.extui %ge3A_116 : i1 to i32
          %cond3A_118 = arith.constant 0 : i32
          %cond3A_119 = arith.cmpi ne, %convert_element_type3A_117, %cond3A_118 : i32
          scf.if %cond3A_119 {
            %dma_wait3A_125 = arith.constant 0 : i32
            %dma_wait3A_126 = tpu.memref_slice %arg6[%mul3A_2, %dma_wait3A_125] : memref<320000x128xf32, #tpu.memory_space<hbm>> -> memref<80x128xf32, #tpu.memory_space<hbm>>
            %dma_wait3A_127 = arith.constant 0 : i32
            %dma_wait3A_128 = tpu.memref_slice %arg6[%mul3A_2, %dma_wait3A_127] : memref<320000x128xf32, #tpu.memory_space<hbm>> -> memref<80x128xf32, #tpu.memory_space<hbm>>
            tpu.wait_dma2 semaphore(%arg13 : memref<!tpu.dma_semaphore, #tpu.memory_space<semaphore_mem>>) src(%arg9 : memref<80x128xf32, #tpu.memory_space<vmem>>) dst(%dma_wait3A_128 : memref<80x128xf32, #tpu.memory_space<hbm>>)
          } else {
          }
          %dma_start3A = arith.constant 0 : i32
          %dma_start3A_120 = tpu.memref_slice %arg7[%scan3A_23, %dma_start3A] : memref<125x80xi32, #tpu.memory_space<vmem>> -> memref<1x80xi32, #tpu.memory_space<vmem>>
          %dma_start3A_121 = tpu.memref_squeeze %dma_start3A_120 : memref<1x80xi32, #tpu.memory_space<vmem>> -> memref<80xi32, #tpu.memory_space<vmem>>
          %dma_start3A_122 = arith.constant 0 : i32
          %dma_start3A_123 = arith.constant 0 : i32
          %dma_start3A_124 = tpu.memref_slice %arg2[%dma_start3A_122, %dma_start3A_123] : memref<10000x128xf32, #tpu.memory_space<hbm>> -> memref<10000x128xf32, #tpu.memory_space<hbm>>
          tpu.enqueue_indirect_dma source(%dma_start3A_124 : memref<10000x128xf32, #tpu.memory_space<hbm>>) target(%arg9 : memref<80x128xf32, #tpu.memory_space<vmem>>) offsets(%dma_start3A_121 : memref<80xi32, #tpu.memory_space<vmem>>) semaphore(%arg13 : memref<!tpu.dma_semaphore, #tpu.memory_space<semaphore_mem>>)
        } else {
        }
        %jit3A_52 = arith.constant 4 : i32
        %eq3A_53 = arith.constant 0 : i32
        %eq3A_54 = arith.cmpi eq, %jit3A_52, %eq3A_53 : i32
        %jit3A_55 = arith.constant 1 : i32
        %select_n3A_56 = arith.select %eq3A_54, %jit3A_55, %jit3A_52 : i32
        %rem3A_57 = arith.remsi %scan3A_23, %select_n3A_56 : i32
        %ne3A_58 = arith.constant 0 : i32
        %ne3A_59 = arith.cmpi ne, %rem3A_57, %ne3A_58 : i32
        %lt3A_60 = arith.constant 0 : i32
        %lt3A_61 = arith.cmpi slt, %rem3A_57, %lt3A_60 : i32
        %lt3A_62 = arith.constant 0 : i32
        %lt3A_63 = arith.cmpi slt, %select_n3A_56, %lt3A_62 : i32
        %ne3A_64 = arith.xori %lt3A_61, %lt3A_63 : i1
        %and3A_65 = arith.andi %ne3A_64, %ne3A_59 : i1
        %add3A_66 = arith.addi %rem3A_57, %select_n3A_56 : i32
        %select_n3A_67 = arith.select %and3A_65, %add3A_66, %rem3A_57 : i32
        %eq3A_68 = arith.constant 1 : i32
        %eq3A_69 = arith.cmpi eq, %select_n3A_67, %eq3A_68 : i32
        %convert_element_type3A_70 = arith.extui %eq3A_69 : i1 to i32
        %cond3A_71 = arith.constant 0 : i32
        %cond3A_72 = arith.cmpi ne, %convert_element_type3A_70, %cond3A_71 : i32
        scf.if %cond3A_72 {
          %ge3A_115 = arith.constant 4 : i32
          %ge3A_116 = arith.cmpi sge, %scan3A_23, %ge3A_115 : i32
          %convert_element_type3A_117 = arith.extui %ge3A_116 : i1 to i32
          %cond3A_118 = arith.constant 0 : i32
          %cond3A_119 = arith.cmpi ne, %convert_element_type3A_117, %cond3A_118 : i32
          scf.if %cond3A_119 {
            %dma_wait3A_125 = arith.constant 0 : i32
            %dma_wait3A_126 = tpu.memref_slice %arg6[%mul3A_2, %dma_wait3A_125] : memref<320000x128xf32, #tpu.memory_space<hbm>> -> memref<80x128xf32, #tpu.memory_space<hbm>>
            %dma_wait3A_127 = arith.constant 0 : i32
            %dma_wait3A_128 = tpu.memref_slice %arg6[%mul3A_2, %dma_wait3A_127] : memref<320000x128xf32, #tpu.memory_space<hbm>> -> memref<80x128xf32, #tpu.memory_space<hbm>>
            tpu.wait_dma2 semaphore(%arg14 : memref<!tpu.dma_semaphore, #tpu.memory_space<semaphore_mem>>) src(%arg10 : memref<80x128xf32, #tpu.memory_space<vmem>>) dst(%dma_wait3A_128 : memref<80x128xf32, #tpu.memory_space<hbm>>)
          } else {
          }
          %dma_start3A = arith.constant 0 : i32
          %dma_start3A_120 = tpu.memref_slice %arg7[%scan3A_23, %dma_start3A] : memref<125x80xi32, #tpu.memory_space<vmem>> -> memref<1x80xi32, #tpu.memory_space<vmem>>
          %dma_start3A_121 = tpu.memref_squeeze %dma_start3A_120 : memref<1x80xi32, #tpu.memory_space<vmem>> -> memref<80xi32, #tpu.memory_space<vmem>>
          %dma_start3A_122 = arith.constant 0 : i32
          %dma_start3A_123 = arith.constant 0 : i32
          %dma_start3A_124 = tpu.memref_slice %arg2[%dma_start3A_122, %dma_start3A_123] : memref<10000x128xf32, #tpu.memory_space<hbm>> -> memref<10000x128xf32, #tpu.memory_space<hbm>>
          tpu.enqueue_indirect_dma source(%dma_start3A_124 : memref<10000x128xf32, #tpu.memory_space<hbm>>) target(%arg10 : memref<80x128xf32, #tpu.memory_space<vmem>>) offsets(%dma_start3A_121 : memref<80xi32, #tpu.memory_space<vmem>>) semaphore(%arg14 : memref<!tpu.dma_semaphore, #tpu.memory_space<semaphore_mem>>)
        } else {
        }
        %jit3A_73 = arith.constant 4 : i32
        %eq3A_74 = arith.constant 0 : i32
        %eq3A_75 = arith.cmpi eq, %jit3A_73, %eq3A_74 : i32
        %jit3A_76 = arith.constant 1 : i32
        %select_n3A_77 = arith.select %eq3A_75, %jit3A_76, %jit3A_73 : i32
        %rem3A_78 = arith.remsi %scan3A_23, %select_n3A_77 : i32
        %ne3A_79 = arith.constant 0 : i32
        %ne3A_80 = arith.cmpi ne, %rem3A_78, %ne3A_79 : i32
        %lt3A_81 = arith.constant 0 : i32
        %lt3A_82 = arith.cmpi slt, %rem3A_78, %lt3A_81 : i32
        %lt3A_83 = arith.constant 0 : i32
        %lt3A_84 = arith.cmpi slt, %select_n3A_77, %lt3A_83 : i32
        %ne3A_85 = arith.xori %lt3A_82, %lt3A_84 : i1
        %and3A_86 = arith.andi %ne3A_85, %ne3A_80 : i1
        %add3A_87 = arith.addi %rem3A_78, %select_n3A_77 : i32
        %select_n3A_88 = arith.select %and3A_86, %add3A_87, %rem3A_78 : i32
        %eq3A_89 = arith.constant 2 : i32
        %eq3A_90 = arith.cmpi eq, %select_n3A_88, %eq3A_89 : i32
        %convert_element_type3A_91 = arith.extui %eq3A_90 : i1 to i32
        %cond3A_92 = arith.constant 0 : i32
        %cond3A_93 = arith.cmpi ne, %convert_element_type3A_91, %cond3A_92 : i32
        scf.if %cond3A_93 {
          %ge3A_115 = arith.constant 4 : i32
          %ge3A_116 = arith.cmpi sge, %scan3A_23, %ge3A_115 : i32
          %convert_element_type3A_117 = arith.extui %ge3A_116 : i1 to i32
          %cond3A_118 = arith.constant 0 : i32
          %cond3A_119 = arith.cmpi ne, %convert_element_type3A_117, %cond3A_118 : i32
          scf.if %cond3A_119 {
            %dma_wait3A_125 = arith.constant 0 : i32
            %dma_wait3A_126 = tpu.memref_slice %arg6[%mul3A_2, %dma_wait3A_125] : memref<320000x128xf32, #tpu.memory_space<hbm>> -> memref<80x128xf32, #tpu.memory_space<hbm>>
            %dma_wait3A_127 = arith.constant 0 : i32
            %dma_wait3A_128 = tpu.memref_slice %arg6[%mul3A_2, %dma_wait3A_127] : memref<320000x128xf32, #tpu.memory_space<hbm>> -> memref<80x128xf32, #tpu.memory_space<hbm>>
            tpu.wait_dma2 semaphore(%arg15 : memref<!tpu.dma_semaphore, #tpu.memory_space<semaphore_mem>>) src(%arg11 : memref<80x128xf32, #tpu.memory_space<vmem>>) dst(%dma_wait3A_128 : memref<80x128xf32, #tpu.memory_space<hbm>>)
          } else {
          }
          %dma_start3A = arith.constant 0 : i32
          %dma_start3A_120 = tpu.memref_slice %arg7[%scan3A_23, %dma_start3A] : memref<125x80xi32, #tpu.memory_space<vmem>> -> memref<1x80xi32, #tpu.memory_space<vmem>>
          %dma_start3A_121 = tpu.memref_squeeze %dma_start3A_120 : memref<1x80xi32, #tpu.memory_space<vmem>> -> memref<80xi32, #tpu.memory_space<vmem>>
          %dma_start3A_122 = arith.constant 0 : i32
          %dma_start3A_123 = arith.constant 0 : i32
          %dma_start3A_124 = tpu.memref_slice %arg2[%dma_start3A_122, %dma_start3A_123] : memref<10000x128xf32, #tpu.memory_space<hbm>> -> memref<10000x128xf32, #tpu.memory_space<hbm>>
          tpu.enqueue_indirect_dma source(%dma_start3A_124 : memref<10000x128xf32, #tpu.memory_space<hbm>>) target(%arg11 : memref<80x128xf32, #tpu.memory_space<vmem>>) offsets(%dma_start3A_121 : memref<80xi32, #tpu.memory_space<vmem>>) semaphore(%arg15 : memref<!tpu.dma_semaphore, #tpu.memory_space<semaphore_mem>>)
        } else {
        }
        %jit3A_94 = arith.constant 4 : i32
        %eq3A_95 = arith.constant 0 : i32
        %eq3A_96 = arith.cmpi eq, %jit3A_94, %eq3A_95 : i32
        %jit3A_97 = arith.constant 1 : i32
        %select_n3A_98 = arith.select %eq3A_96, %jit3A_97, %jit3A_94 : i32
        %rem3A_99 = arith.remsi %scan3A_23, %select_n3A_98 : i32
        %ne3A_100 = arith.constant 0 : i32
        %ne3A_101 = arith.cmpi ne, %rem3A_99, %ne3A_100 : i32
        %lt3A_102 = arith.constant 0 : i32
        %lt3A_103 = arith.cmpi slt, %rem3A_99, %lt3A_102 : i32
        %lt3A_104 = arith.constant 0 : i32
        %lt3A_105 = arith.cmpi slt, %select_n3A_98, %lt3A_104 : i32
        %ne3A_106 = arith.xori %lt3A_103, %lt3A_105 : i1
        %and3A_107 = arith.andi %ne3A_106, %ne3A_101 : i1
        %add3A_108 = arith.addi %rem3A_99, %select_n3A_98 : i32
        %select_n3A_109 = arith.select %and3A_107, %add3A_108, %rem3A_99 : i32
        %eq3A_110 = arith.constant 3 : i32
        %eq3A_111 = arith.cmpi eq, %select_n3A_109, %eq3A_110 : i32
        %convert_element_type3A_112 = arith.extui %eq3A_111 : i1 to i32
        %cond3A_113 = arith.constant 0 : i32
        %cond3A_114 = arith.cmpi ne, %convert_element_type3A_112, %cond3A_113 : i32
        scf.if %cond3A_114 {
          %ge3A_115 = arith.constant 4 : i32
          %ge3A_116 = arith.cmpi sge, %scan3A_23, %ge3A_115 : i32
          %convert_element_type3A_117 = arith.extui %ge3A_116 : i1 to i32
          %cond3A_118 = arith.constant 0 : i32
          %cond3A_119 = arith.cmpi ne, %convert_element_type3A_117, %cond3A_118 : i32
          scf.if %cond3A_119 {
            %dma_wait3A_125 = arith.constant 0 : i32
            %dma_wait3A_126 = tpu.memref_slice %arg6[%mul3A_2, %dma_wait3A_125] : memref<320000x128xf32, #tpu.memory_space<hbm>> -> memref<80x128xf32, #tpu.memory_space<hbm>>
            %dma_wait3A_127 = arith.constant 0 : i32
            %dma_wait3A_128 = tpu.memref_slice %arg6[%mul3A_2, %dma_wait3A_127] : memref<320000x128xf32, #tpu.memory_space<hbm>> -> memref<80x128xf32, #tpu.memory_space<hbm>>
            tpu.wait_dma2 semaphore(%arg16 : memref<!tpu.dma_semaphore, #tpu.memory_space<semaphore_mem>>) src(%arg12 : memref<80x128xf32, #tpu.memory_space<vmem>>) dst(%dma_wait3A_128 : memref<80x128xf32, #tpu.memory_space<hbm>>)
          } else {
          }
          %dma_start3A = arith.constant 0 : i32
          %dma_start3A_120 = tpu.memref_slice %arg7[%scan3A_23, %dma_start3A] : memref<125x80xi32, #tpu.memory_space<vmem>> -> memref<1x80xi32, #tpu.memory_space<vmem>>
          %dma_start3A_121 = tpu.memref_squeeze %dma_start3A_120 : memref<1x80xi32, #tpu.memory_space<vmem>> -> memref<80xi32, #tpu.memory_space<vmem>>
          %dma_start3A_122 = arith.constant 0 : i32
          %dma_start3A_123 = arith.constant 0 : i32
          %dma_start3A_124 = tpu.memref_slice %arg2[%dma_start3A_122, %dma_start3A_123] : memref<10000x128xf32, #tpu.memory_space<hbm>> -> memref<10000x128xf32, #tpu.memory_space<hbm>>
          tpu.enqueue_indirect_dma source(%dma_start3A_124 : memref<10000x128xf32, #tpu.memory_space<hbm>>) target(%arg12 : memref<80x128xf32, #tpu.memory_space<vmem>>) offsets(%dma_start3A_121 : memref<80xi32, #tpu.memory_space<vmem>>) semaphore(%arg16 : memref<!tpu.dma_semaphore, #tpu.memory_space<semaphore_mem>>)
        } else {
        }
      } else {
      }
    }
    %scan3A_7 = arith.constant 127 : i32
    %dma_wait3A = arith.constant 0 : i32
    %dma_wait3A_8 = tpu.memref_slice %arg6[%mul3A_2, %dma_wait3A] : memref<320000x128xf32, #tpu.memory_space<hbm>> -> memref<80x128xf32, #tpu.memory_space<hbm>>
    %dma_wait3A_9 = arith.constant 0 : i32
    %dma_wait3A_10 = tpu.memref_slice %arg6[%mul3A_2, %dma_wait3A_9] : memref<320000x128xf32, #tpu.memory_space<hbm>> -> memref<80x128xf32, #tpu.memory_space<hbm>>
    tpu.wait_dma2 semaphore(%arg13 : memref<!tpu.dma_semaphore, #tpu.memory_space<semaphore_mem>>) src(%arg9 : memref<80x128xf32, #tpu.memory_space<vmem>>) dst(%dma_wait3A_10 : memref<80x128xf32, #tpu.memory_space<hbm>>)
    %dma_wait3A_11 = arith.constant 0 : i32
    %dma_wait3A_12 = tpu.memref_slice %arg6[%mul3A_2, %dma_wait3A_11] : memref<320000x128xf32, #tpu.memory_space<hbm>> -> memref<80x128xf32, #tpu.memory_space<hbm>>
    %dma_wait3A_13 = arith.constant 0 : i32
    %dma_wait3A_14 = tpu.memref_slice %arg6[%mul3A_2, %dma_wait3A_13] : memref<320000x128xf32, #tpu.memory_space<hbm>> -> memref<80x128xf32, #tpu.memory_space<hbm>>
    tpu.wait_dma2 semaphore(%arg14 : memref<!tpu.dma_semaphore, #tpu.memory_space<semaphore_mem>>) src(%arg10 : memref<80x128xf32, #tpu.memory_space<vmem>>) dst(%dma_wait3A_14 : memref<80x128xf32, #tpu.memory_space<hbm>>)
    %dma_wait3A_15 = arith.constant 0 : i32
    %dma_wait3A_16 = tpu.memref_slice %arg6[%mul3A_2, %dma_wait3A_15] : memref<320000x128xf32, #tpu.memory_space<hbm>> -> memref<80x128xf32, #tpu.memory_space<hbm>>
    %dma_wait3A_17 = arith.constant 0 : i32
    %dma_wait3A_18 = tpu.memref_slice %arg6[%mul3A_2, %dma_wait3A_17] : memref<320000x128xf32, #tpu.memory_space<hbm>> -> memref<80x128xf32, #tpu.memory_space<hbm>>
    tpu.wait_dma2 semaphore(%arg15 : memref<!tpu.dma_semaphore, #tpu.memory_space<semaphore_mem>>) src(%arg11 : memref<80x128xf32, #tpu.memory_space<vmem>>) dst(%dma_wait3A_18 : memref<80x128xf32, #tpu.memory_space<hbm>>)
    %dma_wait3A_19 = arith.constant 0 : i32
    %dma_wait3A_20 = tpu.memref_slice %arg6[%mul3A_2, %dma_wait3A_19] : memref<320000x128xf32, #tpu.memory_space<hbm>> -> memref<80x128xf32, #tpu.memory_space<hbm>>
    %dma_wait3A_21 = arith.constant 0 : i32
    %dma_wait3A_22 = tpu.memref_slice %arg6[%mul3A_2, %dma_wait3A_21] : memref<320000x128xf32, #tpu.memory_space<hbm>> -> memref<80x128xf32, #tpu.memory_space<hbm>>
    tpu.wait_dma2 semaphore(%arg16 : memref<!tpu.dma_semaphore, #tpu.memory_space<semaphore_mem>>) src(%arg12 : memref<80x128xf32, #tpu.memory_space<vmem>>) dst(%dma_wait3A_22 : memref<80x128xf32, #tpu.memory_space<hbm>>)
    return
  }
}

module attributes {stable_mosaic.version = 14 : i64} {
  func.func @_node_encode_body(%arg0: i32, %arg1: memref<2000x16xf32, #tpu.memory_space<vmem>>, %arg2: memref<16x128xf32, #tpu.memory_space<vmem>>, %arg3: memref<1x128xf32, #tpu.memory_space<vmem>>, %arg4: memref<128x128xf32, #tpu.memory_space<vmem>>, %arg5: memref<1x128xf32, #tpu.memory_space<vmem>>, %arg6: memref<128x128xf32, #tpu.memory_space<vmem>>, %arg7: memref<128x128xf32, #tpu.memory_space<vmem>>, %arg8: memref<2000x128xf32, #tpu.memory_space<vmem>>, %arg9: memref<2000x128xf32, #tpu.memory_space<vmem>>, %arg10: memref<2000x128xf32, #tpu.memory_space<vmem>>) attributes {dimension_semantics = [#tpu.dimension_semantics<arbitrary>], iteration_bounds = array<i64: 5>, scalar_prefetch = 0 : i64, scratch_operands = 0 : i64, tpu.core_type = #tpu.core_type<tc>, window_params = [{transform_indices = @transform_0, window_bounds = array<i64: 2000, 16>}, {pipeline_mode = #tpu.pipeline_mode<synchronous>, transform_indices = @transform_1, window_bounds = array<i64: 16, 128>}, {pipeline_mode = #tpu.pipeline_mode<synchronous>, transform_indices = @transform_2, window_bounds = array<i64: 1, 128>}, {pipeline_mode = #tpu.pipeline_mode<synchronous>, transform_indices = @transform_3, window_bounds = array<i64: 128, 128>}, {pipeline_mode = #tpu.pipeline_mode<synchronous>, transform_indices = @transform_4, window_bounds = array<i64: 1, 128>}, {pipeline_mode = #tpu.pipeline_mode<synchronous>, transform_indices = @transform_5, window_bounds = array<i64: 128, 128>}, {pipeline_mode = #tpu.pipeline_mode<synchronous>, transform_indices = @transform_6, window_bounds = array<i64: 128, 128>}, {transform_indices = @transform_7, window_bounds = array<i64: 2000, 128>}, {transform_indices = @transform_8, window_bounds = array<i64: 2000, 128>}, {transform_indices = @transform_9, window_bounds = array<i64: 2000, 128>}]} {
    %get3A = arith.constant 0 : index
    %get3A_0 = arith.constant 0 : index
    %get3A_1 = vector.load %arg1[%get3A, %get3A_0] : memref<2000x16xf32, #tpu.memory_space<vmem>>, vector<2000x16xf32>
    %get3A_2 = arith.constant 0 : index
    %get3A_3 = arith.constant 0 : index
    %get3A_4 = vector.load %arg2[%get3A_2, %get3A_3] : memref<16x128xf32, #tpu.memory_space<vmem>>, vector<16x128xf32>
    %dot_general3A = arith.constant dense<0.000000e+00> : vector<2000x128xf32>
    %dot_general3A_5 = tpu.matmul %get3A_1, %get3A_4, %dot_general3A {dimension_numbers = #tpu.dot_dimension_numbers<[1], [0], [0], [1], [0, 0, 1, 1], [], []>, transpose_lhs_hint = false} : vector<2000x16xf32>, vector<16x128xf32>, vector<2000x128xf32> -> vector<2000x128xf32>
    %get3A_6 = arith.constant 0 : index
    %get3A_7 = arith.constant 0 : index
    %get3A_8 = vector.load %arg3[%get3A_6, %get3A_7] : memref<1x128xf32, #tpu.memory_space<vmem>>, vector<1x128xf32>
    %add3A = vector.broadcast %get3A_8 : vector<1x128xf32> to vector<2000x128xf32>
    %add3A_9 = arith.addf %dot_general3A_5, %add3A : vector<2000x128xf32>
    %max3A = arith.constant 0.000000e+00 : f32
    %max3A_10 = vector.broadcast %max3A : f32 to vector<2000x128xf32>
    %max3A_11 = arith.maximumf %add3A_9, %max3A_10 : vector<2000x128xf32>
    %get3A_12 = arith.constant 0 : index
    %get3A_13 = arith.constant 0 : index
    %get3A_14 = vector.load %arg4[%get3A_12, %get3A_13] : memref<128x128xf32, #tpu.memory_space<vmem>>, vector<128x128xf32>
    %dot_general3A_15 = arith.constant dense<0.000000e+00> : vector<2000x128xf32>
    %dot_general3A_16 = tpu.matmul %max3A_11, %get3A_14, %dot_general3A_15 {dimension_numbers = #tpu.dot_dimension_numbers<[1], [0], [0], [1], [0, 0, 1, 1], [], []>, transpose_lhs_hint = false} : vector<2000x128xf32>, vector<128x128xf32>, vector<2000x128xf32> -> vector<2000x128xf32>
    %get3A_17 = arith.constant 0 : index
    %get3A_18 = arith.constant 0 : index
    %get3A_19 = vector.load %arg5[%get3A_17, %get3A_18] : memref<1x128xf32, #tpu.memory_space<vmem>>, vector<1x128xf32>
    %add3A_20 = vector.broadcast %get3A_19 : vector<1x128xf32> to vector<2000x128xf32>
    %add3A_21 = arith.addf %dot_general3A_16, %add3A_20 : vector<2000x128xf32>
    %reduce_sum3A = arith.constant dense<0.000000e+00> : vector<2000xf32>
    %reduce_sum3A_22 = vector.multi_reduction <add>, %add3A_21, %reduce_sum3A [1] : vector<2000x128xf32> to vector<2000xf32>
    %broadcast_in_dim3A = vector.shape_cast %reduce_sum3A_22 : vector<2000xf32> to vector<2000x1xf32>
    %div3A = arith.constant 1.280000e+02 : f32
    %div3A_23 = vector.broadcast %div3A : f32 to vector<2000x1xf32>
    %div3A_24 = arith.divf %broadcast_in_dim3A, %div3A_23 : vector<2000x1xf32>
    %jit3A = arith.constant 0 : i32
    %reduce_sum3A_25 = arith.constant dense<0.000000e+00> : vector<2000xf32>
    %reduce_sum3A_26 = vector.multi_reduction <add>, %add3A_21, %reduce_sum3A_25 [1] : vector<2000x128xf32> to vector<2000xf32>
    %broadcast_in_dim3A_27 = vector.shape_cast %reduce_sum3A_26 : vector<2000xf32> to vector<2000x1xf32>
    %div3A_28 = arith.constant 1.280000e+02 : f32
    %div3A_29 = vector.broadcast %div3A_28 : f32 to vector<2000x1xf32>
    %div3A_30 = arith.divf %broadcast_in_dim3A_27, %div3A_29 : vector<2000x1xf32>
    %sub3A = vector.broadcast %div3A_30 : vector<2000x1xf32> to vector<2000x128xf32>
    %sub3A_31 = arith.subf %add3A_21, %sub3A : vector<2000x128xf32>
    %square3A = arith.mulf %sub3A_31, %sub3A_31 : vector<2000x128xf32>
    %convert_element_type3A = arith.sitofp %jit3A : i32 to f32
    %sub3A_32 = arith.constant 1.280000e+02 : f32
    %sub3A_33 = arith.subf %sub3A_32, %convert_element_type3A : f32
    %reduce_sum3A_34 = arith.constant dense<0.000000e+00> : vector<2000xf32>
    %reduce_sum3A_35 = vector.multi_reduction <add>, %square3A, %reduce_sum3A_34 [1] : vector<2000x128xf32> to vector<2000xf32>
    %broadcast_in_dim3A_36 = vector.shape_cast %reduce_sum3A_35 : vector<2000xf32> to vector<2000x1xf32>
    %div3A_37 = vector.broadcast %sub3A_33 : f32 to vector<2000x1xf32>
    %div3A_38 = arith.divf %broadcast_in_dim3A_36, %div3A_37 : vector<2000x1xf32>
    %gt3A = arith.constant 0.000000e+00 : f32
    %gt3A_39 = arith.cmpf ogt, %sub3A_33, %gt3A : f32
    %jit3A_40 = arith.constant 0x7FC00000 : f32
    %broadcast_in_dim3A_41 = vector.broadcast %jit3A_40 : f32 to vector<2000x1xf32>
    %select_n3A = arith.select %gt3A_39, %div3A_38, %broadcast_in_dim3A_41 : vector<2000x1xf32>
    %sub3A_42 = vector.broadcast %div3A_24 : vector<2000x1xf32> to vector<2000x128xf32>
    %sub3A_43 = arith.subf %add3A_21, %sub3A_42 : vector<2000x128xf32>
    %add3A_44 = arith.constant 9.99999997E-7 : f32
    %add3A_45 = vector.broadcast %add3A_44 : f32 to vector<2000x1xf32>
    %add3A_46 = arith.addf %select_n3A, %add3A_45 : vector<2000x1xf32>
    %rsqrt3A = math.rsqrt %add3A_46 : vector<2000x1xf32>
    %mul3A = vector.broadcast %rsqrt3A : vector<2000x1xf32> to vector<2000x128xf32>
    %mul3A_47 = arith.mulf %sub3A_43, %mul3A : vector<2000x128xf32>
    %swap3A = arith.constant 0 : index
    %swap3A_48 = arith.constant 0 : index
    %swap3A_49 = vector.load %arg8[%swap3A, %swap3A_48] : memref<2000x128xf32, #tpu.memory_space<vmem>>, vector<2000x128xf32>
    tpu.vector_store %arg8[%swap3A, %swap3A_48], %mul3A_47 {strides = array<i32>} : memref<2000x128xf32, #tpu.memory_space<vmem>>, vector<2000x128xf32>,
    %get3A_50 = arith.constant 0 : index
    %get3A_51 = arith.constant 0 : index
    %get3A_52 = vector.load %arg6[%get3A_50, %get3A_51] : memref<128x128xf32, #tpu.memory_space<vmem>>, vector<128x128xf32>
    %dot_general3A_53 = arith.constant dense<0.000000e+00> : vector<2000x128xf32>
    %dot_general3A_54 = tpu.matmul %mul3A_47, %get3A_52, %dot_general3A_53 {dimension_numbers = #tpu.dot_dimension_numbers<[1], [0], [0], [1], [0, 0, 1, 1], [], []>, transpose_lhs_hint = false} : vector<2000x128xf32>, vector<128x128xf32>, vector<2000x128xf32> -> vector<2000x128xf32>
    %swap3A_55 = arith.constant 0 : index
    %swap3A_56 = arith.constant 0 : index
    %swap3A_57 = vector.load %arg9[%swap3A_55, %swap3A_56] : memref<2000x128xf32, #tpu.memory_space<vmem>>, vector<2000x128xf32>
    tpu.vector_store %arg9[%swap3A_55, %swap3A_56], %dot_general3A_54 {strides = array<i32>} : memref<2000x128xf32, #tpu.memory_space<vmem>>, vector<2000x128xf32>,
    %get3A_58 = arith.constant 0 : index
    %get3A_59 = arith.constant 0 : index
    %get3A_60 = vector.load %arg7[%get3A_58, %get3A_59] : memref<128x128xf32, #tpu.memory_space<vmem>>, vector<128x128xf32>
    %dot_general3A_61 = arith.constant dense<0.000000e+00> : vector<2000x128xf32>
    %dot_general3A_62 = tpu.matmul %mul3A_47, %get3A_60, %dot_general3A_61 {dimension_numbers = #tpu.dot_dimension_numbers<[1], [0], [0], [1], [0, 0, 1, 1], [], []>, transpose_lhs_hint = false} : vector<2000x128xf32>, vector<128x128xf32>, vector<2000x128xf32> -> vector<2000x128xf32>
    %swap3A_63 = arith.constant 0 : index
    %swap3A_64 = arith.constant 0 : index
    %swap3A_65 = vector.load %arg10[%swap3A_63, %swap3A_64] : memref<2000x128xf32, #tpu.memory_space<vmem>>, vector<2000x128xf32>
    tpu.vector_store %arg10[%swap3A_63, %swap3A_64], %dot_general3A_62 {strides = array<i32>} : memref<2000x128xf32, #tpu.memory_space<vmem>>, vector<2000x128xf32>,
    return
  }
  func.func @transform_0(%arg0: i32) -> (i32, i32) {
    %c0_i32 = arith.constant 0 : i32
    %c0_i32_0 = arith.constant 0 : i32
    return %arg0, %c0_i32 : i32, i32
  }
  func.func @transform_1(%arg0: i32) -> (i32, i32) {
    %c0_i32 = arith.constant 0 : i32
    %c0_i32_0 = arith.constant 0 : i32
    %c0_i32_1 = arith.constant 0 : i32
    return %c0_i32, %c0_i32_0 : i32, i32
  }
  func.func @transform_2(%arg0: i32) -> (i32, i32) {
    %c0_i32 = arith.constant 0 : i32
    %c0_i32_0 = arith.constant 0 : i32
    %c0_i32_1 = arith.constant 0 : i32
    return %c0_i32, %c0_i32_0 : i32, i32
  }
  func.func @transform_3(%arg0: i32) -> (i32, i32) {
    %c0_i32 = arith.constant 0 : i32
    %c0_i32_0 = arith.constant 0 : i32
    %c0_i32_1 = arith.constant 0 : i32
    return %c0_i32, %c0_i32_0 : i32, i32
  }
  func.func @transform_4(%arg0: i32) -> (i32, i32) {
    %c0_i32 = arith.constant 0 : i32
    %c0_i32_0 = arith.constant 0 : i32
    %c0_i32_1 = arith.constant 0 : i32
    return %c0_i32, %c0_i32_0 : i32, i32
  }
  func.func @transform_5(%arg0: i32) -> (i32, i32) {
    %c0_i32 = arith.constant 0 : i32
    %c0_i32_0 = arith.constant 0 : i32
    %c0_i32_1 = arith.constant 0 : i32
    return %c0_i32, %c0_i32_0 : i32, i32
  }
  func.func @transform_6(%arg0: i32) -> (i32, i32) {
    %c0_i32 = arith.constant 0 : i32
    %c0_i32_0 = arith.constant 0 : i32
    %c0_i32_1 = arith.constant 0 : i32
    return %c0_i32, %c0_i32_0 : i32, i32
  }
  func.func @transform_7(%arg0: i32) -> (i32, i32) {
    %c0_i32 = arith.constant 0 : i32
    %c0_i32_0 = arith.constant 0 : i32
    return %arg0, %c0_i32 : i32, i32
  }
  func.func @transform_8(%arg0: i32) -> (i32, i32) {
    %c0_i32 = arith.constant 0 : i32
    %c0_i32_0 = arith.constant 0 : i32
    return %arg0, %c0_i32 : i32, i32
  }
  func.func @transform_9(%arg0: i32) -> (i32, i32) {
    %c0_i32 = arith.constant 0 : i32
    %c0_i32_0 = arith.constant 0 : i32
    return %arg0, %c0_i32 : i32, i32
  }
}

module attributes {stable_mosaic.version = 14 : i64} {
  func.func @_edge_enc_body(%arg0: i32, %arg1: memref<6400x128xf32, #tpu.memory_space<vmem>>, %arg2: memref<128x128xf32, #tpu.memory_space<vmem>>, %arg3: memref<1x128xf32, #tpu.memory_space<vmem>>, %arg4: memref<128x128xf32, #tpu.memory_space<vmem>>, %arg5: memref<1x128xf32, #tpu.memory_space<vmem>>, %arg6: memref<6400x128xf32, #tpu.memory_space<vmem>>) attributes {dimension_semantics = [#tpu.dimension_semantics<arbitrary>], iteration_bounds = array<i64: 50>, scalar_prefetch = 0 : i64, scratch_operands = 0 : i64, tpu.core_type = #tpu.core_type<tc>, window_params = [{transform_indices = @transform_0, window_bounds = array<i64: 6400, 128>}, {pipeline_mode = #tpu.pipeline_mode<synchronous>, transform_indices = @transform_1, window_bounds = array<i64: 128, 128>}, {pipeline_mode = #tpu.pipeline_mode<synchronous>, transform_indices = @transform_2, window_bounds = array<i64: 1, 128>}, {pipeline_mode = #tpu.pipeline_mode<synchronous>, transform_indices = @transform_3, window_bounds = array<i64: 128, 128>}, {pipeline_mode = #tpu.pipeline_mode<synchronous>, transform_indices = @transform_4, window_bounds = array<i64: 1, 128>}, {transform_indices = @transform_5, window_bounds = array<i64: 6400, 128>}]} {
    %get3A = arith.constant 0 : index
    %get3A_0 = arith.constant 0 : index
    %get3A_1 = vector.load %arg1[%get3A, %get3A_0] : memref<6400x128xf32, #tpu.memory_space<vmem>>, vector<6400x128xf32>
    %mul3A = arith.mulf %get3A_1, %get3A_1 : vector<6400x128xf32>
    %reduce_sum3A = arith.constant dense<0.000000e+00> : vector<6400xf32>
    %reduce_sum3A_2 = vector.multi_reduction <add>, %mul3A, %reduce_sum3A [1] : vector<6400x128xf32> to vector<6400xf32>
    %broadcast_in_dim3A = vector.shape_cast %reduce_sum3A_2 : vector<6400xf32> to vector<6400x1xf32>
    %sqrt3A = math.sqrt %broadcast_in_dim3A : vector<6400x1xf32>
    %iota3A = tpu.iota {dimensions = array<i32: 1>} : vector<6400x128xi32>
    %eq3A = arith.constant 3 : i32
    %eq3A_3 = vector.broadcast %eq3A : i32 to vector<6400x128xi32>
    %eq3A_4 = arith.cmpi eq, %iota3A, %eq3A_3 : vector<6400x128xi32>
    %jit3A = arith.constant 0.000000e+00 : f32
    %broadcast_in_dim3A_5 = vector.shape_cast %sqrt3A : vector<6400x1xf32> to vector<6400x1xf32>
    %broadcast_in_dim3A_6 = vector.broadcast %broadcast_in_dim3A_5 : vector<6400x1xf32> to vector<6400x128xf32>
    %broadcast_in_dim3A_7 = vector.broadcast %jit3A : f32 to vector<6400x128xf32>
    %select_n3A = arith.select %eq3A_4, %broadcast_in_dim3A_6, %broadcast_in_dim3A_7 : vector<6400x128xi1>, vector<6400x128xf32>
    %add3A = arith.addf %get3A_1, %select_n3A : vector<6400x128xf32>
    %get3A_8 = arith.constant 0 : index
    %get3A_9 = arith.constant 0 : index
    %get3A_10 = vector.load %arg2[%get3A_8, %get3A_9] : memref<128x128xf32, #tpu.memory_space<vmem>>, vector<128x128xf32>
    %dot_general3A = arith.constant dense<0.000000e+00> : vector<6400x128xf32>
    %dot_general3A_11 = tpu.matmul %add3A, %get3A_10, %dot_general3A {dimension_numbers = #tpu.dot_dimension_numbers<[1], [0], [0], [1], [0, 0, 1, 1], [], []>, transpose_lhs_hint = false} : vector<6400x128xf32>, vector<128x128xf32>, vector<6400x128xf32> -> vector<6400x128xf32>
    %get3A_12 = arith.constant 0 : index
    %get3A_13 = arith.constant 0 : index
    %get3A_14 = vector.load %arg3[%get3A_12, %get3A_13] : memref<1x128xf32, #tpu.memory_space<vmem>>, vector<1x128xf32>
    %add3A_15 = vector.broadcast %get3A_14 : vector<1x128xf32> to vector<6400x128xf32>
    %add3A_16 = arith.addf %dot_general3A_11, %add3A_15 : vector<6400x128xf32>
    %max3A = arith.constant 0.000000e+00 : f32
    %max3A_17 = vector.broadcast %max3A : f32 to vector<6400x128xf32>
    %max3A_18 = arith.maximumf %add3A_16, %max3A_17 : vector<6400x128xf32>
    %get3A_19 = arith.constant 0 : index
    %get3A_20 = arith.constant 0 : index
    %get3A_21 = vector.load %arg4[%get3A_19, %get3A_20] : memref<128x128xf32, #tpu.memory_space<vmem>>, vector<128x128xf32>
    %dot_general3A_22 = arith.constant dense<0.000000e+00> : vector<6400x128xf32>
    %dot_general3A_23 = tpu.matmul %max3A_18, %get3A_21, %dot_general3A_22 {dimension_numbers = #tpu.dot_dimension_numbers<[1], [0], [0], [1], [0, 0, 1, 1], [], []>, transpose_lhs_hint = false} : vector<6400x128xf32>, vector<128x128xf32>, vector<6400x128xf32> -> vector<6400x128xf32>
    %get3A_24 = arith.constant 0 : index
    %get3A_25 = arith.constant 0 : index
    %get3A_26 = vector.load %arg5[%get3A_24, %get3A_25] : memref<1x128xf32, #tpu.memory_space<vmem>>, vector<1x128xf32>
    %add3A_27 = vector.broadcast %get3A_26 : vector<1x128xf32> to vector<6400x128xf32>
    %add3A_28 = arith.addf %dot_general3A_23, %add3A_27 : vector<6400x128xf32>
    %reduce_sum3A_29 = arith.constant dense<0.000000e+00> : vector<6400xf32>
    %reduce_sum3A_30 = vector.multi_reduction <add>, %add3A_28, %reduce_sum3A_29 [1] : vector<6400x128xf32> to vector<6400xf32>
    %broadcast_in_dim3A_31 = vector.shape_cast %reduce_sum3A_30 : vector<6400xf32> to vector<6400x1xf32>
    %div3A = arith.constant 1.280000e+02 : f32
    %div3A_32 = vector.broadcast %div3A : f32 to vector<6400x1xf32>
    %div3A_33 = arith.divf %broadcast_in_dim3A_31, %div3A_32 : vector<6400x1xf32>
    %jit3A_34 = arith.constant 0 : i32
    %reduce_sum3A_35 = arith.constant dense<0.000000e+00> : vector<6400xf32>
    %reduce_sum3A_36 = vector.multi_reduction <add>, %add3A_28, %reduce_sum3A_35 [1] : vector<6400x128xf32> to vector<6400xf32>
    %broadcast_in_dim3A_37 = vector.shape_cast %reduce_sum3A_36 : vector<6400xf32> to vector<6400x1xf32>
    %div3A_38 = arith.constant 1.280000e+02 : f32
    %div3A_39 = vector.broadcast %div3A_38 : f32 to vector<6400x1xf32>
    %div3A_40 = arith.divf %broadcast_in_dim3A_37, %div3A_39 : vector<6400x1xf32>
    %sub3A = vector.broadcast %div3A_40 : vector<6400x1xf32> to vector<6400x128xf32>
    %sub3A_41 = arith.subf %add3A_28, %sub3A : vector<6400x128xf32>
    %square3A = arith.mulf %sub3A_41, %sub3A_41 : vector<6400x128xf32>
    %convert_element_type3A = arith.sitofp %jit3A_34 : i32 to f32
    %sub3A_42 = arith.constant 1.280000e+02 : f32
    %sub3A_43 = arith.subf %sub3A_42, %convert_element_type3A : f32
    %reduce_sum3A_44 = arith.constant dense<0.000000e+00> : vector<6400xf32>
    %reduce_sum3A_45 = vector.multi_reduction <add>, %square3A, %reduce_sum3A_44 [1] : vector<6400x128xf32> to vector<6400xf32>
    %broadcast_in_dim3A_46 = vector.shape_cast %reduce_sum3A_45 : vector<6400xf32> to vector<6400x1xf32>
    %div3A_47 = vector.broadcast %sub3A_43 : f32 to vector<6400x1xf32>
    %div3A_48 = arith.divf %broadcast_in_dim3A_46, %div3A_47 : vector<6400x1xf32>
    %gt3A = arith.constant 0.000000e+00 : f32
    %gt3A_49 = arith.cmpf ogt, %sub3A_43, %gt3A : f32
    %jit3A_50 = arith.constant 0x7FC00000 : f32
    %broadcast_in_dim3A_51 = vector.broadcast %jit3A_50 : f32 to vector<6400x1xf32>
    %select_n3A_52 = arith.select %gt3A_49, %div3A_48, %broadcast_in_dim3A_51 : vector<6400x1xf32>
    %sub3A_53 = vector.broadcast %div3A_33 : vector<6400x1xf32> to vector<6400x128xf32>
    %sub3A_54 = arith.subf %add3A_28, %sub3A_53 : vector<6400x128xf32>
    %add3A_55 = arith.constant 9.99999997E-7 : f32
    %add3A_56 = vector.broadcast %add3A_55 : f32 to vector<6400x1xf32>
    %add3A_57 = arith.addf %select_n3A_52, %add3A_56 : vector<6400x1xf32>
    %rsqrt3A = math.rsqrt %add3A_57 : vector<6400x1xf32>
    %mul3A_58 = vector.broadcast %rsqrt3A : vector<6400x1xf32> to vector<6400x128xf32>
    %mul3A_59 = arith.mulf %sub3A_54, %mul3A_58 : vector<6400x128xf32>
    %swap3A = arith.constant 0 : index
    %swap3A_60 = arith.constant 0 : index
    %swap3A_61 = vector.load %arg6[%swap3A, %swap3A_60] : memref<6400x128xf32, #tpu.memory_space<vmem>>, vector<6400x128xf32>
    tpu.vector_store %arg6[%swap3A, %swap3A_60], %mul3A_59 {strides = array<i32>} : memref<6400x128xf32, #tpu.memory_space<vmem>>, vector<6400x128xf32>,
    return
  }
  func.func @transform_0(%arg0: i32) -> (i32, i32) {
    %c0_i32 = arith.constant 0 : i32
    %c0_i32_0 = arith.constant 0 : i32
    return %arg0, %c0_i32 : i32, i32
  }
  func.func @transform_1(%arg0: i32) -> (i32, i32) {
    %c0_i32 = arith.constant 0 : i32
    %c0_i32_0 = arith.constant 0 : i32
    %c0_i32_1 = arith.constant 0 : i32
    return %c0_i32, %c0_i32_0 : i32, i32
  }
  func.func @transform_2(%arg0: i32) -> (i32, i32) {
    %c0_i32 = arith.constant 0 : i32
    %c0_i32_0 = arith.constant 0 : i32
    %c0_i32_1 = arith.constant 0 : i32
    return %c0_i32, %c0_i32_0 : i32, i32
  }
  func.func @transform_3(%arg0: i32) -> (i32, i32) {
    %c0_i32 = arith.constant 0 : i32
    %c0_i32_0 = arith.constant 0 : i32
    %c0_i32_1 = arith.constant 0 : i32
    return %c0_i32, %c0_i32_0 : i32, i32
  }
  func.func @transform_4(%arg0: i32) -> (i32, i32) {
    %c0_i32 = arith.constant 0 : i32
    %c0_i32_0 = arith.constant 0 : i32
    %c0_i32_1 = arith.constant 0 : i32
    return %c0_i32, %c0_i32_0 : i32, i32
  }
  func.func @transform_5(%arg0: i32) -> (i32, i32) {
    %c0_i32 = arith.constant 0 : i32
    %c0_i32_0 = arith.constant 0 : i32
    return %arg0, %c0_i32 : i32, i32
  }
}

module attributes {stable_mosaic.version = 14 : i64} {
  func.func @_edge_upd_body(%arg0: i32, %arg1: memref<6400x128xf32, #tpu.memory_space<vmem>>, %arg2: memref<6400x128xf32, #tpu.memory_space<vmem>>, %arg3: memref<128x128xf32, #tpu.memory_space<vmem>>, %arg4: memref<1x128xf32, #tpu.memory_space<vmem>>, %arg5: memref<128x128xf32, #tpu.memory_space<vmem>>, %arg6: memref<1x128xf32, #tpu.memory_space<vmem>>, %arg7: memref<6400x128xf32, #tpu.memory_space<vmem>>) attributes {dimension_semantics = [#tpu.dimension_semantics<arbitrary>], iteration_bounds = array<i64: 50>, scalar_prefetch = 0 : i64, scratch_operands = 0 : i64, tpu.core_type = #tpu.core_type<tc>, window_params = [{transform_indices = @transform_0, window_bounds = array<i64: 6400, 128>}, {transform_indices = @transform_1, window_bounds = array<i64: 6400, 128>}, {pipeline_mode = #tpu.pipeline_mode<synchronous>, transform_indices = @transform_2, window_bounds = array<i64: 128, 128>}, {pipeline_mode = #tpu.pipeline_mode<synchronous>, transform_indices = @transform_3, window_bounds = array<i64: 1, 128>}, {pipeline_mode = #tpu.pipeline_mode<synchronous>, transform_indices = @transform_4, window_bounds = array<i64: 128, 128>}, {pipeline_mode = #tpu.pipeline_mode<synchronous>, transform_indices = @transform_5, window_bounds = array<i64: 1, 128>}, {transform_indices = @transform_6, window_bounds = array<i64: 6400, 128>}]} {
    %get3A = arith.constant 0 : index
    %get3A_0 = arith.constant 0 : index
    %get3A_1 = vector.load %arg1[%get3A, %get3A_0] : memref<6400x128xf32, #tpu.memory_space<vmem>>, vector<6400x128xf32>
    %get3A_2 = arith.constant 0 : index
    %get3A_3 = arith.constant 0 : index
    %get3A_4 = vector.load %arg3[%get3A_2, %get3A_3] : memref<128x128xf32, #tpu.memory_space<vmem>>, vector<128x128xf32>
    %dot_general3A = arith.constant dense<0.000000e+00> : vector<6400x128xf32>
    %dot_general3A_5 = tpu.matmul %get3A_1, %get3A_4, %dot_general3A {dimension_numbers = #tpu.dot_dimension_numbers<[1], [0], [0], [1], [0, 0, 1, 1], [], []>, transpose_lhs_hint = false} : vector<6400x128xf32>, vector<128x128xf32>, vector<6400x128xf32> -> vector<6400x128xf32>
    %get3A_6 = arith.constant 0 : index
    %get3A_7 = arith.constant 0 : index
    %get3A_8 = vector.load %arg2[%get3A_6, %get3A_7] : memref<6400x128xf32, #tpu.memory_space<vmem>>, vector<6400x128xf32>
    %add3A = arith.addf %dot_general3A_5, %get3A_8 : vector<6400x128xf32>
    %get3A_9 = arith.constant 0 : index
    %get3A_10 = arith.constant 0 : index
    %get3A_11 = vector.load %arg4[%get3A_9, %get3A_10] : memref<1x128xf32, #tpu.memory_space<vmem>>, vector<1x128xf32>
    %add3A_12 = vector.broadcast %get3A_11 : vector<1x128xf32> to vector<6400x128xf32>
    %add3A_13 = arith.addf %add3A, %add3A_12 : vector<6400x128xf32>
    %max3A = arith.constant 0.000000e+00 : f32
    %max3A_14 = vector.broadcast %max3A : f32 to vector<6400x128xf32>
    %max3A_15 = arith.maximumf %add3A_13, %max3A_14 : vector<6400x128xf32>
    %get3A_16 = arith.constant 0 : index
    %get3A_17 = arith.constant 0 : index
    %get3A_18 = vector.load %arg5[%get3A_16, %get3A_17] : memref<128x128xf32, #tpu.memory_space<vmem>>, vector<128x128xf32>
    %dot_general3A_19 = arith.constant dense<0.000000e+00> : vector<6400x128xf32>
    %dot_general3A_20 = tpu.matmul %max3A_15, %get3A_18, %dot_general3A_19 {dimension_numbers = #tpu.dot_dimension_numbers<[1], [0], [0], [1], [0, 0, 1, 1], [], []>, transpose_lhs_hint = false} : vector<6400x128xf32>, vector<128x128xf32>, vector<6400x128xf32> -> vector<6400x128xf32>
    %get3A_21 = arith.constant 0 : index
    %get3A_22 = arith.constant 0 : index
    %get3A_23 = vector.load %arg6[%get3A_21, %get3A_22] : memref<1x128xf32, #tpu.memory_space<vmem>>, vector<1x128xf32>
    %add3A_24 = vector.broadcast %get3A_23 : vector<1x128xf32> to vector<6400x128xf32>
    %add3A_25 = arith.addf %dot_general3A_20, %add3A_24 : vector<6400x128xf32>
    %reduce_sum3A = arith.constant dense<0.000000e+00> : vector<6400xf32>
    %reduce_sum3A_26 = vector.multi_reduction <add>, %add3A_25, %reduce_sum3A [1] : vector<6400x128xf32> to vector<6400xf32>
    %broadcast_in_dim3A = vector.shape_cast %reduce_sum3A_26 : vector<6400xf32> to vector<6400x1xf32>
    %div3A = arith.constant 1.280000e+02 : f32
    %div3A_27 = vector.broadcast %div3A : f32 to vector<6400x1xf32>
    %div3A_28 = arith.divf %broadcast_in_dim3A, %div3A_27 : vector<6400x1xf32>
    %jit3A = arith.constant 0 : i32
    %reduce_sum3A_29 = arith.constant dense<0.000000e+00> : vector<6400xf32>
    %reduce_sum3A_30 = vector.multi_reduction <add>, %add3A_25, %reduce_sum3A_29 [1] : vector<6400x128xf32> to vector<6400xf32>
    %broadcast_in_dim3A_31 = vector.shape_cast %reduce_sum3A_30 : vector<6400xf32> to vector<6400x1xf32>
    %div3A_32 = arith.constant 1.280000e+02 : f32
    %div3A_33 = vector.broadcast %div3A_32 : f32 to vector<6400x1xf32>
    %div3A_34 = arith.divf %broadcast_in_dim3A_31, %div3A_33 : vector<6400x1xf32>
    %sub3A = vector.broadcast %div3A_34 : vector<6400x1xf32> to vector<6400x128xf32>
    %sub3A_35 = arith.subf %add3A_25, %sub3A : vector<6400x128xf32>
    %square3A = arith.mulf %sub3A_35, %sub3A_35 : vector<6400x128xf32>
    %convert_element_type3A = arith.sitofp %jit3A : i32 to f32
    %sub3A_36 = arith.constant 1.280000e+02 : f32
    %sub3A_37 = arith.subf %sub3A_36, %convert_element_type3A : f32
    %reduce_sum3A_38 = arith.constant dense<0.000000e+00> : vector<6400xf32>
    %reduce_sum3A_39 = vector.multi_reduction <add>, %square3A, %reduce_sum3A_38 [1] : vector<6400x128xf32> to vector<6400xf32>
    %broadcast_in_dim3A_40 = vector.shape_cast %reduce_sum3A_39 : vector<6400xf32> to vector<6400x1xf32>
    %div3A_41 = vector.broadcast %sub3A_37 : f32 to vector<6400x1xf32>
    %div3A_42 = arith.divf %broadcast_in_dim3A_40, %div3A_41 : vector<6400x1xf32>
    %gt3A = arith.constant 0.000000e+00 : f32
    %gt3A_43 = arith.cmpf ogt, %sub3A_37, %gt3A : f32
    %jit3A_44 = arith.constant 0x7FC00000 : f32
    %broadcast_in_dim3A_45 = vector.broadcast %jit3A_44 : f32 to vector<6400x1xf32>
    %select_n3A = arith.select %gt3A_43, %div3A_42, %broadcast_in_dim3A_45 : vector<6400x1xf32>
    %sub3A_46 = vector.broadcast %div3A_28 : vector<6400x1xf32> to vector<6400x128xf32>
    %sub3A_47 = arith.subf %add3A_25, %sub3A_46 : vector<6400x128xf32>
    %add3A_48 = arith.constant 9.99999997E-7 : f32
    %add3A_49 = vector.broadcast %add3A_48 : f32 to vector<6400x1xf32>
    %add3A_50 = arith.addf %select_n3A, %add3A_49 : vector<6400x1xf32>
    %rsqrt3A = math.rsqrt %add3A_50 : vector<6400x1xf32>
    %mul3A = vector.broadcast %rsqrt3A : vector<6400x1xf32> to vector<6400x128xf32>
    %mul3A_51 = arith.mulf %sub3A_47, %mul3A : vector<6400x128xf32>
    %add3A_52 = arith.addf %get3A_1, %mul3A_51 : vector<6400x128xf32>
    %swap3A = arith.constant 0 : index
    %swap3A_53 = arith.constant 0 : index
    %swap3A_54 = vector.load %arg7[%swap3A, %swap3A_53] : memref<6400x128xf32, #tpu.memory_space<vmem>>, vector<6400x128xf32>
    tpu.vector_store %arg7[%swap3A, %swap3A_53], %add3A_52 {strides = array<i32>} : memref<6400x128xf32, #tpu.memory_space<vmem>>, vector<6400x128xf32>,
    return
  }
  func.func @transform_0(%arg0: i32) -> (i32, i32) {
    %c0_i32 = arith.constant 0 : i32
    %c0_i32_0 = arith.constant 0 : i32
    return %arg0, %c0_i32 : i32, i32
  }
  func.func @transform_1(%arg0: i32) -> (i32, i32) {
    %c0_i32 = arith.constant 0 : i32
    %c0_i32_0 = arith.constant 0 : i32
    return %arg0, %c0_i32 : i32, i32
  }
  func.func @transform_2(%arg0: i32) -> (i32, i32) {
    %c0_i32 = arith.constant 0 : i32
    %c0_i32_0 = arith.constant 0 : i32
    %c0_i32_1 = arith.constant 0 : i32
    return %c0_i32, %c0_i32_0 : i32, i32
  }
  func.func @transform_3(%arg0: i32) -> (i32, i32) {
    %c0_i32 = arith.constant 0 : i32
    %c0_i32_0 = arith.constant 0 : i32
    %c0_i32_1 = arith.constant 0 : i32
    return %c0_i32, %c0_i32_0 : i32, i32
  }
  func.func @transform_4(%arg0: i32) -> (i32, i32) {
    %c0_i32 = arith.constant 0 : i32
    %c0_i32_0 = arith.constant 0 : i32
    %c0_i32_1 = arith.constant 0 : i32
    return %c0_i32, %c0_i32_0 : i32, i32
  }
  func.func @transform_5(%arg0: i32) -> (i32, i32) {
    %c0_i32 = arith.constant 0 : i32
    %c0_i32_0 = arith.constant 0 : i32
    %c0_i32_1 = arith.constant 0 : i32
    return %c0_i32, %c0_i32_0 : i32, i32
  }
  func.func @transform_6(%arg0: i32) -> (i32, i32) {
    %c0_i32 = arith.constant 0 : i32
    %c0_i32_0 = arith.constant 0 : i32
    return %arg0, %c0_i32 : i32, i32
  }
}

module attributes {stable_mosaic.version = 14 : i64} {
  func.func @_node_upd_proj_body(%arg0: i32, %arg1: memref<2000x128xf32, #tpu.memory_space<vmem>>, %arg2: memref<2000x128xf32, #tpu.memory_space<vmem>>, %arg3: memref<2000x128xf32, #tpu.memory_space<vmem>>, %arg4: memref<128x128xf32, #tpu.memory_space<vmem>>, %arg5: memref<128x128xf32, #tpu.memory_space<vmem>>, %arg6: memref<1x128xf32, #tpu.memory_space<vmem>>, %arg7: memref<128x128xf32, #tpu.memory_space<vmem>>, %arg8: memref<1x128xf32, #tpu.memory_space<vmem>>, %arg9: memref<128x128xf32, #tpu.memory_space<vmem>>, %arg10: memref<128x128xf32, #tpu.memory_space<vmem>>, %arg11: memref<2000x128xf32, #tpu.memory_space<vmem>>, %arg12: memref<2000x128xf32, #tpu.memory_space<vmem>>, %arg13: memref<2000x128xf32, #tpu.memory_space<vmem>>) attributes {dimension_semantics = [#tpu.dimension_semantics<arbitrary>], iteration_bounds = array<i64: 5>, scalar_prefetch = 0 : i64, scratch_operands = 0 : i64, tpu.core_type = #tpu.core_type<tc>, window_params = [{transform_indices = @transform_0, window_bounds = array<i64: 2000, 128>}, {transform_indices = @transform_1, window_bounds = array<i64: 2000, 128>}, {transform_indices = @transform_2, window_bounds = array<i64: 2000, 128>}, {pipeline_mode = #tpu.pipeline_mode<synchronous>, transform_indices = @transform_3, window_bounds = array<i64: 128, 128>}, {pipeline_mode = #tpu.pipeline_mode<synchronous>, transform_indices = @transform_4, window_bounds = array<i64: 128, 128>}, {pipeline_mode = #tpu.pipeline_mode<synchronous>, transform_indices = @transform_5, window_bounds = array<i64: 1, 128>}, {pipeline_mode = #tpu.pipeline_mode<synchronous>, transform_indices = @transform_6, window_bounds = array<i64: 128, 128>}, {pipeline_mode = #tpu.pipeline_mode<synchronous>, transform_indices = @transform_7, window_bounds = array<i64: 1, 128>}, {pipeline_mode = #tpu.pipeline_mode<synchronous>, transform_indices = @transform_8, window_bounds = array<i64: 128, 128>}, {pipeline_mode = #tpu.pipeline_mode<synchronous>, transform_indices = @transform_9, window_bounds = array<i64: 128, 128>}, {transform_indices = @transform_10, window_bounds = array<i64: 2000, 128>}, {transform_indices = @transform_11, window_bounds = array<i64: 2000, 128>}, {transform_indices = @transform_12, window_bounds = array<i64: 2000, 128>}]} {
    %get3A = arith.constant 0 : index
    %get3A_0 = arith.constant 0 : index
    %get3A_1 = vector.load %arg1[%get3A, %get3A_0] : memref<2000x128xf32, #tpu.memory_space<vmem>>, vector<2000x128xf32>
    %get3A_2 = arith.constant 0 : index
    %get3A_3 = arith.constant 0 : index
    %get3A_4 = vector.load %arg2[%get3A_2, %get3A_3] : memref<2000x128xf32, #tpu.memory_space<vmem>>, vector<2000x128xf32>
    %get3A_5 = arith.constant 0 : index
    %get3A_6 = arith.constant 0 : index
    %get3A_7 = vector.load %arg3[%get3A_5, %get3A_6] : memref<2000x128xf32, #tpu.memory_space<vmem>>, vector<2000x128xf32>
    %add3A = arith.addf %get3A_4, %get3A_7 : vector<2000x128xf32>
    %get3A_8 = arith.constant 0 : index
    %get3A_9 = arith.constant 0 : index
    %get3A_10 = vector.load %arg4[%get3A_8, %get3A_9] : memref<128x128xf32, #tpu.memory_space<vmem>>, vector<128x128xf32>
    %dot_general3A = arith.constant dense<0.000000e+00> : vector<2000x128xf32>
    %dot_general3A_11 = tpu.matmul %get3A_1, %get3A_10, %dot_general3A {dimension_numbers = #tpu.dot_dimension_numbers<[1], [0], [0], [1], [0, 0, 1, 1], [], []>, transpose_lhs_hint = false} : vector<2000x128xf32>, vector<128x128xf32>, vector<2000x128xf32> -> vector<2000x128xf32>
    %get3A_12 = arith.constant 0 : index
    %get3A_13 = arith.constant 0 : index
    %get3A_14 = vector.load %arg5[%get3A_12, %get3A_13] : memref<128x128xf32, #tpu.memory_space<vmem>>, vector<128x128xf32>
    %dot_general3A_15 = arith.constant dense<0.000000e+00> : vector<2000x128xf32>
    %dot_general3A_16 = tpu.matmul %add3A, %get3A_14, %dot_general3A_15 {dimension_numbers = #tpu.dot_dimension_numbers<[1], [0], [0], [1], [0, 0, 1, 1], [], []>, transpose_lhs_hint = false} : vector<2000x128xf32>, vector<128x128xf32>, vector<2000x128xf32> -> vector<2000x128xf32>
    %add3A_17 = arith.addf %dot_general3A_11, %dot_general3A_16 : vector<2000x128xf32>
    %get3A_18 = arith.constant 0 : index
    %get3A_19 = arith.constant 0 : index
    %get3A_20 = vector.load %arg6[%get3A_18, %get3A_19] : memref<1x128xf32, #tpu.memory_space<vmem>>, vector<1x128xf32>
    %add3A_21 = vector.broadcast %get3A_20 : vector<1x128xf32> to vector<2000x128xf32>
    %add3A_22 = arith.addf %add3A_17, %add3A_21 : vector<2000x128xf32>
    %max3A = arith.constant 0.000000e+00 : f32
    %max3A_23 = vector.broadcast %max3A : f32 to vector<2000x128xf32>
    %max3A_24 = arith.maximumf %add3A_22, %max3A_23 : vector<2000x128xf32>
    %get3A_25 = arith.constant 0 : index
    %get3A_26 = arith.constant 0 : index
    %get3A_27 = vector.load %arg7[%get3A_25, %get3A_26] : memref<128x128xf32, #tpu.memory_space<vmem>>, vector<128x128xf32>
    %dot_general3A_28 = arith.constant dense<0.000000e+00> : vector<2000x128xf32>
    %dot_general3A_29 = tpu.matmul %max3A_24, %get3A_27, %dot_general3A_28 {dimension_numbers = #tpu.dot_dimension_numbers<[1], [0], [0], [1], [0, 0, 1, 1], [], []>, transpose_lhs_hint = false} : vector<2000x128xf32>, vector<128x128xf32>, vector<2000x128xf32> -> vector<2000x128xf32>
    %get3A_30 = arith.constant 0 : index
    %get3A_31 = arith.constant 0 : index
    %get3A_32 = vector.load %arg8[%get3A_30, %get3A_31] : memref<1x128xf32, #tpu.memory_space<vmem>>, vector<1x128xf32>
    %add3A_33 = vector.broadcast %get3A_32 : vector<1x128xf32> to vector<2000x128xf32>
    %add3A_34 = arith.addf %dot_general3A_29, %add3A_33 : vector<2000x128xf32>
    %reduce_sum3A = arith.constant dense<0.000000e+00> : vector<2000xf32>
    %reduce_sum3A_35 = vector.multi_reduction <add>, %add3A_34, %reduce_sum3A [1] : vector<2000x128xf32> to vector<2000xf32>
    %broadcast_in_dim3A = vector.shape_cast %reduce_sum3A_35 : vector<2000xf32> to vector<2000x1xf32>
    %div3A = arith.constant 1.280000e+02 : f32
    %div3A_36 = vector.broadcast %div3A : f32 to vector<2000x1xf32>
    %div3A_37 = arith.divf %broadcast_in_dim3A, %div3A_36 : vector<2000x1xf32>
    %jit3A = arith.constant 0 : i32
    %reduce_sum3A_38 = arith.constant dense<0.000000e+00> : vector<2000xf32>
    %reduce_sum3A_39 = vector.multi_reduction <add>, %add3A_34, %reduce_sum3A_38 [1] : vector<2000x128xf32> to vector<2000xf32>
    %broadcast_in_dim3A_40 = vector.shape_cast %reduce_sum3A_39 : vector<2000xf32> to vector<2000x1xf32>
    %div3A_41 = arith.constant 1.280000e+02 : f32
    %div3A_42 = vector.broadcast %div3A_41 : f32 to vector<2000x1xf32>
    %div3A_43 = arith.divf %broadcast_in_dim3A_40, %div3A_42 : vector<2000x1xf32>
    %sub3A = vector.broadcast %div3A_43 : vector<2000x1xf32> to vector<2000x128xf32>
    %sub3A_44 = arith.subf %add3A_34, %sub3A : vector<2000x128xf32>
    %square3A = arith.mulf %sub3A_44, %sub3A_44 : vector<2000x128xf32>
    %convert_element_type3A = arith.sitofp %jit3A : i32 to f32
    %sub3A_45 = arith.constant 1.280000e+02 : f32
    %sub3A_46 = arith.subf %sub3A_45, %convert_element_type3A : f32
    %reduce_sum3A_47 = arith.constant dense<0.000000e+00> : vector<2000xf32>
    %reduce_sum3A_48 = vector.multi_reduction <add>, %square3A, %reduce_sum3A_47 [1] : vector<2000x128xf32> to vector<2000xf32>
    %broadcast_in_dim3A_49 = vector.shape_cast %reduce_sum3A_48 : vector<2000xf32> to vector<2000x1xf32>
    %div3A_50 = vector.broadcast %sub3A_46 : f32 to vector<2000x1xf32>
    %div3A_51 = arith.divf %broadcast_in_dim3A_49, %div3A_50 : vector<2000x1xf32>
    %gt3A = arith.constant 0.000000e+00 : f32
    %gt3A_52 = arith.cmpf ogt, %sub3A_46, %gt3A : f32
    %jit3A_53 = arith.constant 0x7FC00000 : f32
    %broadcast_in_dim3A_54 = vector.broadcast %jit3A_53 : f32 to vector<2000x1xf32>
    %select_n3A = arith.select %gt3A_52, %div3A_51, %broadcast_in_dim3A_54 : vector<2000x1xf32>
    %sub3A_55 = vector.broadcast %div3A_37 : vector<2000x1xf32> to vector<2000x128xf32>
    %sub3A_56 = arith.subf %add3A_34, %sub3A_55 : vector<2000x128xf32>
    %add3A_57 = arith.constant 9.99999997E-7 : f32
    %add3A_58 = vector.broadcast %add3A_57 : f32 to vector<2000x1xf32>
    %add3A_59 = arith.addf %select_n3A, %add3A_58 : vector<2000x1xf32>
    %rsqrt3A = math.rsqrt %add3A_59 : vector<2000x1xf32>
    %mul3A = vector.broadcast %rsqrt3A : vector<2000x1xf32> to vector<2000x128xf32>
    %mul3A_60 = arith.mulf %sub3A_56, %mul3A : vector<2000x128xf32>
    %add3A_61 = arith.addf %get3A_1, %mul3A_60 : vector<2000x128xf32>
    %swap3A = arith.constant 0 : index
    %swap3A_62 = arith.constant 0 : index
    %swap3A_63 = vector.load %arg11[%swap3A, %swap3A_62] : memref<2000x128xf32, #tpu.memory_space<vmem>>, vector<2000x128xf32>
    tpu.vector_store %arg11[%swap3A, %swap3A_62], %add3A_61 {strides = array<i32>} : memref<2000x128xf32, #tpu.memory_space<vmem>>, vector<2000x128xf32>,
    %get3A_64 = arith.constant 0 : index
    %get3A_65 = arith.constant 0 : index
    %get3A_66 = vector.load %arg9[%get3A_64, %get3A_65] : memref<128x128xf32, #tpu.memory_space<vmem>>, vector<128x128xf32>
    %dot_general3A_67 = arith.constant dense<0.000000e+00> : vector<2000x128xf32>
    %dot_general3A_68 = tpu.matmul %add3A_61, %get3A_66, %dot_general3A_67 {dimension_numbers = #tpu.dot_dimension_numbers<[1], [0], [0], [1], [0, 0, 1, 1], [], []>, transpose_lhs_hint = false} : vector<2000x128xf32>, vector<128x128xf32>, vector<2000x128xf32> -> vector<2000x128xf32>
    %swap3A_69 = arith.constant 0 : index
    %swap3A_70 = arith.constant 0 : index
    %swap3A_71 = vector.load %arg12[%swap3A_69, %swap3A_70] : memref<2000x128xf32, #tpu.memory_space<vmem>>, vector<2000x128xf32>
    tpu.vector_store %arg12[%swap3A_69, %swap3A_70], %dot_general3A_68 {strides = array<i32>} : memref<2000x128xf32, #tpu.memory_space<vmem>>, vector<2000x128xf32>,
    %get3A_72 = arith.constant 0 : index
    %get3A_73 = arith.constant 0 : index
    %get3A_74 = vector.load %arg10[%get3A_72, %get3A_73] : memref<128x128xf32, #tpu.memory_space<vmem>>, vector<128x128xf32>
    %dot_general3A_75 = arith.constant dense<0.000000e+00> : vector<2000x128xf32>
    %dot_general3A_76 = tpu.matmul %add3A_61, %get3A_74, %dot_general3A_75 {dimension_numbers = #tpu.dot_dimension_numbers<[1], [0], [0], [1], [0, 0, 1, 1], [], []>, transpose_lhs_hint = false} : vector<2000x128xf32>, vector<128x128xf32>, vector<2000x128xf32> -> vector<2000x128xf32>
    %swap3A_77 = arith.constant 0 : index
    %swap3A_78 = arith.constant 0 : index
    %swap3A_79 = vector.load %arg13[%swap3A_77, %swap3A_78] : memref<2000x128xf32, #tpu.memory_space<vmem>>, vector<2000x128xf32>
    tpu.vector_store %arg13[%swap3A_77, %swap3A_78], %dot_general3A_76 {strides = array<i32>} : memref<2000x128xf32, #tpu.memory_space<vmem>>, vector<2000x128xf32>,
    return
  }
  func.func @transform_0(%arg0: i32) -> (i32, i32) {
    %c0_i32 = arith.constant 0 : i32
    %c0_i32_0 = arith.constant 0 : i32
    return %arg0, %c0_i32 : i32, i32
  }
  func.func @transform_1(%arg0: i32) -> (i32, i32) {
    %c0_i32 = arith.constant 0 : i32
    %c0_i32_0 = arith.constant 0 : i32
    return %arg0, %c0_i32 : i32, i32
  }
  func.func @transform_2(%arg0: i32) -> (i32, i32) {
    %c0_i32 = arith.constant 0 : i32
    %c0_i32_0 = arith.constant 0 : i32
    return %arg0, %c0_i32 : i32, i32
  }
  func.func @transform_3(%arg0: i32) -> (i32, i32) {
    %c0_i32 = arith.constant 0 : i32
    %c0_i32_0 = arith.constant 0 : i32
    %c0_i32_1 = arith.constant 0 : i32
    return %c0_i32, %c0_i32_0 : i32, i32
  }
  func.func @transform_4(%arg0: i32) -> (i32, i32) {
    %c0_i32 = arith.constant 0 : i32
    %c0_i32_0 = arith.constant 0 : i32
    %c0_i32_1 = arith.constant 0 : i32
    return %c0_i32, %c0_i32_0 : i32, i32
  }
  func.func @transform_5(%arg0: i32) -> (i32, i32) {
    %c0_i32 = arith.constant 0 : i32
    %c0_i32_0 = arith.constant 0 : i32
    %c0_i32_1 = arith.constant 0 : i32
    return %c0_i32, %c0_i32_0 : i32, i32
  }
  func.func @transform_6(%arg0: i32) -> (i32, i32) {
    %c0_i32 = arith.constant 0 : i32
    %c0_i32_0 = arith.constant 0 : i32
    %c0_i32_1 = arith.constant 0 : i32
    return %c0_i32, %c0_i32_0 : i32, i32
  }
  func.func @transform_7(%arg0: i32) -> (i32, i32) {
    %c0_i32 = arith.constant 0 : i32
    %c0_i32_0 = arith.constant 0 : i32
    %c0_i32_1 = arith.constant 0 : i32
    return %c0_i32, %c0_i32_0 : i32, i32
  }
  func.func @transform_8(%arg0: i32) -> (i32, i32) {
    %c0_i32 = arith.constant 0 : i32
    %c0_i32_0 = arith.constant 0 : i32
    %c0_i32_1 = arith.constant 0 : i32
    return %c0_i32, %c0_i32_0 : i32, i32
  }
  func.func @transform_9(%arg0: i32) -> (i32, i32) {
    %c0_i32 = arith.constant 0 : i32
    %c0_i32_0 = arith.constant 0 : i32
    %c0_i32_1 = arith.constant 0 : i32
    return %c0_i32, %c0_i32_0 : i32, i32
  }
  func.func @transform_10(%arg0: i32) -> (i32, i32) {
    %c0_i32 = arith.constant 0 : i32
    %c0_i32_0 = arith.constant 0 : i32
    return %arg0, %c0_i32 : i32, i32
  }
  func.func @transform_11(%arg0: i32) -> (i32, i32) {
    %c0_i32 = arith.constant 0 : i32
    %c0_i32_0 = arith.constant 0 : i32
    return %arg0, %c0_i32 : i32, i32
  }
  func.func @transform_12(%arg0: i32) -> (i32, i32) {
    %c0_i32 = arith.constant 0 : i32
    %c0_i32_0 = arith.constant 0 : i32
    return %arg0, %c0_i32 : i32, i32
  }
}

module attributes {stable_mosaic.version = 14 : i64} {
  func.func @_decode_body(%arg0: i32, %arg1: memref<2000x128xf32, #tpu.memory_space<vmem>>, %arg2: memref<128x128xf32, #tpu.memory_space<vmem>>, %arg3: memref<1x128xf32, #tpu.memory_space<vmem>>, %arg4: memref<128x128xf32, #tpu.memory_space<vmem>>, %arg5: memref<1x128xf32, #tpu.memory_space<vmem>>, %arg6: memref<2000x128xf32, #tpu.memory_space<vmem>>, %arg7: memref<2000x128xf32, #tpu.memory_space<vmem>>, %arg8: memref<2000x128xf32, #tpu.memory_space<vmem>>) attributes {dimension_semantics = [#tpu.dimension_semantics<arbitrary>], iteration_bounds = array<i64: 5>, scalar_prefetch = 0 : i64, scratch_operands = 0 : i64, tpu.core_type = #tpu.core_type<tc>, window_params = [{transform_indices = @transform_0, window_bounds = array<i64: 2000, 128>}, {pipeline_mode = #tpu.pipeline_mode<synchronous>, transform_indices = @transform_1, window_bounds = array<i64: 128, 128>}, {pipeline_mode = #tpu.pipeline_mode<synchronous>, transform_indices = @transform_2, window_bounds = array<i64: 1, 128>}, {pipeline_mode = #tpu.pipeline_mode<synchronous>, transform_indices = @transform_3, window_bounds = array<i64: 128, 128>}, {pipeline_mode = #tpu.pipeline_mode<synchronous>, transform_indices = @transform_4, window_bounds = array<i64: 1, 128>}, {transform_indices = @transform_5, window_bounds = array<i64: 2000, 128>}, {transform_indices = @transform_6, window_bounds = array<i64: 2000, 128>}, {transform_indices = @transform_7, window_bounds = array<i64: 2000, 128>}]} {
    %get3A = arith.constant 0 : index
    %get3A_0 = arith.constant 0 : index
    %get3A_1 = vector.load %arg1[%get3A, %get3A_0] : memref<2000x128xf32, #tpu.memory_space<vmem>>, vector<2000x128xf32>
    %get3A_2 = arith.constant 0 : index
    %get3A_3 = arith.constant 0 : index
    %get3A_4 = vector.load %arg2[%get3A_2, %get3A_3] : memref<128x128xf32, #tpu.memory_space<vmem>>, vector<128x128xf32>
    %dot_general3A = arith.constant dense<0.000000e+00> : vector<2000x128xf32>
    %dot_general3A_5 = tpu.matmul %get3A_1, %get3A_4, %dot_general3A {dimension_numbers = #tpu.dot_dimension_numbers<[1], [0], [0], [1], [0, 0, 1, 1], [], []>, transpose_lhs_hint = false} : vector<2000x128xf32>, vector<128x128xf32>, vector<2000x128xf32> -> vector<2000x128xf32>
    %get3A_6 = arith.constant 0 : index
    %get3A_7 = arith.constant 0 : index
    %get3A_8 = vector.load %arg3[%get3A_6, %get3A_7] : memref<1x128xf32, #tpu.memory_space<vmem>>, vector<1x128xf32>
    %add3A = vector.broadcast %get3A_8 : vector<1x128xf32> to vector<2000x128xf32>
    %add3A_9 = arith.addf %dot_general3A_5, %add3A : vector<2000x128xf32>
    %max3A = arith.constant 0.000000e+00 : f32
    %max3A_10 = vector.broadcast %max3A : f32 to vector<2000x128xf32>
    %max3A_11 = arith.maximumf %add3A_9, %max3A_10 : vector<2000x128xf32>
    %get3A_12 = arith.constant 0 : index
    %get3A_13 = arith.constant 0 : index
    %get3A_14 = vector.load %arg4[%get3A_12, %get3A_13] : memref<128x128xf32, #tpu.memory_space<vmem>>, vector<128x128xf32>
    %dot_general3A_15 = arith.constant dense<0.000000e+00> : vector<2000x128xf32>
    %dot_general3A_16 = tpu.matmul %max3A_11, %get3A_14, %dot_general3A_15 {dimension_numbers = #tpu.dot_dimension_numbers<[1], [0], [0], [1], [0, 0, 1, 1], [], []>, transpose_lhs_hint = false} : vector<2000x128xf32>, vector<128x128xf32>, vector<2000x128xf32> -> vector<2000x128xf32>
    %get3A_17 = arith.constant 0 : index
    %get3A_18 = arith.constant 0 : index
    %get3A_19 = vector.load %arg5[%get3A_17, %get3A_18] : memref<1x128xf32, #tpu.memory_space<vmem>>, vector<1x128xf32>
    %add3A_20 = vector.broadcast %get3A_19 : vector<1x128xf32> to vector<2000x128xf32>
    %add3A_21 = arith.addf %dot_general3A_16, %add3A_20 : vector<2000x128xf32>
    %get3A_22 = arith.constant 0 : index
    %get3A_23 = arith.constant 0 : index
    %get3A_24 = vector.load %arg6[%get3A_22, %get3A_23] : memref<2000x128xf32, #tpu.memory_space<vmem>>, vector<2000x128xf32>
    %mul3A = arith.constant 2.000000e+00 : f32
    %mul3A_25 = vector.broadcast %mul3A : f32 to vector<2000x128xf32>
    %mul3A_26 = arith.mulf %mul3A_25, %get3A_24 : vector<2000x128xf32>
    %get3A_27 = arith.constant 0 : index
    %get3A_28 = arith.constant 0 : index
    %get3A_29 = vector.load %arg7[%get3A_27, %get3A_28] : memref<2000x128xf32, #tpu.memory_space<vmem>>, vector<2000x128xf32>
    %sub3A = arith.subf %mul3A_26, %get3A_29 : vector<2000x128xf32>
    %add3A_30 = arith.addf %sub3A, %add3A_21 : vector<2000x128xf32>
    %swap3A = arith.constant 0 : index
    %swap3A_31 = arith.constant 0 : index
    %swap3A_32 = vector.load %arg8[%swap3A, %swap3A_31] : memref<2000x128xf32, #tpu.memory_space<vmem>>, vector<2000x128xf32>
    tpu.vector_store %arg8[%swap3A, %swap3A_31], %add3A_30 {strides = array<i32>} : memref<2000x128xf32, #tpu.memory_space<vmem>>, vector<2000x128xf32>,
    return
  }
  func.func @transform_0(%arg0: i32) -> (i32, i32) {
    %c0_i32 = arith.constant 0 : i32
    %c0_i32_0 = arith.constant 0 : i32
    return %arg0, %c0_i32 : i32, i32
  }
  func.func @transform_1(%arg0: i32) -> (i32, i32) {
    %c0_i32 = arith.constant 0 : i32
    %c0_i32_0 = arith.constant 0 : i32
    %c0_i32_1 = arith.constant 0 : i32
    return %c0_i32, %c0_i32_0 : i32, i32
  }
  func.func @transform_2(%arg0: i32) -> (i32, i32) {
    %c0_i32 = arith.constant 0 : i32
    %c0_i32_0 = arith.constant 0 : i32
    %c0_i32_1 = arith.constant 0 : i32
    return %c0_i32, %c0_i32_0 : i32, i32
  }
  func.func @transform_3(%arg0: i32) -> (i32, i32) {
    %c0_i32 = arith.constant 0 : i32
    %c0_i32_0 = arith.constant 0 : i32
    %c0_i32_1 = arith.constant 0 : i32
    return %c0_i32, %c0_i32_0 : i32, i32
  }
  func.func @transform_4(%arg0: i32) -> (i32, i32) {
    %c0_i32 = arith.constant 0 : i32
    %c0_i32_0 = arith.constant 0 : i32
    %c0_i32_1 = arith.constant 0 : i32
    return %c0_i32, %c0_i32_0 : i32, i32
  }
  func.func @transform_5(%arg0: i32) -> (i32, i32) {
    %c0_i32 = arith.constant 0 : i32
    %c0_i32_0 = arith.constant 0 : i32
    return %arg0, %c0_i32 : i32, i32
  }
  func.func @transform_6(%arg0: i32) -> (i32, i32) {
    %c0_i32 = arith.constant 0 : i32
    %c0_i32_0 = arith.constant 0 : i32
    return %arg0, %c0_i32 : i32, i32
  }
  func.func @transform_7(%arg0: i32) -> (i32, i32) {
    %c0_i32 = arith.constant 0 : i32
    %c0_i32_0 = arith.constant 0 : i32
    return %arg0, %c0_i32 : i32, i32
  }
}

</mosaic_0001>

<sc_bundles>
// kernel: closed_call.22.cloned.1.call-start
scs
__scs_entry_jumppad:
0x0: {  	(pc) =	sbr.rel $0x88, $3  }
0x1: {  	(tag) =	ssettag $0x0;
	lr =	simm.s32 $0x1  }
0x2: {  	[smem:$0x3F8A] =	sst lr;
	_ =	strace $0xD0000000  }
0x3: {  	_ = 	snop  }
0x4: {  	_ = 	snop  }
0x5: {  	_ = 	snop  }
0x6: {  	_ = 	snop  }
0x7: {  	_ = 	snop  }
__scs_overlays_trampoline_lowered:
0x8: {  	[smem:$0x3F99] =	sst s0  }
0x9: {  	[smem:$0x3F9A] =	sst s1  }
0xa: {  	[smem:$0x3F9B] =	sst s2  }
0xb: {  	[smem:$0x3F9C] =	sst s3  }
0xc: {  	[smem:$0x3F9D] =	sst s4  }
0xd: {  	[smem:$0x3F9E] =	sst s5  }
0xe: {  	[smem:$0x3F9F] =	sst s6  }
0xf: {  	[smem:$0x3FA0] =	sst s7  }
0x10: {  	[smem:$0x3FA1] =	sst s8  }
0x11: {  	[smem:$0x3FA2] =	sst s9;
	s0 =	simm.s32 @!p0 $0x0  }
0x12: {  	s1 =	sld [smem:$0x3F88];
	s0 =	simm.s32 @p0 $0x1  }
0x13: {  	[smem:$0x3FA3] =	sst s0;
	s0 =	simm.s32 @!p1 $0x0  }
0x14: {  	s2 =	sld [smem:$0x3F87];
	s0 =	simm.s32 @p1 $0x1  }
0x15: {  	[smem:$0x3FA4] =	sst s0;
	s0 =	simm.s32 @!p2 $0x0  }
0x16: {  	s3 =	sld [smem:$0x3FDB];
	s0 =	simm.s32 @p2 $0x1  }
0x17: {  	s4 =	simm.s32 $0x1BF5;
	[smem:$0x3FA6] =	sst s0  }
0x18: {  	s0 =	sld [smem:$0x3F89];
	_ =	swait.ge [sflag:s4], $0x0  }
0x19: {  	s7 =	sld [smem:$0x3F8A]  }
0x1a: {  	s8 =	sadd.s32 $0xFFFFE003, lr  }
0x1b: {  	s9 =	sadd.s32 $0xFFFFFEF7, lr;
	s5 =	simm.s32 $0xFFFFFFFF;
	p2 =	slt.u32 s8, $0xFFFFF086  }
0x1c: {  	p1 =	slt.u32 s9, $0xF7A;
	s5 =	simm.s32 @!p2 $0x0  }
0x1d: {  	s5 =	simm.s32 @p1 $0x1;
	p0 =	seq.s32 s7, s2  }
0x1e: {  	s7 =	smul.u32 @!p0 $0xF7A, s2;
	p2 =	seq.s32 @!p0 s5, $0x0  }
0x1f: {  	s9 =	smul.u32 $0xF7A, s1;
	s8 =	simm.s32 @!p0 $0x1BF5;
	p2 =	por !p2, p0  }
0x20: {  	[sflag:s8] =	ssyncset.s32 @!p0 $0xFFFFF086;
	s6 =	sadd.s32 @!p0 s3, s7;
	s7 =	simm.s32 @!p0 $0x108  }
0x21: {  	s3 =	sadd.s32 s3, s9;
	s6 =	sadd.s32 @!p0 $0x88, s6;
	s7 =	simm.s32 @p2 $0x1082  }
0x22: {  	[simem:s7], [sflag:s8] =	dma.local @!p0 [hbm:s6], $0xF7A  }
0x23: {  	s9 =	sor.u32 $0xD0000000, s2;
	s6 =	simm.s32 $0x108;
	_ =	swait.ge @!p0 [sflag:s8], $0x0  }
0x24: {  	s3 =	sadd.s32 $0x88, s3;
	s6 =	simm.s32 @!p1 $0x1082;
	[sflag:s4] =	ssyncset.s32 $0xFFFFF086  }
0x25: {  	[simem:s6], [sflag:s4] =	dma.local [hbm:s3], $0xF7A  }
0x26: {  	[smem:$0x3F8A] =	sst s1;
	(tag) =	ssettag s2;
	_ =	strace s9  }
0x27: {  	s1 =	sld [smem:$0x3F9A]  }
0x28: {  	s2 =	sld [smem:$0x3F9B]  }
0x29: {  	s4 =	sld [smem:$0x3F9D]  }
0x2a: {  	p0 =	seq.s32 s5, $0x0;
	s5 =	sld [smem:$0x3F9E]  }
0x2b: {  	s6 =	sld [smem:$0x3F9F]  }
0x2c: {  	s7 =	sld [smem:$0x3FA0]  }
0x2d: {  	s3 =	simm.s32 $0x108;
	s8 =	sld [smem:$0x3FA1]  }
0x2e: {  	s3 =	simm.s32 @!p0 $0x1082;
	s9 =	sld [smem:$0x3FA2]  }
0x2f: {  	lr =	sadd.s32 s0, s3;
	s0 =	sld [smem:$0x3F99]  }
0x30: {  	s3 =	sld [smem:$0x3F9C]  }
0x31: {  	[smem:$0x3FA5] =	sst s10  }
0x32: {  	s10 =	sld [smem:$0x3FA3];
	_ =	sdelay $0x3  }
0x33: {  	p0 =	seq.s32 s10, $0x1;
	s10 =	sld [smem:$0x3FA5];
	_ =	sdelay $0x3  }
0x34: {  	[smem:$0x3FA5] =	sst s10  }
0x35: {  	s10 =	sld [smem:$0x3FA4];
	_ =	sdelay $0x3  }
0x36: {  	p1 =	seq.s32 s10, $0x1;
	s10 =	sld [smem:$0x3FA5];
	_ =	sdelay $0x3  }
0x37: {  	[smem:$0x3FA5] =	sst s10  }
0x38: {  	s10 =	sld [smem:$0x3FA6]  }
0x39: {  	_ = 	snop;
	(pc) =	sbr.ind lr, $3  }
0x3a: {  	_ = 	snop  }
0x3b: {  	_ = 	snop  }
0x3c: {  	p2 =	seq.s32 s10, $0x1;
	s10 =	sld [smem:$0x3FA5]  }
0x3d: {  	_ =	shalt  }
0x3e: {  	_ =	shalt  }
0x3f: {  	_ =	shalt  }
0x40: {  	_ =	shalt  }
0x41: {  	_ =	shalt  }
0x42: {  	_ =	shalt  }
0x43: {  	_ =	shalt  }
0x44: {  	_ =	shalt  }
0x45: {  	_ =	shalt  }
0x46: {  	_ =	shalt  }
0x47: {  	_ =	shalt  }
0x48: {  	_ =	shalt  }
0x49: {  	_ =	shalt  }
0x4a: {  	_ =	shalt  }
0x4b: {  	_ =	shalt  }
0x4c: {  	_ =	shalt  }
0x4d: {  	_ =	shalt  }
0x4e: {  	_ =	shalt  }
0x4f: {  	_ =	shalt  }
0x50: {  	_ =	shalt  }
0x51: {  	_ =	shalt  }
0x52: {  	_ =	shalt  }
0x53: {  	_ =	shalt  }
0x54: {  	_ =	shalt  }
0x55: {  	_ =	shalt  }
0x56: {  	_ =	shalt  }
0x57: {  	_ =	shalt  }
0x58: {  	_ =	shalt  }
0x59: {  	_ =	shalt  }
0x5a: {  	_ =	shalt  }
0x5b: {  	_ =	shalt  }
0x5c: {  	_ =	shalt  }
0x5d: {  	_ =	shalt  }
0x5e: {  	_ =	shalt  }
0x5f: {  	_ =	shalt  }
0x60: {  	_ =	shalt  }
0x61: {  	_ =	shalt  }
0x62: {  	_ =	shalt  }
0x63: {  	_ =	shalt  }
0x64: {  	_ =	shalt  }
0x65: {  	_ =	shalt  }
0x66: {  	_ =	shalt  }
0x67: {  	_ =	shalt  }
0x68: {  	_ =	shalt  }
0x69: {  	_ =	shalt  }
0x6a: {  	_ =	shalt  }
0x6b: {  	_ =	shalt  }
0x6c: {  	_ =	shalt  }
0x6d: {  	_ =	shalt  }
0x6e: {  	_ =	shalt  }
0x6f: {  	_ =	shalt  }
0x70: {  	_ =	shalt  }
0x71: {  	_ =	shalt  }
0x72: {  	_ =	shalt  }
0x73: {  	_ =	shalt  }
0x74: {  	_ =	shalt  }
0x75: {  	_ =	shalt  }
0x76: {  	_ =	shalt  }
0x77: {  	_ =	shalt  }
0x78: {  	_ =	shalt  }
0x79: {  	_ =	shalt  }
0x7a: {  	_ =	shalt  }
0x7b: {  	_ =	shalt  }
0x7c: {  	_ =	shalt  }
0x7d: {  	_ =	shalt  }
0x7e: {  	_ =	shalt  }
0x7f: {  	_ =	shalt  }
0x80: {  	_ =	shalt  }
0x81: {  	_ =	shalt  }
0x82: {  	_ =	shalt  }
0x83: {  	_ =	shalt  }
0x84: {  	_ =	shalt  }
0x85: {  	_ =	shalt  }
0x86: {  	_ =	shalt  }
0x87: {  	_ =	shalt  }
.Lfunc_end0:
.L_simem_size_0:
called_computation_lowered:
.L_overlay_start_0:
0x88: {  	s2 =	sld [smem:$0x3FD9]  }
0x89: {  	s3 =	sld [smem:$0x3FFE];
	_ =	sdelay $0x1  }
0x8a: {  	s1 =	srdreg.scid  }
0x8b: {  	s0 =	sand.u32 $0x1, s1  }
0x8c: {  	s16 =	sshll.u32 s0, $0xA;
	s2 =	sadd.s32 s3, s2  }
0x8d: {  	s2 =	sadd.s32 s2, s16  }
0x8e: {  	[smem:$0x3FB1] =	sst s2  }
0x8f: {  	_ = 	snop  }
0x90: {  	(tm) =	ssettm $0x1  }
0x91: {  	s17 =	sld [smem:$0x3FFB];
	_ =	sdelay $0x3  }
0x92: {  	_ =	strace s17  }
0x93: {  	s2 =	sld [smem:$0x3FFC];
	_ =	sdelay $0x3  }
0x94: {  	_ =	strace s2  }
0x95: {  	s2 =	sld [smem:$0x3FFD];
	_ =	sdelay $0x3  }
0x96: {  	_ =	strace s2  }
0x97: {  	_ =	strace $0x8FFFFFFF  }
0x98: {  	s18 =	sld [smem:$0x3FDB];
	_ =	sdelay $0x1  }
0x99: {  	s19 =	simm.s32 $_scs_section_size  }
0x9a: {  	s4 =	simm.s32 $_size__tile_overlayer_lowered;
	s5 =	simm.s32 $_tile_overlayer_lowered  }
0x9b: {  	s22 =	simm.s32 $0x1BFF;
	s21 =	sshll.u32 s5, $0x1;
	s2 =	sadd.s32 s19, s18  }
0x9c: {  	s6 =	simm.s32 $0x0;
	s20 =	sshll.u32 s4, $0x1;
	s4 =	sadd.s32 s21, s2  }
0x9d: {  	[timem:s6], [sflag:s22] =	dma.local [hbm:s4], s20  }
0x9e: {  	_ =	swait.ge [sflag:s22], s20  }
0x9f: {  	s3 =	ssub.s32 $0x0, s20;
	[sflag:s22] =	ssyncset.done $0x0  }
0xa0: {  	[sflag:s22] =	ssyncadd.s32 s3;
	_ =	sdelay $0x1  }
0xa1: {  	s23 =	simm.s32 $0x1B8B  }
0xa2: {  	_ =	swait.ge [sflag:s23], $0x1  }
0xa3: {  	[sflag:s23] =	ssyncset.done $0x0  }
0xa4: {  	s25 =	simm.s32 $0x1B8E;
	s24 =	sld [smem:$0x3FFE];
	[sflag:s23] =	ssyncadd.s32 $0xFFFFFFFF  }
0xa5: {  	s26 =	simm.s32 $execute0_lowered;
	[smem:$0x3FD2] =	sst s25  }
0xa6: {  	s4 =	sshll.u32 s26, $0x1;
	_ =	strace $0x80000049;
	[dreg:$0x1] =	wrdreg $0xFFFFFFFF  }
0xa7: {  	s28 =	simm.s32 $_size_execute0_lowered;
	s2 =	sadd.s32 s2, s4;
	[dreg:$0x0] =	wrdreg $0x0  }
0xa8: {  	s4 =	sshll.u32 s28, $0x1;
	[dreg:$0x2] =	wrdreg s2  }
0xa9: {  	[dreg:$0x3] =	wrdreg s4  }
0xaa: {  	[dreg:$0x4] =	wrdreg $0xC0  }
0xab: {  	_ =	task [dreg:s6], $0x5FFFF  }
0xac: {  	[dreg:$0x1] =	wrdreg $0xFFFFFFFF  }
0xad: {  	[dreg:$0x0] =	wrdreg $0x60  }
0xae: {  	[dreg:$0x2] =	wrdreg s24  }
0xaf: {  	[dreg:$0x3] =	wrdreg $0x9  }
0xb0: {  	_ =	task.clear_ibuf [dreg:s6], $0x4FFFF;
	_ =	strace $0x90000049  }
0xb1: {  	s29 =	simm.s32 $0x9;
	_ =	strace $0x8000004B  }
0xb2: {  	_ =	swait.ge [sflag:s29], $0x1  }
0xb3: {  	[sflag:s29] =	ssyncadd.s32 $0xFFFFFFFF  }
0xb4: {  	_ =	strace $0x9000004B  }
0xb5: {  	_ =	sfence  }
0xb6: {  	s30 =	sld [smem:$0x0];
	_ =	sdelay $0x2  }
0xb7: {  	s31 =	sshll.u32 s1, $0xD;
	s1 =	sshrl.u32 s1, $0x2  }
0xb8: {  	s3 =	sand.u32 $0x4000, s31;
	s1 =	sadd.s32 s1, s30  }
0xb9: {  	s0 =	sor.u32 s3, s0;
	s1 =	sshll.u32 s1, $0x11  }
0xba: {  	s0 =	sor.u32 s1, s0  }
0xbb: {  	s0 =	sadd.s32 $0x8F2B, s0  }
0xbc: {  	[sflag:s0] =	ssyncadd.remote.s32 $0x1  }
0xbd: {  	_ =	sfence.sel $0xFFFF  }
0xbe: {  	[dreg:$0x0] =	wrdreg $0xFFFFFFFF;
	(pc) =	sbr.abs _section_cstart, $3  }
0xbf: {  	[dreg:$0x1] =	wrdreg $0xFFFFFFFF  }
0xc0: {  	_ =	task.clear_ibuf [dreg:s6], $0x2FFFF;
	_ =	strace $0x9FFFFFFF  }
0xc1: {  	(tm) =	ssettm $0x7FFFFFFF  }
tec
execute0_lowered:
.L_overlay_start_1:
0x0: {  	(tag) =	ssettag $0x1  }
0x1: {  	s5 =	rddreg [dreg:$0x0]  }
0x2: {  	s0 =	rddreg [dreg:$0x1];
	s1 =	simm.s32 $0x0  }
0x3: {  	s6 =	srdreg.scid;
	s2 =	stileid.u32;
	s12 =	simm.s32 $0x2  }
0x4: {  	s13 =	simm.s32 $0x3;
	s14 =	simm.s32 $0x4;
	s15 =	simm.s32 $0x0  }
0x5: {  	[smem:$0x7FF] =	sst s1;
	s3 =	sadd.s32 $0x5AD000, s5;
	s4 =	sadd.s32 $0x5D4200, s5  }
0x6: {  	s6 =	sand.u32 $0x1, s6;
	s7 =	sshll.u32 s2, $0xC;
	s9 =	smul.u32 $0x4E200, s2  }
0x7: {  	_ =	strace $0x8000004A;
	s8 =	sshll.u32 s6, $0xB;
	s11 =	smul.u32 $0x27100, s6  }
.Ltmp0:
0x8: {  	s10 =	ssub.s32 $0x2, s6;
	s7 =	sor.u32 s8, s7;
	(pc) =	sbr.rel .LBB2_1-.Ltmp0, $4  }
0x9: {  	s29 =	sshrl.u32 s10, $0x1;
	s31 =	sadd.s32 s9, s5;
	s30 =	sadd.s32 s7, s5  }
0xa: {  	s8 =	ssub.s32 s10, s29;
	s9 =	sadd.s32 s11, s31;
	s10 =	simm.s32 $0x4000  }
0xb: {  	s11 =	simm.s32 $0x1;
	s5 =	sadd.s32 $0x54A00, s30;
	s6 =	sadd.s32 $0x64A00, s30  }
0xc: {  	s7 =	smax.u32 s8, $0x1;
	s8 =	sadd.s32 $0x74000, s9;
	s9 =	simm.s32 $0x9  }
.LBB2_7:
0xd: {  	_ =	swait.ge [sflag:s11], $0x2800  }
0xe: {  	[sflag:s11] =	ssyncset.done $0x0  }
0xf: {  	[sflag:s11] =	ssyncadd.s32 $0xFFFFD800  }
0x10: {  	_ =	swait.ge [sflag:s12], $0x2800  }
0x11: {  	[sflag:s12] =	ssyncset.done $0x0  }
0x12: {  	s15 =	sadd.s32 $0x1, s15;
	[sflag:s12] =	ssyncadd.s32 $0xFFFFD800  }
0x13: {  	p0 =	sne.s32 s15, s7;
	_ =	swait.ge [sflag:s13], $0x2800  }
.Ltmp1:
0x14: {  	[sflag:s13] =	ssyncset.done $0x0;
	(pc) =	sbr.rel @!p0 .LBB2_8-.Ltmp1, $4  }
0x15: {  	[sflag:s13] =	ssyncadd.s32 $0xFFFFD800  }
0x16: {  	_ =	swait.ge [sflag:s14], $0x2800  }
0x17: {  	[sflag:s14] =	ssyncset.done $0x0  }
0x18: {  	[sflag:s14] =	ssyncadd.s32 $0xFFFFD800  }
.LBB2_1:
0x19: {  	[tilespmem:s1], [sflag:$0x9] =	stream.linear.gather [hbm4b:s5+s1], $0x3E80, $0x38;
	[tilespmem:$0x12000] =	vst v63  }
0x1a: {  	_ =	swait.ge [sflag:s9], $0x3E80  }
0x1b: {  	[sflag:s9] =	ssyncset.done $0x0  }
.Ltmp2:
0x1c: {  	[sflag:s9] =	ssyncadd.s32 $0xFFFFC180;
	(pc) =	sbr.rel .LBB2_2-.Ltmp2, $4  }
0x1d: {  	[tilespmem:s10], [sflag:$0x9] =	stream.linear.gather [hbm4b:s6+s1], $0x3E80, $0x38;
	[tilespmem:$0x12000] =	vst v63  }
0x1e: {  	_ =	swait.ge [sflag:s9], $0x3E80  }
0x1f: {  	s16 =	simm.s32 $0x3F80;
	s17 =	smov.u32 s8;
	[sflag:s9] =	ssyncset.done $0x0  }
0x20: {  	s18 =	simm.s32 $0x0;
	s19 =	simm.s32 $0x0;
	[sflag:s9] =	ssyncadd.s32 $0xFFFFC180  }
.LBB2_6:
0x21: {  	s19 =	sadd.s32 $0x1, s19  }
0x22: {  	p0 =	sne.s32 s19, $0x7F  }
.Ltmp3:
0x23: {  	_ = 	snop;
	(pc) =	sbr.rel @!p0 .LBB2_7-.Ltmp3, $2  }
0x24: {  	_ =	sdelay $0x2  }
0x25: {  	s18 =	sadd.s32 $0x80, s18;
	s17 =	sadd.s32 $0x500, s17;
	s16 =	sadd.s32 $0x80, s16  }
.LBB2_2:
0x26: {  	p0 =	slt.u32 s19, $0x2  }
0x27: {  	s20 =	sadd.s32 @!p0 $0xFFFFFFFE, s19  }
0x28: {  	s20 =	sand.u32 @!p0 $0x3, s20  }
0x29: {  	p1 =	sgt.s32 @!p0 s20, $0x1  }
0x2a: {  	p2 =	por !p1, p0  }
0x2b: {  	p2 =	seq.s32 @!p2 s20, $0x2  }
0x2c: {  	p3 =	por @!p0 !p2, !p1  }
0x2d: {  	p3 =	por p3, p0  }
0x2e: {  	s21 =	simm.s32 @!p3 $0x7  }
0x2f: {  	p2 =	por @!p0 p2, !p1;
	_ =	swait.ge @!p3 [sflag:s21], $0x2800  }
0x30: {  	p2 =	por p2, p0;
	[sflag:s21] =	ssyncset.done @!p3 $0x0  }
0x31: {  	s22 =	simm.s32 @!p3 $0xD000;
	[sflag:s21] =	ssyncadd.s32 @!p3 $0xFFFFD800;
	s21 =	simm.s32 @!p3 $0x0  }
0x32: {  	[hbm4b:s17+s21] =	stream.linear.scatter @!p3 [tilespmem:s22], [sflag:$0x3], $0x2800, $0x38;
	[tilespmem:$0x12000] =	vst v63  }
0x33: {  	s21 =	simm.s32 @!p2 $0x8  }
0x34: {  	_ =	swait.ge @!p2 [sflag:s21], $0x2800  }
0x35: {  	[sflag:s21] =	ssyncset.done @!p2 $0x0  }
0x36: {  	s22 =	simm.s32 @!p2 $0xF800;
	[sflag:s21] =	ssyncadd.s32 @!p2 $0xFFFFD800;
	s21 =	simm.s32 @!p2 $0x0  }
0x37: {  	[hbm4b:s17+s21] =	stream.linear.scatter @!p2 [tilespmem:s22], [sflag:$0x4], $0x2800, $0x38;
	[tilespmem:$0x12000] =	vst v63  }
0x38: {  	p2 =	por p1, p0  }
0x39: {  	p2 =	seq.s32 @!p2 s20, $0x0  }
0x3a: {  	p3 =	por @!p0 !p2, p1  }
0x3b: {  	p3 =	por p3, p0  }
0x3c: {  	s20 =	simm.s32 @!p3 $0x5  }
0x3d: {  	p1 =	por @!p0 p2, p1;
	_ =	swait.ge @!p3 [sflag:s20], $0x2800  }
0x3e: {  	p0 =	por p1, p0;
	[sflag:s20] =	ssyncset.done @!p3 $0x0  }
0x3f: {  	s21 =	simm.s32 @!p3 $0x8000;
	[sflag:s20] =	ssyncadd.s32 @!p3 $0xFFFFD800;
	s20 =	simm.s32 @!p3 $0x0  }
0x40: {  	[hbm4b:s17+s20] =	stream.linear.scatter @!p3 [tilespmem:s21], [sflag:$0x1], $0x2800, $0x38;
	[tilespmem:$0x12000] =	vst v63  }
0x41: {  	s20 =	simm.s32 @!p0 $0x6  }
0x42: {  	_ =	swait.ge @!p0 [sflag:s20], $0x2800  }
0x43: {  	[sflag:s20] =	ssyncset.done @!p0 $0x0  }
0x44: {  	s21 =	simm.s32 @!p0 $0xA800;
	[sflag:s20] =	ssyncadd.s32 @!p0 $0xFFFFD800;
	s20 =	simm.s32 @!p0 $0x0  }
0x45: {  	[hbm4b:s17+s20] =	stream.linear.scatter @!p0 [tilespmem:s21], [sflag:$0x2], $0x2800, $0x38;
	[tilespmem:$0x12000] =	vst v63  }
0x46: {  	p0 =	seq.s32 s19, $0x0  }
.Ltmp4:
0x47: {  	_ = 	snop;
	(pc) =	sbr.rel @p0 .LBB2_4-.Ltmp4, $1  }
0x48: {  	_ =	sdelay $0x3  }
0x49: {  	p0 =	seq.s32 s19, $0x7E  }
0x4a: {  	s20 =	sadd.s32 @!p0 $0xFFFFFFFF, s19  }
0x4b: {  	s20 =	sand.u32 @!p0 $0x3, s20  }
0x4c: {  	p1 =	sgt.s32 @!p0 s20, $0x1  }
0x4d: {  	p2 =	por !p1, p0  }
0x4e: {  	p2 =	seq.s32 @!p2 s20, $0x2  }
0x4f: {  	p3 =	por @!p0 !p2, !p1  }
0x50: {  	p3 =	por p3, p0  }
0x51: {  	s21 =	simm.s32 @!p3 $0x3  }
0x52: {  	p2 =	por @!p0 p2, !p1;
	_ =	swait.ge @!p3 [sflag:s21], $0x2800  }
0x53: {  	p2 =	por p2, p0;
	[sflag:s21] =	ssyncset.done @!p3 $0x0  }
0x54: {  	s22 =	simm.s32 @!p3 $0xD000;
	[sflag:s21] =	ssyncadd.s32 @!p3 $0xFFFFD800;
	s21 =	simm.s32 @!p3 $0x50  }
0x55: {  	[tilespmem:s22], [sflag:$0x7] =	stream.indirect.gather.add.f32 @!p3 [hbm:s4], $0x80, s16, s21, $0xb8;
	[tilespmem:$0x12000] =	vst v63  }
0x56: {  	s21 =	simm.s32 @!p2 $0x4  }
0x57: {  	_ =	swait.ge @!p2 [sflag:s21], $0x2800  }
0x58: {  	[sflag:s21] =	ssyncset.done @!p2 $0x0  }
0x59: {  	s22 =	simm.s32 @!p2 $0xF800;
	[sflag:s21] =	ssyncadd.s32 @!p2 $0xFFFFD800;
	s21 =	simm.s32 @!p2 $0x50  }
0x5a: {  	[tilespmem:s22], [sflag:$0x8] =	stream.indirect.gather.add.f32 @!p2 [hbm:s4], $0x80, s16, s21, $0xb8;
	[tilespmem:$0x12000] =	vst v63  }
0x5b: {  	p2 =	por p1, p0  }
0x5c: {  	p2 =	seq.s32 @!p2 s20, $0x0  }
0x5d: {  	p3 =	por @!p0 !p2, p1  }
0x5e: {  	p3 =	por p3, p0  }
0x5f: {  	s20 =	simm.s32 @!p3 $0x1  }
0x60: {  	p1 =	por @!p0 p2, p1;
	_ =	swait.ge @!p3 [sflag:s20], $0x2800  }
0x61: {  	p0 =	por p1, p0;
	[sflag:s20] =	ssyncset.done @!p3 $0x0  }
0x62: {  	s21 =	simm.s32 @!p3 $0x8000;
	[sflag:s20] =	ssyncadd.s32 @!p3 $0xFFFFD800;
	s20 =	simm.s32 @!p3 $0x50  }
0x63: {  	[tilespmem:s21], [sflag:$0x5] =	stream.indirect.gather.add.f32 @!p3 [hbm:s4], $0x80, s16, s20, $0xb8;
	[tilespmem:$0x12000] =	vst v63  }
0x64: {  	s20 =	simm.s32 @!p0 $0x2  }
0x65: {  	_ =	swait.ge @!p0 [sflag:s20], $0x2800  }
0x66: {  	[sflag:s20] =	ssyncset.done @!p0 $0x0  }
0x67: {  	s21 =	simm.s32 @!p0 $0xA800;
	[sflag:s20] =	ssyncadd.s32 @!p0 $0xFFFFD800;
	s20 =	simm.s32 @!p0 $0x50  }
0x68: {  	[tilespmem:s21], [sflag:$0x6] =	stream.indirect.gather.add.f32 @!p0 [hbm:s4], $0x80, s16, s20, $0xb8;
	[tilespmem:$0x12000] =	vst v63  }
.LBB2_4:
0x69: {  	p0 =	sgt.u32 s19, $0x7C  }
.Ltmp5:
0x6a: {  	_ = 	snop;
	(pc) =	sbr.rel @p0 .LBB2_6-.Ltmp5, $1  }
0x6b: {  	_ =	sdelay $0x3  }
0x6c: {  	s20 =	sand.u32 $0x3, s19  }
0x6d: {  	p0 =	sgt.s32 s20, $0x1  }
0x6e: {  	p1 =	seq.s32 @p0 s20, $0x2  }
0x6f: {  	p2 =	por !p1, !p0  }
0x70: {  	p3 =	slt.u32 @!p2 s19, $0x4  }
0x71: {  	p3 =	por @p0 p3, !p1  }
0x72: {  	p3 =	por p3, !p0  }
0x73: {  	s21 =	simm.s32 @!p3 $0x3  }
0x74: {  	_ =	swait.ge @!p3 [sflag:s21], $0x2800  }
0x75: {  	[sflag:s21] =	ssyncset.done @!p3 $0x0  }
0x76: {  	s22 =	simm.s32 @!p2 $0xD000;
	[sflag:s21] =	ssyncadd.s32 @!p3 $0xFFFFD800;
	s21 =	simm.s32 @!p2 $0x50  }
0x77: {  	[tilespmem:s22], [sflag:$0x3] =	stream.indirect.gather @!p2 [hbm4b:s3+s21], $0x80, s18, s21, $0xb8;
	[tilespmem:$0x12000] =	vst v63  }
0x78: {  	p2 =	por p1, !p0  }
0x79: {  	p3 =	slt.u32 @!p2 s19, $0x4  }
0x7a: {  	p1 =	por @p0 p3, p1  }
0x7b: {  	p1 =	por p1, !p0  }
0x7c: {  	s21 =	simm.s32 @!p1 $0x4  }
0x7d: {  	_ =	swait.ge @!p1 [sflag:s21], $0x2800  }
0x7e: {  	s22 =	simm.s32 @!p2 $0xF800;
	[sflag:s21] =	ssyncset.done @!p1 $0x0  }
0x7f: {  	[sflag:s21] =	ssyncadd.s32 @!p1 $0xFFFFD800;
	s21 =	simm.s32 @!p2 $0x50;
	p1 =	seq.s32 @!p0 s20, $0x0  }
0x80: {  	[tilespmem:s22], [sflag:$0x4] =	stream.indirect.gather @!p2 [hbm4b:s3+s21], $0x80, s18, s21, $0xb8;
	[tilespmem:$0x12000] =	vst v63  }
0x81: {  	p2 =	por !p1, p0  }
0x82: {  	p3 =	slt.u32 @!p2 s19, $0x4  }
0x83: {  	p3 =	por @!p0 p3, !p1  }
0x84: {  	p3 =	por p3, p0  }
0x85: {  	s20 =	simm.s32 @!p3 $0x1  }
0x86: {  	_ =	swait.ge @!p3 [sflag:s20], $0x2800  }
0x87: {  	[sflag:s20] =	ssyncset.done @!p3 $0x0  }
0x88: {  	s21 =	simm.s32 @!p2 $0x8000;
	[sflag:s20] =	ssyncadd.s32 @!p3 $0xFFFFD800;
	s20 =	simm.s32 @!p2 $0x50  }
0x89: {  	[tilespmem:s21], [sflag:$0x1] =	stream.indirect.gather @!p2 [hbm4b:s3+s20], $0x80, s18, s20, $0xb8;
	[tilespmem:$0x12000] =	vst v63  }
0x8a: {  	p2 =	por p1, p0  }
0x8b: {  	p3 =	slt.u32 @!p2 s19, $0x4  }
0x8c: {  	p1 =	por @!p0 p3, p1  }
0x8d: {  	p0 =	por p1, p0  }
.Ltmp6:
0x8e: {  	s20 =	simm.s32 @!p0 $0x2;
	(pc) =	sbr.rel .LBB2_6-.Ltmp6, $4  }
0x8f: {  	_ =	swait.ge @!p0 [sflag:s20], $0x2800  }
0x90: {  	[sflag:s20] =	ssyncset.done @!p0 $0x0  }
0x91: {  	s21 =	simm.s32 @!p2 $0xA800;
	[sflag:s20] =	ssyncadd.s32 @!p0 $0xFFFFD800;
	s20 =	simm.s32 @!p2 $0x50  }
0x92: {  	[tilespmem:s21], [sflag:$0x2] =	stream.indirect.gather @!p2 [hbm4b:s3+s20], $0x80, s18, s20, $0xb8;
	[tilespmem:$0x12000] =	vst v63  }
.LBB2_8:
0x93: {  	_ =	sfence.sel $0x180000  }
0x94: {  	[bflag:$0x0] =	sbarrier.arrive $0xFFFF  }
0x95: {  	p0 =	sne.s32 s2, $0x0;
	_ =	strace $0x9000004A  }
0x96: {  	s0 =	sadd.s32 @!p0 $0x100000, s0;
	[bflag:$0x2] =	sbarrier.arrive $0xFFFF  }
0x97: {  	[sflag:s0] =	ssyncadd.tile.s32 @!p0 $0x1;
	_ =	shalt  }
.Lfunc_end2:
_tile_overlayer_lowered:
.L_overlay_start_2:
0x98: {  	(tag) =	ssettag $0x2  }
0x99: {  	s0 =	rddreg [dreg:$0x0];
	s2 =	stileid.u32  }
0x9a: {  	s1 =	rddreg [dreg:$0x1];
	p0 =	sne.s32 s2, $0x0  }
0x9b: {  	s3 =	rddreg [dreg:$0x2];
	[bflag:$0x3] =	sbarrier.arrive $0xFFFF;
	s2 =	simm.s32 @!p0 $0x1C09  }
0x9c: {  	[timem:s3], [sflag:s2] =	dma.local @!p0 [hbm:s0], s1  }
0x9d: {  	s0 =	simm.s32 @!p0 $0x9  }
0x9e: {  	_ =	swait.ge @!p0 [sflag:s0], s1  }
0x9f: {  	s1 =	ssub.s32 @!p0 $0x0, s1;
	[sflag:s0] =	ssyncset.done @!p0 $0x0  }
0xa0: {  	[sflag:s0] =	ssyncadd.s32 @!p0 s1  }
0xa1: {  	[bflag:$0x3] =	sbarrier.arrive $0xFFFF  }
0xa2: {  	_ =	shalt  }

// kernel: closed_call.25.cloned.1.call-start
scs
__scs_entry_jumppad:
0x0: {  	(pc) =	sbr.rel $0x88, $3  }
0x1: {  	(tag) =	ssettag $0x0;
	lr =	simm.s32 $0x1  }
0x2: {  	[smem:$0x3F8A] =	sst lr;
	_ =	strace $0xD0000000  }
0x3: {  	_ = 	snop  }
0x4: {  	_ = 	snop  }
0x5: {  	_ = 	snop  }
0x6: {  	_ = 	snop  }
0x7: {  	_ = 	snop  }
__scs_overlays_trampoline_lowered:
0x8: {  	[smem:$0x3F99] =	sst s0  }
0x9: {  	[smem:$0x3F9A] =	sst s1  }
0xa: {  	[smem:$0x3F9B] =	sst s2  }
0xb: {  	[smem:$0x3F9C] =	sst s3  }
0xc: {  	[smem:$0x3F9D] =	sst s4  }
0xd: {  	[smem:$0x3F9E] =	sst s5  }
0xe: {  	[smem:$0x3F9F] =	sst s6  }
0xf: {  	[smem:$0x3FA0] =	sst s7  }
0x10: {  	[smem:$0x3FA1] =	sst s8  }
0x11: {  	[smem:$0x3FA2] =	sst s9;
	s0 =	simm.s32 @!p0 $0x0  }
0x12: {  	s1 =	sld [smem:$0x3F88];
	s0 =	simm.s32 @p0 $0x1  }
0x13: {  	[smem:$0x3FA3] =	sst s0;
	s0 =	simm.s32 @!p1 $0x0  }
0x14: {  	s2 =	sld [smem:$0x3F87];
	s0 =	simm.s32 @p1 $0x1  }
0x15: {  	[smem:$0x3FA4] =	sst s0;
	s0 =	simm.s32 @!p2 $0x0  }
0x16: {  	s3 =	sld [smem:$0x3FDB];
	s0 =	simm.s32 @p2 $0x1  }
0x17: {  	s4 =	simm.s32 $0x1BF5;
	[smem:$0x3FA6] =	sst s0  }
0x18: {  	s0 =	sld [smem:$0x3F89];
	_ =	swait.ge [sflag:s4], $0x0  }
0x19: {  	s7 =	sld [smem:$0x3F8A]  }
0x1a: {  	s8 =	sadd.s32 $0xFFFFE003, lr  }
0x1b: {  	s9 =	sadd.s32 $0xFFFFFEF7, lr;
	s5 =	simm.s32 $0xFFFFFFFF;
	p2 =	slt.u32 s8, $0xFFFFF086  }
0x1c: {  	p1 =	slt.u32 s9, $0xF7A;
	s5 =	simm.s32 @!p2 $0x0  }
0x1d: {  	s5 =	simm.s32 @p1 $0x1;
	p0 =	seq.s32 s7, s2  }
0x1e: {  	s7 =	smul.u32 @!p0 $0xF7A, s2;
	p2 =	seq.s32 @!p0 s5, $0x0  }
0x1f: {  	s9 =	smul.u32 $0xF7A, s1;
	s8 =	simm.s32 @!p0 $0x1BF5;
	p2 =	por !p2, p0  }
0x20: {  	[sflag:s8] =	ssyncset.s32 @!p0 $0xFFFFF086;
	s6 =	sadd.s32 @!p0 s3, s7;
	s7 =	simm.s32 @!p0 $0x108  }
0x21: {  	s3 =	sadd.s32 s3, s9;
	s6 =	sadd.s32 @!p0 $0x88, s6;
	s7 =	simm.s32 @p2 $0x1082  }
0x22: {  	[simem:s7], [sflag:s8] =	dma.local @!p0 [hbm:s6], $0xF7A  }
0x23: {  	s9 =	sor.u32 $0xD0000000, s2;
	s6 =	simm.s32 $0x108;
	_ =	swait.ge @!p0 [sflag:s8], $0x0  }
0x24: {  	s3 =	sadd.s32 $0x88, s3;
	s6 =	simm.s32 @!p1 $0x1082;
	[sflag:s4] =	ssyncset.s32 $0xFFFFF086  }
0x25: {  	[simem:s6], [sflag:s4] =	dma.local [hbm:s3], $0xF7A  }
0x26: {  	[smem:$0x3F8A] =	sst s1;
	(tag) =	ssettag s2;
	_ =	strace s9  }
0x27: {  	s1 =	sld [smem:$0x3F9A]  }
0x28: {  	s2 =	sld [smem:$0x3F9B]  }
0x29: {  	s4 =	sld [smem:$0x3F9D]  }
0x2a: {  	p0 =	seq.s32 s5, $0x0;
	s5 =	sld [smem:$0x3F9E]  }
0x2b: {  	s6 =	sld [smem:$0x3F9F]  }
0x2c: {  	s7 =	sld [smem:$0x3FA0]  }
0x2d: {  	s3 =	simm.s32 $0x108;
	s8 =	sld [smem:$0x3FA1]  }
0x2e: {  	s3 =	simm.s32 @!p0 $0x1082;
	s9 =	sld [smem:$0x3FA2]  }
0x2f: {  	lr =	sadd.s32 s0, s3;
	s0 =	sld [smem:$0x3F99]  }
0x30: {  	s3 =	sld [smem:$0x3F9C]  }
0x31: {  	[smem:$0x3FA5] =	sst s10  }
0x32: {  	s10 =	sld [smem:$0x3FA3];
	_ =	sdelay $0x3  }
0x33: {  	p0 =	seq.s32 s10, $0x1;
	s10 =	sld [smem:$0x3FA5];
	_ =	sdelay $0x3  }
0x34: {  	[smem:$0x3FA5] =	sst s10  }
0x35: {  	s10 =	sld [smem:$0x3FA4];
	_ =	sdelay $0x3  }
0x36: {  	p1 =	seq.s32 s10, $0x1;
	s10 =	sld [smem:$0x3FA5];
	_ =	sdelay $0x3  }
0x37: {  	[smem:$0x3FA5] =	sst s10  }
0x38: {  	s10 =	sld [smem:$0x3FA6]  }
0x39: {  	_ = 	snop;
	(pc) =	sbr.ind lr, $3  }
0x3a: {  	_ = 	snop  }
0x3b: {  	_ = 	snop  }
0x3c: {  	p2 =	seq.s32 s10, $0x1;
	s10 =	sld [smem:$0x3FA5]  }
0x3d: {  	_ =	shalt  }
0x3e: {  	_ =	shalt  }
0x3f: {  	_ =	shalt  }
0x40: {  	_ =	shalt  }
0x41: {  	_ =	shalt  }
0x42: {  	_ =	shalt  }
0x43: {  	_ =	shalt  }
0x44: {  	_ =	shalt  }
0x45: {  	_ =	shalt  }
0x46: {  	_ =	shalt  }
0x47: {  	_ =	shalt  }
0x48: {  	_ =	shalt  }
0x49: {  	_ =	shalt  }
0x4a: {  	_ =	shalt  }
0x4b: {  	_ =	shalt  }
0x4c: {  	_ =	shalt  }
0x4d: {  	_ =	shalt  }
0x4e: {  	_ =	shalt  }
0x4f: {  	_ =	shalt  }
0x50: {  	_ =	shalt  }
0x51: {  	_ =	shalt  }
0x52: {  	_ =	shalt  }
0x53: {  	_ =	shalt  }
0x54: {  	_ =	shalt  }
0x55: {  	_ =	shalt  }
0x56: {  	_ =	shalt  }
0x57: {  	_ =	shalt  }
0x58: {  	_ =	shalt  }
0x59: {  	_ =	shalt  }
0x5a: {  	_ =	shalt  }
0x5b: {  	_ =	shalt  }
0x5c: {  	_ =	shalt  }
0x5d: {  	_ =	shalt  }
0x5e: {  	_ =	shalt  }
0x5f: {  	_ =	shalt  }
0x60: {  	_ =	shalt  }
0x61: {  	_ =	shalt  }
0x62: {  	_ =	shalt  }
0x63: {  	_ =	shalt  }
0x64: {  	_ =	shalt  }
0x65: {  	_ =	shalt  }
0x66: {  	_ =	shalt  }
0x67: {  	_ =	shalt  }
0x68: {  	_ =	shalt  }
0x69: {  	_ =	shalt  }
0x6a: {  	_ =	shalt  }
0x6b: {  	_ =	shalt  }
0x6c: {  	_ =	shalt  }
0x6d: {  	_ =	shalt  }
0x6e: {  	_ =	shalt  }
0x6f: {  	_ =	shalt  }
0x70: {  	_ =	shalt  }
0x71: {  	_ =	shalt  }
0x72: {  	_ =	shalt  }
0x73: {  	_ =	shalt  }
0x74: {  	_ =	shalt  }
0x75: {  	_ =	shalt  }
0x76: {  	_ =	shalt  }
0x77: {  	_ =	shalt  }
0x78: {  	_ =	shalt  }
0x79: {  	_ =	shalt  }
0x7a: {  	_ =	shalt  }
0x7b: {  	_ =	shalt  }
0x7c: {  	_ =	shalt  }
0x7d: {  	_ =	shalt  }
0x7e: {  	_ =	shalt  }
0x7f: {  	_ =	shalt  }
0x80: {  	_ =	shalt  }
0x81: {  	_ =	shalt  }
0x82: {  	_ =	shalt  }
0x83: {  	_ =	shalt  }
0x84: {  	_ =	shalt  }
0x85: {  	_ =	shalt  }
0x86: {  	_ =	shalt  }
0x87: {  	_ =	shalt  }
.Lfunc_end0:
.L_simem_size_0:
called_computation.1_lowered:
.L_overlay_start_0:
0x88: {  	s2 =	sld [smem:$0x3FD9]  }
0x89: {  	s3 =	sld [smem:$0x3FFE];
	_ =	sdelay $0x1  }
0x8a: {  	s1 =	srdreg.scid  }
0x8b: {  	s0 =	sand.u32 $0x1, s1  }
0x8c: {  	s16 =	sshll.u32 s0, $0xA;
	s2 =	sadd.s32 s3, s2  }
0x8d: {  	s2 =	sadd.s32 s2, s16  }
0x8e: {  	[smem:$0x3FB1] =	sst s2  }
0x8f: {  	_ = 	snop  }
0x90: {  	(tm) =	ssettm $0x1  }
0x91: {  	s17 =	sld [smem:$0x3FFB];
	_ =	sdelay $0x3  }
0x92: {  	_ =	strace s17  }
0x93: {  	s2 =	sld [smem:$0x3FFC];
	_ =	sdelay $0x3  }
0x94: {  	_ =	strace s2  }
0x95: {  	s2 =	sld [smem:$0x3FFD];
	_ =	sdelay $0x3  }
0x96: {  	_ =	strace s2  }
0x97: {  	_ =	strace $0x8FFFFFFF  }
0x98: {  	s18 =	sld [smem:$0x3FDB];
	_ =	sdelay $0x1  }
0x99: {  	s19 =	simm.s32 $_scs_section_size  }
0x9a: {  	s4 =	simm.s32 $_size__tile_overlayer_lowered;
	s5 =	simm.s32 $_tile_overlayer_lowered  }
0x9b: {  	s22 =	simm.s32 $0x1BFF;
	s21 =	sshll.u32 s5, $0x1;
	s2 =	sadd.s32 s19, s18  }
0x9c: {  	s6 =	simm.s32 $0x0;
	s20 =	sshll.u32 s4, $0x1;
	s4 =	sadd.s32 s21, s2  }
0x9d: {  	[timem:s6], [sflag:s22] =	dma.local [hbm:s4], s20  }
0x9e: {  	_ =	swait.ge [sflag:s22], s20  }
0x9f: {  	s3 =	ssub.s32 $0x0, s20;
	[sflag:s22] =	ssyncset.done $0x0  }
0xa0: {  	[sflag:s22] =	ssyncadd.s32 s3;
	_ =	sdelay $0x1  }
0xa1: {  	s23 =	simm.s32 $0x1B8B  }
0xa2: {  	_ =	swait.ge [sflag:s23], $0x1  }
0xa3: {  	[sflag:s23] =	ssyncset.done $0x0  }
0xa4: {  	s25 =	simm.s32 $0x1B8E;
	s24 =	sld [smem:$0x3FFE];
	[sflag:s23] =	ssyncadd.s32 $0xFFFFFFFF  }
0xa5: {  	s26 =	simm.s32 $execute0_lowered;
	[smem:$0x3FD2] =	sst s25  }
0xa6: {  	s4 =	sshll.u32 s26, $0x1;
	_ =	strace $0x8000004C;
	[dreg:$0x1] =	wrdreg $0xFFFFFFFF  }
0xa7: {  	s28 =	simm.s32 $_size_execute0_lowered;
	s2 =	sadd.s32 s2, s4;
	[dreg:$0x0] =	wrdreg $0x0  }
0xa8: {  	s4 =	sshll.u32 s28, $0x1;
	[dreg:$0x2] =	wrdreg s2  }
0xa9: {  	[dreg:$0x3] =	wrdreg s4  }
0xaa: {  	[dreg:$0x4] =	wrdreg $0xC0  }
0xab: {  	_ =	task [dreg:s6], $0x5FFFF  }
0xac: {  	[dreg:$0x1] =	wrdreg $0xFFFFFFFF  }
0xad: {  	[dreg:$0x0] =	wrdreg $0x60  }
0xae: {  	[dreg:$0x2] =	wrdreg s24  }
0xaf: {  	[dreg:$0x3] =	wrdreg $0xB8000  }
0xb0: {  	[dreg:$0x4] =	wrdreg $0x9  }
0xb1: {  	_ =	task.clear_ibuf [dreg:s6], $0x5FFFF;
	_ =	strace $0x9000004C  }
0xb2: {  	s29 =	simm.s32 $0x9;
	_ =	strace $0x8000004E  }
0xb3: {  	_ =	swait.ge [sflag:s29], $0x1  }
0xb4: {  	[sflag:s29] =	ssyncadd.s32 $0xFFFFFFFF  }
0xb5: {  	_ =	strace $0x9000004E  }
0xb6: {  	_ =	sfence  }
0xb7: {  	s30 =	sld [smem:$0x0];
	_ =	sdelay $0x2  }
0xb8: {  	s31 =	sshll.u32 s1, $0xD;
	s1 =	sshrl.u32 s1, $0x2  }
0xb9: {  	s3 =	sand.u32 $0x4000, s31;
	s1 =	sadd.s32 s1, s30  }
0xba: {  	s0 =	sor.u32 s3, s0;
	s1 =	sshll.u32 s1, $0x11  }
0xbb: {  	s0 =	sor.u32 s1, s0  }
0xbc: {  	s0 =	sadd.s32 $0x8F2B, s0  }
0xbd: {  	[sflag:s0] =	ssyncadd.remote.s32 $0x1  }
0xbe: {  	_ =	sfence.sel $0xFFFF  }
0xbf: {  	[dreg:$0x0] =	wrdreg $0xFFFFFFFF;
	(pc) =	sbr.abs _section_cstart, $3  }
0xc0: {  	[dreg:$0x1] =	wrdreg $0xFFFFFFFF  }
0xc1: {  	_ =	task.clear_ibuf [dreg:s6], $0x2FFFF;
	_ =	strace $0x9FFFFFFF  }
0xc2: {  	(tm) =	ssettm $0x7FFFFFFF  }
0xc3: {  	_ =	shalt  }
tec
execute0_lowered:
.L_overlay_start_1:
0x0: {  	(tag) =	ssettag $0x1  }
0x1: {  	s0 =	rddreg [dreg:$0x0]  }
0x2: {  	s1 =	rddreg [dreg:$0x1];
	s3 =	simm.s32 $0x0;
	s25 =	stileid.u32  }
0x3: {  	s2 =	srdreg.scid;
	s31 =	simm.s32 $0x4;
	s11 =	smul.u32 $0x280, s25  }
0x4: {  	[smem:$0x7FF] =	sst s3;
	s2 =	sand.u32 $0x1, s2;
	s7 =	smul.u32 $0x50000, s25  }
0x5: {  	s4 =	sshll.u32 s25, $0x1;
	s12 =	sadd.s32 $0x5FB600, s0;
	s26 =	smul.u32 $0x4E200, s25  }
0x6: {  	s30 =	smul.u32 $0x2800, s25;
	s25 =	simm.s32 $0x3;
	_ =	strace $0x8000004D  }
0x7: {  	s10 =	sor.u32 s2, s4;
	s20 =	ssub.s32 $0x2, s2;
	p0 =	seq.s32 s2, $0x0  }
0x8: {  	s2 =	smul.u32 $0x27100, s2;
	s5 =	sshll.u32 s10, $0xB;
	s6 =	sshrl.u32 s20, $0x1  }
0x9: {  	s21 =	sshrl.u32 s7, $0x2;
	s15 =	sor.u32 $0x50, s11;
	s16 =	sadd.s32 $0xA0, s11  }
0xa: {  	s17 =	sadd.s32 $0xF0, s11;
	s18 =	sadd.s32 $0x140, s11;
	s19 =	sadd.s32 $0x190, s11  }
0xb: {  	s13 =	sadd.s32 s5, s0;
	s14 =	ssub.s32 s20, s6;
	s4 =	sadd.s32 s21, s1  }
0xc: {  	s22 =	sshll.u32 s15, $0x7;
	s23 =	sshll.u32 s16, $0x7;
	s24 =	sshll.u32 s17, $0x7  }
0xd: {  	s8 =	sshll.u32 s18, $0x7;
	s9 =	sshll.u32 s19, $0x7;
	s20 =	sadd.s32 $0x1E0, s11  }
0xe: {  	s15 =	sshll.u32 s15, $0x4;
	s16 =	sshll.u32 s16, $0x4;
	s17 =	sshll.u32 s17, $0x4  }
0xf: {  	s28 =	sshll.u32 s19, $0x4;
	s5 =	sadd.s32 s22, s1;
	s6 =	sadd.s32 s23, s1  }
0x10: {  	s7 =	sadd.s32 s24, s1;
	s8 =	sadd.s32 s8, s1;
	s9 =	sadd.s32 s9, s1  }
0x11: {  	s21 =	sshll.u32 s20, $0x7;
	s22 =	simm.s32 $0x74A00;
	s23 =	sadd.s32 $0x230, s11  }
0x12: {  	s24 =	smul.u32 $0x27100, s10;
	s13 =	sadd.s32 $0x64A00, s13;
	s22 =	simm.s32 @!p0 $0x9CA00  }
0x13: {  	s11 =	sshll.u32 s23, $0x7;
	s10 =	sadd.s32 s21, s1;
	[dreg:$0x3] =	wrdreg s13  }
0x14: {  	s23 =	sshll.u32 s23, $0x4;
	s0 =	sadd.s32 s22, s0;
	s11 =	sadd.s32 s11, s1  }
0x15: {  	s29 =	sadd.s32 s12, s24;
	s12 =	sadd.s32 s26, s12;
	s26 =	sshll.u32 s18, $0x4  }
0x16: {  	[dreg:$0x4] =	wrdreg s29;
	s29 =	sshll.u32 s20, $0x4;
	s20 =	smax.u32 s14, $0x1  }
0x17: {  	s21 =	sadd.s32 s0, s30;
	s22 =	sadd.s32 s0, s15;
	[dreg:$0x5] =	wrdreg s20  }
0x18: {  	s24 =	sadd.s32 s0, s16;
	s18 =	sadd.s32 s0, s17;
	[dreg:$0x6] =	wrdreg s21  }
0x19: {  	s19 =	sadd.s32 s0, s26;
	s30 =	sadd.s32 s2, s12;
	[dreg:$0x7] =	wrdreg s22  }
0x1a: {  	s26 =	simm.s32 $0x4000;
	[dreg:$0x8] =	wrdreg s24;
	s20 =	sadd.s32 s0, s28  }
0x1b: {  	s21 =	sadd.s32 s0, s29;
	s22 =	sadd.s32 s0, s23;
	s23 =	sadd.s32 $0x500, s30  }
0x1c: {  	v0 =	vimm.f32 $0.0e+00;
	s24 =	simm.s32 $0x9000;
	s28 =	simm.s32 $0x1;
	s0 =	simm.s32 $0x0  }
.LBB2_1:
0x1d: {  	s2 =	sand.u32 $0xFE00, s3  }
0x1e: {  	s12 =	sand.u32 $0x70, s3;
	s29 =	sshrl.u32 s2, $0x2  }
0x1f: {  	s2 =	simm.s32 $0x40;
	s29 =	sor.u32 s12, s29;
	s12 =	simm.s32 $0x0  }
.LBB2_2:
0x20: {  	p0 =	sne.s32 s2, $0x9FC0  }
0x21: {  	[tilespmem:s29+$0x9000] =	vst v0;
	s12 =	sadd.s32 $0x10, s12;
	s29 =	smov.u32 s2;
	s2 =	sadd.s32 $0x40, s2  }
.Ltmp0:
0x22: {  	(pc) =	sbr.rel @p0 .LBB2_2-.Ltmp0, $4  }
0x23: {  	_ = 	snop  }
0x24: {  	s29 =	sand.u32 $0xFE00, s29  }
0x25: {  	s30 =	sand.u32 $0x70, s12;
	s29 =	sshrl.u32 s29, $0x2  }
0x26: {  	s29 =	sor.u32 s30, s29  }
0x27: {  	[tilespmem:s29+$0x9000] =	vst v0  }
0x28: {  	[spmem:s4] =	stream.linear.scatter [tilespmem:s24], [sflag:$0x3], $0x2800, $0x38;
	[tilespmem:$0x1F800] =	vst v63  }
0x29: {  	_ =	swait.ge [sflag:s25], $0x2800  }
0x2a: {  	[sflag:s25] =	ssyncset.done $0x0  }
0x2b: {  	[sflag:s25] =	ssyncadd.s32 $0xFFFFD800  }
0x2c: {  	[spmem:s5] =	stream.linear.scatter [tilespmem:s24], [sflag:$0x3], $0x2800, $0x38;
	[tilespmem:$0x1F800] =	vst v63  }
0x2d: {  	_ =	swait.ge [sflag:s25], $0x2800  }
0x2e: {  	[sflag:s25] =	ssyncset.done $0x0  }
0x2f: {  	[sflag:s25] =	ssyncadd.s32 $0xFFFFD800  }
0x30: {  	[spmem:s6] =	stream.linear.scatter [tilespmem:s24], [sflag:$0x3], $0x2800, $0x38;
	[tilespmem:$0x1F800] =	vst v63  }
0x31: {  	_ =	swait.ge [sflag:s25], $0x2800  }
0x32: {  	[sflag:s25] =	ssyncset.done $0x0  }
0x33: {  	[sflag:s25] =	ssyncadd.s32 $0xFFFFD800  }
0x34: {  	[spmem:s7] =	stream.linear.scatter [tilespmem:s24], [sflag:$0x3], $0x2800, $0x38;
	[tilespmem:$0x1F800] =	vst v63  }
0x35: {  	_ =	swait.ge [sflag:s25], $0x2800  }
0x36: {  	[sflag:s25] =	ssyncset.done $0x0  }
0x37: {  	[sflag:s25] =	ssyncadd.s32 $0xFFFFD800  }
0x38: {  	[spmem:s8] =	stream.linear.scatter [tilespmem:s24], [sflag:$0x3], $0x2800, $0x38;
	[tilespmem:$0x1F800] =	vst v63  }
0x39: {  	_ =	swait.ge [sflag:s25], $0x2800  }
0x3a: {  	[sflag:s25] =	ssyncset.done $0x0  }
0x3b: {  	[sflag:s25] =	ssyncadd.s32 $0xFFFFD800  }
0x3c: {  	[spmem:s9] =	stream.linear.scatter [tilespmem:s24], [sflag:$0x3], $0x2800, $0x38;
	[tilespmem:$0x1F800] =	vst v63  }
0x3d: {  	_ =	swait.ge [sflag:s25], $0x2800  }
0x3e: {  	[sflag:s25] =	ssyncset.done $0x0  }
0x3f: {  	[sflag:s25] =	ssyncadd.s32 $0xFFFFD800  }
0x40: {  	[spmem:s10] =	stream.linear.scatter [tilespmem:s24], [sflag:$0x3], $0x2800, $0x38;
	[tilespmem:$0x1F800] =	vst v63  }
0x41: {  	_ =	swait.ge [sflag:s25], $0x2800  }
0x42: {  	[sflag:s25] =	ssyncset.done $0x0  }
0x43: {  	[sflag:s25] =	ssyncadd.s32 $0xFFFFD800  }
0x44: {  	[spmem:s11] =	stream.linear.scatter [tilespmem:s24], [sflag:$0x3], $0x2800, $0x38;
	[tilespmem:$0x1F800] =	vst v63  }
0x45: {  	_ =	swait.ge [sflag:s25], $0x2800  }
0x46: {  	[sflag:s25] =	ssyncset.done $0x0  }
0x47: {  	[sflag:s25] =	ssyncadd.s32 $0xFFFFD800  }
0x48: {  	[bflag:$0x0] =	sbarrier.arrive $0xFFFF  }
0x49: {  	s2 =	simm.s32 $0x0;
	s12 =	rddreg [dreg:$0x3]  }
0x4a: {  	[tilespmem:s2], [sflag:$0x3] =	stream.linear.gather [hbm4b:s12+s2], $0x3E80, $0x38;
	[tilespmem:$0x1F800] =	vst v63  }
0x4b: {  	_ =	swait.ge [sflag:s25], $0x3E80  }
0x4c: {  	s16 =	sand.u32 $0x1, s2;
	[sflag:s25] =	ssyncset.done $0x0  }
0x4d: {  	p0 =	seq.s32 s16, $0x1;
	s15 =	rddreg [dreg:$0x4];
	[sflag:s25] =	ssyncadd.s32 $0xFFFFC180  }
0x4e: {  	[tilespmem:s26], [sflag:$0x1] =	stream.linear.gather [hbm4b:s15+s2], $0x2800, $0x38;
	[tilespmem:$0x1F800] =	vst v63  }
0x4f: {  	s29 =	simm.s32 @p0 $0x4000;
	s30 =	simm.s32 @p0 $0x2;
	s12 =	simm.s32 @p0 $0x0  }
0x50: {  	[tilespmem:s29], [sflag:$0x1] =	stream.linear.gather @p0 [hbm4b:s23+s12], $0x2800, $0x38;
	[tilespmem:$0x1F800] =	vst v63  }
0x51: {  	_ =	swait.ge @p0 [sflag:s30], $0x2800  }
0x52: {  	s13 =	simm.s32 @!p0 $0x1;
	s14 =	simm.s32 @!p0 $0x4000;
	[sflag:s30] =	ssyncset.done @p0 $0x0  }
0x53: {  	s12 =	simm.s32 @p0 $0x50;
	s29 =	simm.s32 @p0 $0x6800;
	[sflag:s30] =	ssyncadd.s32 @p0 $0xFFFFD800  }
0x54: {  	[spmem:s1] =	stream.indirect.scatter.add.f32 @p0 [tilespmem:s29], [sflag:$0x3], $0x80, s2, s12, $0xb8;
	[tilespmem:$0x1F800] =	vst v63  }
0x55: {  	s30 =	simm.s32 $0x2;
	s12 =	simm.s32 @!p0 $0x0;
	s29 =	simm.s32 @!p0 $0x6800  }
0x56: {  	[tilespmem:s29], [sflag:$0x2] =	stream.linear.gather @!p0 [hbm4b:s23+s12], $0x2800, $0x38;
	[tilespmem:$0x1F800] =	vst v63  }
0x57: {  	s29 =	simm.s32 $0x1;
	s12 =	simm.s32 @!p0 $0x4;
	_ =	swait.ge @!p0 [sflag:s13], $0x2800  }
0x58: {  	s17 =	sand.u32 $0x1, s29;
	s12 =	simm.s32 @p0 $0x3;
	[sflag:s13] =	ssyncset.done @!p0 $0x0  }
0x59: {  	s29 =	sadd.s32 $0x500, s23;
	[sflag:s13] =	ssyncadd.s32 @!p0 $0xFFFFD800;
	s13 =	simm.s32 @!p0 $0x50  }
0x5a: {  	[spmem:s1] =	stream.indirect.scatter.add.f32 @!p0 [tilespmem:s14], [sflag:$0x4], $0x80, s2, s13, $0xb8;
	[tilespmem:$0x1F800] =	vst v63  }
0x5b: {  	s2 =	simm.s32 $0x80;
	p0 =	seq.s32 s17, $0x1;
	_ =	swait.ge [sflag:s12], $0x2800  }
.LBB2_4:
0x5c: {  	s13 =	simm.s32 @p0 $0x0;
	s14 =	simm.s32 @p0 $0x4000  }
0x5d: {  	[sflag:s12] =	ssyncset.done $0x0;
	s15 =	smov.u32 s30;
	s16 =	smov.u32 s2  }
0x5e: {  	s30 =	sadd.s32 $0x1, s30;
	s17 =	simm.s32 @p0 $0x2;
	[sflag:s12] =	ssyncadd.s32 $0xFFFFD800  }
0x5f: {  	[tilespmem:s14], [sflag:$0x1] =	stream.linear.gather @p0 [hbm4b:s29+s13], $0x2800, $0x38;
	[tilespmem:$0x1F800] =	vst v63  }
0x60: {  	p1 =	sne.s32 s30, $0x7C;
	_ =	swait.ge @p0 [sflag:s17], $0x2800  }
0x61: {  	s2 =	sadd.s32 $0x80, s2;
	[sflag:s17] =	ssyncset.done @p0 $0x0  }
0x62: {  	s12 =	simm.s32 @p0 $0x50;
	s13 =	simm.s32 @p0 $0x6800;
	[sflag:s17] =	ssyncadd.s32 @p0 $0xFFFFD800  }
0x63: {  	[spmem:s1] =	stream.indirect.scatter.add.f32 @p0 [tilespmem:s13], [sflag:$0x3], $0x80, s16, s12, $0xb8;
	[tilespmem:$0x1F800] =	vst v63  }
0x64: {  	s14 =	simm.s32 @!p0 $0x1;
	s12 =	simm.s32 @!p0 $0x0;
	s13 =	simm.s32 @!p0 $0x6800  }
0x65: {  	[tilespmem:s13], [sflag:$0x2] =	stream.linear.gather @!p0 [hbm4b:s29+s12], $0x2800, $0x38;
	[tilespmem:$0x1F800] =	vst v63  }
.Ltmp1:
0x66: {  	s13 =	sand.u32 $0x1, s15;
	_ =	swait.ge @!p0 [sflag:s14], $0x2800;
	(pc) =	sbr.rel @p1 .LBB2_4-.Ltmp1, $4  }
0x67: {  	s15 =	simm.s32 @!p0 $0x4000;
	s12 =	simm.s32 @!p0 $0x4;
	[sflag:s14] =	ssyncset.done @!p0 $0x0  }
0x68: {  	s12 =	simm.s32 @p0 $0x3;
	[sflag:s14] =	ssyncadd.s32 @!p0 $0xFFFFD800;
	s14 =	simm.s32 @!p0 $0x50  }
0x69: {  	[spmem:s1] =	stream.indirect.scatter.add.f32 @!p0 [tilespmem:s15], [sflag:$0x4], $0x80, s16, s14, $0xb8;
	[tilespmem:$0x1F800] =	vst v63  }
0x6a: {  	s29 =	sadd.s32 $0x500, s29;
	p0 =	seq.s32 s13, $0x1;
	_ =	swait.ge [sflag:s12], $0x2800  }
0x6b: {  	[sflag:s12] =	ssyncset.done $0x0  }
0x6c: {  	s13 =	simm.s32 @p0 $0x0;
	[sflag:s12] =	ssyncadd.s32 $0xFFFFD800;
	s12 =	simm.s32 @p0 $0x4000  }
0x6d: {  	[tilespmem:s12], [sflag:$0x1] =	stream.linear.gather @p0 [hbm4b:s29+s13], $0x2800, $0x38;
	[tilespmem:$0x1F800] =	vst v63  }
0x6e: {  	s12 =	simm.s32 @p0 $0x2  }
0x6f: {  	_ =	swait.ge @p0 [sflag:s12], $0x2800  }
0x70: {  	[sflag:s12] =	ssyncset.done @p0 $0x0  }
0x71: {  	s13 =	simm.s32 @p0 $0x6800;
	[sflag:s12] =	ssyncadd.s32 @p0 $0xFFFFD800;
	s12 =	simm.s32 @p0 $0x50  }
0x72: {  	[spmem:s1] =	stream.indirect.scatter.add.f32 @p0 [tilespmem:s13], [sflag:$0x3], $0x80, s2, s12, $0xb8;
	[tilespmem:$0x1F800] =	vst v63  }
0x73: {  	s12 =	simm.s32 @!p0 $0x0;
	s13 =	simm.s32 @!p0 $0x6800  }
0x74: {  	[tilespmem:s13], [sflag:$0x2] =	stream.linear.gather @!p0 [hbm4b:s29+s12], $0x2800, $0x38;
	[tilespmem:$0x1F800] =	vst v63  }
0x75: {  	s12 =	simm.s32 @!p0 $0x1  }
0x76: {  	_ =	swait.ge @!p0 [sflag:s12], $0x2800  }
0x77: {  	[sflag:s12] =	ssyncset.done @!p0 $0x0  }
0x78: {  	s13 =	simm.s32 @!p0 $0x4000;
	[sflag:s12] =	ssyncadd.s32 @!p0 $0xFFFFD800;
	s12 =	simm.s32 @!p0 $0x50  }
0x79: {  	[spmem:s1] =	stream.indirect.scatter.add.f32 @!p0 [tilespmem:s13], [sflag:$0x4], $0x80, s2, s12, $0xb8;
	[tilespmem:$0x1F800] =	vst v63  }
0x7a: {  	s2 =	simm.s32 @!p0 $0x4  }
0x7b: {  	s2 =	simm.s32 @p0 $0x3  }
0x7c: {  	_ =	swait.ge [sflag:s2], $0x2800  }
0x7d: {  	[sflag:s2] =	ssyncset.done $0x0  }
0x7e: {  	[sflag:s2] =	ssyncadd.s32 $0xFFFFD800  }
0x7f: {  	_ =	swait.ge [sflag:s28], $0x2800  }
0x80: {  	[sflag:s28] =	ssyncset.done $0x0  }
0x81: {  	s14 =	simm.s32 $0x50;
	s15 =	simm.s32 $0x3E00;
	[sflag:s28] =	ssyncadd.s32 $0xFFFFD800  }
0x82: {  	[spmem:s1] =	stream.indirect.scatter.add.f32 [tilespmem:s26], [sflag:$0x4], $0x80, s15, s14, $0xb8;
	[tilespmem:$0x1F800] =	vst v63  }
0x83: {  	_ =	swait.ge [sflag:s31], $0x2800  }
0x84: {  	[sflag:s31] =	ssyncset.done $0x0  }
0x85: {  	[sflag:s31] =	ssyncadd.s32 $0xFFFFD800  }
0x86: {  	[bflag:$0x0] =	sbarrier.arrive $0xFFFF  }
0x87: {  	[tilespmem:s24], [sflag:$0x3] =	stream.linear.gather [spmem:s4], $0x2800, $0x38;
	[tilespmem:$0x1F800] =	vst v63  }
0x88: {  	_ =	swait.ge [sflag:s25], $0x2800  }
0x89: {  	[sflag:s25] =	ssyncset.done $0x0  }
0x8a: {  	s16 =	rddreg [dreg:$0x6];
	[sflag:s25] =	ssyncadd.s32 $0xFFFFD800  }
0x8b: {  	[hbm4b:s16+s3] =	stream.linear.scatter [tilespmem:s24], [sflag:$0x3], $0x2800, $0x38;
	[tilespmem:$0x1F800] =	vst v63  }
0x8c: {  	_ =	swait.ge [sflag:s25], $0x2800  }
0x8d: {  	[sflag:s25] =	ssyncset.done $0x0  }
0x8e: {  	[sflag:s25] =	ssyncadd.s32 $0xFFFFD800  }
0x8f: {  	[tilespmem:s24], [sflag:$0x3] =	stream.linear.gather [spmem:s5], $0x2800, $0x38;
	[tilespmem:$0x1F800] =	vst v63  }
0x90: {  	_ =	swait.ge [sflag:s25], $0x2800  }
0x91: {  	[sflag:s25] =	ssyncset.done $0x0  }
0x92: {  	s17 =	rddreg [dreg:$0x7];
	[sflag:s25] =	ssyncadd.s32 $0xFFFFD800  }
0x93: {  	[hbm4b:s17+s3] =	stream.linear.scatter [tilespmem:s24], [sflag:$0x3], $0x2800, $0x38;
	[tilespmem:$0x1F800] =	vst v63  }
0x94: {  	_ =	swait.ge [sflag:s25], $0x2800  }
0x95: {  	[sflag:s25] =	ssyncset.done $0x0  }
0x96: {  	[sflag:s25] =	ssyncadd.s32 $0xFFFFD800  }
0x97: {  	[tilespmem:s24], [sflag:$0x3] =	stream.linear.gather [spmem:s6], $0x2800, $0x38;
	[tilespmem:$0x1F800] =	vst v63  }
0x98: {  	_ =	swait.ge [sflag:s25], $0x2800  }
0x99: {  	[sflag:s25] =	ssyncset.done $0x0  }
0x9a: {  	s29 =	rddreg [dreg:$0x8];
	[sflag:s25] =	ssyncadd.s32 $0xFFFFD800  }
0x9b: {  	[hbm4b:s29+s3] =	stream.linear.scatter [tilespmem:s24], [sflag:$0x3], $0x2800, $0x38;
	[tilespmem:$0x1F800] =	vst v63  }
0x9c: {  	_ =	swait.ge [sflag:s25], $0x2800  }
0x9d: {  	[sflag:s25] =	ssyncset.done $0x0  }
0x9e: {  	[sflag:s25] =	ssyncadd.s32 $0xFFFFD800  }
0x9f: {  	[tilespmem:s24], [sflag:$0x3] =	stream.linear.gather [spmem:s7], $0x2800, $0x38;
	[tilespmem:$0x1F800] =	vst v63  }
0xa0: {  	_ =	swait.ge [sflag:s25], $0x2800  }
0xa1: {  	[sflag:s25] =	ssyncset.done $0x0  }
0xa2: {  	[sflag:s25] =	ssyncadd.s32 $0xFFFFD800  }
0xa3: {  	[hbm4b:s18+s3] =	stream.linear.scatter [tilespmem:s24], [sflag:$0x3], $0x2800, $0x38;
	[tilespmem:$0x1F800] =	vst v63  }
0xa4: {  	_ =	swait.ge [sflag:s25], $0x2800  }
0xa5: {  	[sflag:s25] =	ssyncset.done $0x0  }
0xa6: {  	[sflag:s25] =	ssyncadd.s32 $0xFFFFD800  }
0xa7: {  	[tilespmem:s24], [sflag:$0x3] =	stream.linear.gather [spmem:s8], $0x2800, $0x38;
	[tilespmem:$0x1F800] =	vst v63  }
0xa8: {  	_ =	swait.ge [sflag:s25], $0x2800  }
0xa9: {  	[sflag:s25] =	ssyncset.done $0x0  }
0xaa: {  	[sflag:s25] =	ssyncadd.s32 $0xFFFFD800  }
0xab: {  	[hbm4b:s19+s3] =	stream.linear.scatter [tilespmem:s24], [sflag:$0x3], $0x2800, $0x38;
	[tilespmem:$0x1F800] =	vst v63  }
0xac: {  	_ =	swait.ge [sflag:s25], $0x2800  }
0xad: {  	[sflag:s25] =	ssyncset.done $0x0  }
0xae: {  	[sflag:s25] =	ssyncadd.s32 $0xFFFFD800  }
0xaf: {  	[tilespmem:s24], [sflag:$0x3] =	stream.linear.gather [spmem:s9], $0x2800, $0x38;
	[tilespmem:$0x1F800] =	vst v63  }
0xb0: {  	_ =	swait.ge [sflag:s25], $0x2800  }
0xb1: {  	[sflag:s25] =	ssyncset.done $0x0  }
0xb2: {  	[sflag:s25] =	ssyncadd.s32 $0xFFFFD800  }
0xb3: {  	[hbm4b:s20+s3] =	stream.linear.scatter [tilespmem:s24], [sflag:$0x3], $0x2800, $0x38;
	[tilespmem:$0x1F800] =	vst v63  }
0xb4: {  	_ =	swait.ge [sflag:s25], $0x2800  }
0xb5: {  	[sflag:s25] =	ssyncset.done $0x0  }
0xb6: {  	[sflag:s25] =	ssyncadd.s32 $0xFFFFD800  }
0xb7: {  	[tilespmem:s24], [sflag:$0x3] =	stream.linear.gather [spmem:s10], $0x2800, $0x38;
	[tilespmem:$0x1F800] =	vst v63  }
0xb8: {  	_ =	swait.ge [sflag:s25], $0x2800  }
0xb9: {  	[sflag:s25] =	ssyncset.done $0x0  }
0xba: {  	[sflag:s25] =	ssyncadd.s32 $0xFFFFD800  }
0xbb: {  	[hbm4b:s21+s3] =	stream.linear.scatter [tilespmem:s24], [sflag:$0x3], $0x2800, $0x38;
	[tilespmem:$0x1F800] =	vst v63  }
0xbc: {  	_ =	swait.ge [sflag:s25], $0x2800  }
0xbd: {  	[sflag:s25] =	ssyncset.done $0x0  }
0xbe: {  	[sflag:s25] =	ssyncadd.s32 $0xFFFFD800  }
0xbf: {  	[tilespmem:s24], [sflag:$0x3] =	stream.linear.gather [spmem:s11], $0x2800, $0x38;
	[tilespmem:$0x1F800] =	vst v63  }
0xc0: {  	_ =	swait.ge [sflag:s25], $0x2800  }
0xc1: {  	[sflag:s25] =	ssyncset.done $0x0  }
0xc2: {  	[sflag:s25] =	ssyncadd.s32 $0xFFFFD800  }
0xc3: {  	[hbm4b:s22+s3] =	stream.linear.scatter [tilespmem:s24], [sflag:$0x3], $0x2800, $0x38;
	[tilespmem:$0x1F800] =	vst v63  }
0xc4: {  	_ =	swait.ge [sflag:s25], $0x2800  }
0xc5: {  	s0 =	sadd.s32 $0x1, s0;
	s30 =	rddreg [dreg:$0x5]  }
0xc6: {  	p0 =	sne.s32 s0, s30  }
.Ltmp2:
0xc7: {  	_ = 	snop;
	(pc) =	sbr.rel @p0 .LBB2_1-.Ltmp2, $3  }
0xc8: {  	_ =	sdelay $0x1  }
0xc9: {  	[sflag:s25] =	ssyncset.done $0x0  }
0xca: {  	[sflag:s25] =	ssyncadd.s32 $0xFFFFD800  }
0xcb: {  	_ =	sfence.sel $0x180000  }
0xcc: {  	[bflag:$0x0] =	sbarrier.arrive $0xFFFF  }
0xcd: {  	_ =	strace $0x9000004D  }
0xce: {  	s0 =	stileid.u32;
	[bflag:$0x2] =	sbarrier.arrive $0xFFFF  }
0xcf: {  	p0 =	sne.s32 s0, $0x0;
	s0 =	rddreg [dreg:$0x2]  }
0xd0: {  	s0 =	sadd.s32 @!p0 $0x100000, s0  }
0xd1: {  	[sflag:s0] =	ssyncadd.tile.s32 @!p0 $0x1;
	_ =	shalt  }
.Lfunc_end2:
_tile_overlayer_lowered:
.L_overlay_start_2:
0xd2: {  	(tag) =	ssettag $0x2  }
0xd3: {  	s0 =	rddreg [dreg:$0x0];
	s2 =	stileid.u32  }
0xd4: {  	s1 =	rddreg [dreg:$0x1];
	p0 =	sne.s32 s2, $0x0  }
0xd5: {  	s3 =	rddreg [dreg:$0x2];
	[bflag:$0x3] =	sbarrier.arrive $0xFFFF;
	s2 =	simm.s32 @!p0 $0x1C03  }
0xd6: {  	[timem:s3], [sflag:s2] =	dma.local @!p0 [hbm:s0], s1  }
0xd7: {  	s0 =	simm.s32 @!p0 $0x3  }
0xd8: {  	_ =	swait.ge @!p0 [sflag:s0], s1  }
0xd9: {  	s1 =	ssub.s32 @!p0 $0x0, s1;
	[sflag:s0] =	ssyncset.done @!p0 $0x0  }
0xda: {  	[sflag:s0] =	ssyncadd.s32 @!p0 s1  }
0xdb: {  	[bflag:$0x3] =	sbarrier.arrive $0xFFFF  }
0xdc: {  	_ =	shalt  }

// kernel: kernel.6.cloned.1.call-start
scs
__scs_entry_jumppad:
0x0: {  	(pc) =	sbr.rel $0x88, $3  }
0x1: {  	(tag) =	ssettag $0x0;
	lr =	simm.s32 $0x1  }
0x2: {  	[smem:$0x3F8A] =	sst lr;
	_ =	strace $0xD0000000  }
0x3: {  	_ = 	snop  }
0x4: {  	_ = 	snop  }
0x5: {  	_ = 	snop  }
0x6: {  	_ = 	snop  }
0x7: {  	_ = 	snop  }
__scs_overlays_trampoline_lowered:
0x8: {  	[smem:$0x3F99] =	sst s0  }
0x9: {  	[smem:$0x3F9A] =	sst s1  }
0xa: {  	[smem:$0x3F9B] =	sst s2  }
0xb: {  	[smem:$0x3F9C] =	sst s3  }
0xc: {  	[smem:$0x3F9D] =	sst s4  }
0xd: {  	[smem:$0x3F9E] =	sst s5  }
0xe: {  	[smem:$0x3F9F] =	sst s6  }
0xf: {  	[smem:$0x3FA0] =	sst s7  }
0x10: {  	[smem:$0x3FA1] =	sst s8  }
0x11: {  	[smem:$0x3FA2] =	sst s9;
	s0 =	simm.s32 @!p0 $0x0  }
0x12: {  	s1 =	sld [smem:$0x3F88];
	s0 =	simm.s32 @p0 $0x1  }
0x13: {  	[smem:$0x3FA3] =	sst s0;
	s0 =	simm.s32 @!p1 $0x0  }
0x14: {  	s2 =	sld [smem:$0x3F87];
	s0 =	simm.s32 @p1 $0x1  }
0x15: {  	[smem:$0x3FA4] =	sst s0;
	s0 =	simm.s32 @!p2 $0x0  }
0x16: {  	s3 =	sld [smem:$0x3FDB];
	s0 =	simm.s32 @p2 $0x1  }
0x17: {  	s4 =	simm.s32 $0x1BF5;
	[smem:$0x3FA6] =	sst s0  }
0x18: {  	s0 =	sld [smem:$0x3F89];
	_ =	swait.ge [sflag:s4], $0x0  }
0x19: {  	s7 =	sld [smem:$0x3F8A]  }
0x1a: {  	s8 =	sadd.s32 $0xFFFFE003, lr  }
0x1b: {  	s9 =	sadd.s32 $0xFFFFFEF7, lr;
	s5 =	simm.s32 $0xFFFFFFFF;
	p2 =	slt.u32 s8, $0xFFFFF086  }
0x1c: {  	p1 =	slt.u32 s9, $0xF7A;
	s5 =	simm.s32 @!p2 $0x0  }
0x1d: {  	s5 =	simm.s32 @p1 $0x1;
	p0 =	seq.s32 s7, s2  }
0x1e: {  	s7 =	smul.u32 @!p0 $0xF7A, s2;
	p2 =	seq.s32 @!p0 s5, $0x0  }
0x1f: {  	s9 =	smul.u32 $0xF7A, s1;
	s8 =	simm.s32 @!p0 $0x1BF5;
	p2 =	por !p2, p0  }
0x20: {  	[sflag:s8] =	ssyncset.s32 @!p0 $0xFFFFF086;
	s6 =	sadd.s32 @!p0 s3, s7;
	s7 =	simm.s32 @!p0 $0x108  }
0x21: {  	s3 =	sadd.s32 s3, s9;
	s6 =	sadd.s32 @!p0 $0x88, s6;
	s7 =	simm.s32 @p2 $0x1082  }
0x22: {  	[simem:s7], [sflag:s8] =	dma.local @!p0 [hbm:s6], $0xF7A  }
0x23: {  	s9 =	sor.u32 $0xD0000000, s2;
	s6 =	simm.s32 $0x108;
	_ =	swait.ge @!p0 [sflag:s8], $0x0  }
0x24: {  	s3 =	sadd.s32 $0x88, s3;
	s6 =	simm.s32 @!p1 $0x1082;
	[sflag:s4] =	ssyncset.s32 $0xFFFFF086  }
0x25: {  	[simem:s6], [sflag:s4] =	dma.local [hbm:s3], $0xF7A  }
0x26: {  	[smem:$0x3F8A] =	sst s1;
	(tag) =	ssettag s2;
	_ =	strace s9  }
0x27: {  	s1 =	sld [smem:$0x3F9A]  }
0x28: {  	s2 =	sld [smem:$0x3F9B]  }
0x29: {  	s4 =	sld [smem:$0x3F9D]  }
0x2a: {  	p0 =	seq.s32 s5, $0x0;
	s5 =	sld [smem:$0x3F9E]  }
0x2b: {  	s6 =	sld [smem:$0x3F9F]  }
0x2c: {  	s7 =	sld [smem:$0x3FA0]  }
0x2d: {  	s3 =	simm.s32 $0x108;
	s8 =	sld [smem:$0x3FA1]  }
0x2e: {  	s3 =	simm.s32 @!p0 $0x1082;
	s9 =	sld [smem:$0x3FA2]  }
0x2f: {  	lr =	sadd.s32 s0, s3;
	s0 =	sld [smem:$0x3F99]  }
0x30: {  	s3 =	sld [smem:$0x3F9C]  }
0x31: {  	[smem:$0x3FA5] =	sst s10  }
0x32: {  	s10 =	sld [smem:$0x3FA3];
	_ =	sdelay $0x3  }
0x33: {  	p0 =	seq.s32 s10, $0x1;
	s10 =	sld [smem:$0x3FA5];
	_ =	sdelay $0x3  }
0x34: {  	[smem:$0x3FA5] =	sst s10  }
0x35: {  	s10 =	sld [smem:$0x3FA4];
	_ =	sdelay $0x3  }
0x36: {  	p1 =	seq.s32 s10, $0x1;
	s10 =	sld [smem:$0x3FA5];
	_ =	sdelay $0x3  }
0x37: {  	[smem:$0x3FA5] =	sst s10  }
0x38: {  	s10 =	sld [smem:$0x3FA6]  }
0x39: {  	_ = 	snop;
	(pc) =	sbr.ind lr, $3  }
0x3a: {  	_ = 	snop  }
0x3b: {  	_ = 	snop  }
0x3c: {  	p2 =	seq.s32 s10, $0x1;
	s10 =	sld [smem:$0x3FA5]  }
0x3d: {  	_ =	shalt  }
0x3e: {  	_ =	shalt  }
0x3f: {  	_ =	shalt  }
0x40: {  	_ =	shalt  }
0x41: {  	_ =	shalt  }
0x42: {  	_ =	shalt  }
0x43: {  	_ =	shalt  }
0x44: {  	_ =	shalt  }
0x45: {  	_ =	shalt  }
0x46: {  	_ =	shalt  }
0x47: {  	_ =	shalt  }
0x48: {  	_ =	shalt  }
0x49: {  	_ =	shalt  }
0x4a: {  	_ =	shalt  }
0x4b: {  	_ =	shalt  }
0x4c: {  	_ =	shalt  }
0x4d: {  	_ =	shalt  }
0x4e: {  	_ =	shalt  }
0x4f: {  	_ =	shalt  }
0x50: {  	_ =	shalt  }
0x51: {  	_ =	shalt  }
0x52: {  	_ =	shalt  }
0x53: {  	_ =	shalt  }
0x54: {  	_ =	shalt  }
0x55: {  	_ =	shalt  }
0x56: {  	_ =	shalt  }
0x57: {  	_ =	shalt  }
0x58: {  	_ =	shalt  }
0x59: {  	_ =	shalt  }
0x5a: {  	_ =	shalt  }
0x5b: {  	_ =	shalt  }
0x5c: {  	_ =	shalt  }
0x5d: {  	_ =	shalt  }
0x5e: {  	_ =	shalt  }
0x5f: {  	_ =	shalt  }
0x60: {  	_ =	shalt  }
0x61: {  	_ =	shalt  }
0x62: {  	_ =	shalt  }
0x63: {  	_ =	shalt  }
0x64: {  	_ =	shalt  }
0x65: {  	_ =	shalt  }
0x66: {  	_ =	shalt  }
0x67: {  	_ =	shalt  }
0x68: {  	_ =	shalt  }
0x69: {  	_ =	shalt  }
0x6a: {  	_ =	shalt  }
0x6b: {  	_ =	shalt  }
0x6c: {  	_ =	shalt  }
0x6d: {  	_ =	shalt  }
0x6e: {  	_ =	shalt  }
0x6f: {  	_ =	shalt  }
0x70: {  	_ =	shalt  }
0x71: {  	_ =	shalt  }
0x72: {  	_ =	shalt  }
0x73: {  	_ =	shalt  }
0x74: {  	_ =	shalt  }
0x75: {  	_ =	shalt  }
0x76: {  	_ =	shalt  }
0x77: {  	_ =	shalt  }
0x78: {  	_ =	shalt  }
0x79: {  	_ =	shalt  }
0x7a: {  	_ =	shalt  }
0x7b: {  	_ =	shalt  }
0x7c: {  	_ =	shalt  }
0x7d: {  	_ =	shalt  }
0x7e: {  	_ =	shalt  }
0x7f: {  	_ =	shalt  }
0x80: {  	_ =	shalt  }
0x81: {  	_ =	shalt  }
0x82: {  	_ =	shalt  }
0x83: {  	_ =	shalt  }
0x84: {  	_ =	shalt  }
0x85: {  	_ =	shalt  }
0x86: {  	_ =	shalt  }
0x87: {  	_ =	shalt  }
.Lfunc_end0:
.L_simem_size_0:
called_computation.2_lowered:
.L_overlay_start_0:
0x88: {  	s2 =	sld [smem:$0x3FD9]  }
0x89: {  	s3 =	sld [smem:$0x3FFE];
	_ =	sdelay $0x1  }
0x8a: {  	s1 =	srdreg.scid  }
0x8b: {  	s0 =	sand.u32 $0x1, s1  }
0x8c: {  	s16 =	sshll.u32 s0, $0xA;
	s2 =	sadd.s32 s3, s2  }
0x8d: {  	s2 =	sadd.s32 s2, s16  }
0x8e: {  	[smem:$0x3FB1] =	sst s2  }
0x8f: {  	_ = 	snop  }
0x90: {  	(tm) =	ssettm $0x1  }
0x91: {  	s17 =	sld [smem:$0x3FFB];
	_ =	sdelay $0x3  }
0x92: {  	_ =	strace s17  }
0x93: {  	s2 =	sld [smem:$0x3FFC];
	_ =	sdelay $0x3  }
0x94: {  	_ =	strace s2  }
0x95: {  	s2 =	sld [smem:$0x3FFD];
	_ =	sdelay $0x3  }
0x96: {  	_ =	strace s2  }
0x97: {  	_ =	strace $0x8FFFFFFF  }
0x98: {  	s18 =	sld [smem:$0x3FDB];
	_ =	sdelay $0x1  }
0x99: {  	s19 =	simm.s32 $_scs_section_size  }
0x9a: {  	s4 =	simm.s32 $_size__tile_overlayer_lowered;
	s5 =	simm.s32 $_tile_overlayer_lowered  }
0x9b: {  	s22 =	simm.s32 $0x1BFF;
	s21 =	sshll.u32 s5, $0x1;
	s2 =	sadd.s32 s19, s18  }
0x9c: {  	s6 =	simm.s32 $0x0;
	s20 =	sshll.u32 s4, $0x1;
	s4 =	sadd.s32 s21, s2  }
0x9d: {  	[timem:s6], [sflag:s22] =	dma.local [hbm:s4], s20  }
0x9e: {  	_ =	swait.ge [sflag:s22], s20  }
0x9f: {  	s3 =	ssub.s32 $0x0, s20;
	[sflag:s22] =	ssyncset.done $0x0  }
0xa0: {  	[sflag:s22] =	ssyncadd.s32 s3;
	_ =	sdelay $0x1  }
0xa1: {  	s23 =	simm.s32 $0x1B8B  }
0xa2: {  	_ =	swait.ge [sflag:s23], $0x1  }
0xa3: {  	[sflag:s23] =	ssyncset.done $0x0  }
0xa4: {  	s25 =	simm.s32 $0x1B8E;
	s24 =	sld [smem:$0x3FFE];
	[sflag:s23] =	ssyncadd.s32 $0xFFFFFFFF  }
0xa5: {  	s26 =	simm.s32 $execute0_lowered;
	[smem:$0x3FD2] =	sst s25  }
0xa6: {  	s4 =	sshll.u32 s26, $0x1;
	_ =	strace $0x80000046;
	[dreg:$0x1] =	wrdreg $0xFFFFFFFF  }
0xa7: {  	s28 =	simm.s32 $_size_execute0_lowered;
	s2 =	sadd.s32 s2, s4;
	[dreg:$0x0] =	wrdreg $0x0  }
0xa8: {  	s4 =	sshll.u32 s28, $0x1;
	[dreg:$0x2] =	wrdreg s2  }
0xa9: {  	[dreg:$0x3] =	wrdreg s4  }
0xaa: {  	[dreg:$0x4] =	wrdreg $0xC0  }
0xab: {  	_ =	task [dreg:s6], $0x5FFFF  }
0xac: {  	[dreg:$0x1] =	wrdreg $0xFFFFFFFF  }
0xad: {  	[dreg:$0x0] =	wrdreg $0x60  }
0xae: {  	[dreg:$0x2] =	wrdreg s24  }
0xaf: {  	[dreg:$0x3] =	wrdreg $0x9  }
0xb0: {  	_ =	task.clear_ibuf [dreg:s6], $0x4FFFF;
	_ =	strace $0x90000046  }
0xb1: {  	s29 =	simm.s32 $0x9;
	_ =	strace $0x80000048  }
0xb2: {  	_ =	swait.ge [sflag:s29], $0x1  }
0xb3: {  	[sflag:s29] =	ssyncadd.s32 $0xFFFFFFFF  }
0xb4: {  	_ =	strace $0x90000048  }
0xb5: {  	_ =	sfence  }
0xb6: {  	s30 =	sld [smem:$0x0];
	_ =	sdelay $0x2  }
0xb7: {  	s31 =	sshll.u32 s1, $0xD;
	s1 =	sshrl.u32 s1, $0x2  }
0xb8: {  	s3 =	sand.u32 $0x4000, s31;
	s1 =	sadd.s32 s1, s30  }
0xb9: {  	s0 =	sor.u32 s3, s0;
	s1 =	sshll.u32 s1, $0x11  }
0xba: {  	s0 =	sor.u32 s1, s0  }
0xbb: {  	s0 =	sadd.s32 $0x8F2B, s0  }
0xbc: {  	[sflag:s0] =	ssyncadd.remote.s32 $0x1  }
0xbd: {  	_ =	sfence.sel $0xFFFF  }
0xbe: {  	[dreg:$0x0] =	wrdreg $0xFFFFFFFF;
	(pc) =	sbr.abs _section_cstart, $3  }
0xbf: {  	[dreg:$0x1] =	wrdreg $0xFFFFFFFF  }
0xc0: {  	_ =	task.clear_ibuf [dreg:s6], $0x2FFFF;
	_ =	strace $0x9FFFFFFF  }
0xc1: {  	(tm) =	ssettm $0x7FFFFFFF  }
tec
execute0_lowered:
.L_overlay_start_1:
0x0: {  	(tag) =	ssettag $0x1  }
0x1: {  	s5 =	rddreg [dreg:$0x0]  }
0x2: {  	s0 =	rddreg [dreg:$0x1];
	s1 =	simm.s32 $0x0  }
0x3: {  	s6 =	srdreg.scid;
	s2 =	stileid.u32;
	s12 =	simm.s32 $0x2  }
0x4: {  	s13 =	simm.s32 $0x3;
	s14 =	simm.s32 $0x4;
	s15 =	simm.s32 $0x0  }
0x5: {  	[smem:$0x7FF] =	sst s1;
	s3 =	sadd.s32 $0x2D800, s5;
	s4 =	sadd.s32 $0x6600, s5  }
0x6: {  	s6 =	sand.u32 $0x1, s6;
	s7 =	sshll.u32 s2, $0xC;
	s9 =	smul.u32 $0x4E200, s2  }
0x7: {  	_ =	strace $0x80000047;
	s8 =	sshll.u32 s6, $0xB;
	s11 =	smul.u32 $0x27100, s6  }
.Ltmp0:
0x8: {  	s10 =	ssub.s32 $0x2, s6;
	s7 =	sor.u32 s8, s7;
	(pc) =	sbr.rel .LBB2_1-.Ltmp0, $4  }
0x9: {  	s29 =	sshrl.u32 s10, $0x1;
	s31 =	sadd.s32 s9, s5;
	s30 =	sadd.s32 s7, s5  }
0xa: {  	s8 =	ssub.s32 s10, s29;
	s9 =	sadd.s32 s11, s31;
	s10 =	simm.s32 $0x4000  }
0xb: {  	s11 =	simm.s32 $0x1;
	s5 =	sadd.s32 $0x54A00, s30;
	s6 =	sadd.s32 $0x64A00, s30  }
0xc: {  	s7 =	smax.u32 s8, $0x1;
	s8 =	sadd.s32 $0x74000, s9;
	s9 =	simm.s32 $0x9  }
.LBB2_7:
0xd: {  	_ =	swait.ge [sflag:s11], $0x2800  }
0xe: {  	[sflag:s11] =	ssyncset.done $0x0  }
0xf: {  	[sflag:s11] =	ssyncadd.s32 $0xFFFFD800  }
0x10: {  	_ =	swait.ge [sflag:s12], $0x2800  }
0x11: {  	[sflag:s12] =	ssyncset.done $0x0  }
0x12: {  	s15 =	sadd.s32 $0x1, s15;
	[sflag:s12] =	ssyncadd.s32 $0xFFFFD800  }
0x13: {  	p0 =	sne.s32 s15, s7;
	_ =	swait.ge [sflag:s13], $0x2800  }
.Ltmp1:
0x14: {  	[sflag:s13] =	ssyncset.done $0x0;
	(pc) =	sbr.rel @!p0 .LBB2_8-.Ltmp1, $4  }
0x15: {  	[sflag:s13] =	ssyncadd.s32 $0xFFFFD800  }
0x16: {  	_ =	swait.ge [sflag:s14], $0x2800  }
0x17: {  	[sflag:s14] =	ssyncset.done $0x0  }
0x18: {  	[sflag:s14] =	ssyncadd.s32 $0xFFFFD800  }
.LBB2_1:
0x19: {  	[tilespmem:s1], [sflag:$0x9] =	stream.linear.gather [hbm4b:s5+s1], $0x3E80, $0x38;
	[tilespmem:$0x12000] =	vst v63  }
0x1a: {  	_ =	swait.ge [sflag:s9], $0x3E80  }
0x1b: {  	[sflag:s9] =	ssyncset.done $0x0  }
.Ltmp2:
0x1c: {  	[sflag:s9] =	ssyncadd.s32 $0xFFFFC180;
	(pc) =	sbr.rel .LBB2_2-.Ltmp2, $4  }
0x1d: {  	[tilespmem:s10], [sflag:$0x9] =	stream.linear.gather [hbm4b:s6+s1], $0x3E80, $0x38;
	[tilespmem:$0x12000] =	vst v63  }
0x1e: {  	_ =	swait.ge [sflag:s9], $0x3E80  }
0x1f: {  	s16 =	simm.s32 $0x3F80;
	s17 =	smov.u32 s8;
	[sflag:s9] =	ssyncset.done $0x0  }
0x20: {  	s18 =	simm.s32 $0x0;
	s19 =	simm.s32 $0x0;
	[sflag:s9] =	ssyncadd.s32 $0xFFFFC180  }
.LBB2_6:
0x21: {  	s19 =	sadd.s32 $0x1, s19  }
0x22: {  	p0 =	sne.s32 s19, $0x7F  }
.Ltmp3:
0x23: {  	_ = 	snop;
	(pc) =	sbr.rel @!p0 .LBB2_7-.Ltmp3, $2  }
0x24: {  	_ =	sdelay $0x2  }
0x25: {  	s18 =	sadd.s32 $0x80, s18;
	s17 =	sadd.s32 $0x500, s17;
	s16 =	sadd.s32 $0x80, s16  }
.LBB2_2:
0x26: {  	p0 =	slt.u32 s19, $0x2  }
0x27: {  	s20 =	sadd.s32 @!p0 $0xFFFFFFFE, s19  }
0x28: {  	s20 =	sand.u32 @!p0 $0x3, s20  }
0x29: {  	p1 =	sgt.s32 @!p0 s20, $0x1  }
0x2a: {  	p2 =	por !p1, p0  }
0x2b: {  	p2 =	seq.s32 @!p2 s20, $0x2  }
0x2c: {  	p3 =	por @!p0 !p2, !p1  }
0x2d: {  	p3 =	por p3, p0  }
0x2e: {  	s21 =	simm.s32 @!p3 $0x7  }
0x2f: {  	p2 =	por @!p0 p2, !p1;
	_ =	swait.ge @!p3 [sflag:s21], $0x2800  }
0x30: {  	p2 =	por p2, p0;
	[sflag:s21] =	ssyncset.done @!p3 $0x0  }
0x31: {  	s22 =	simm.s32 @!p3 $0xD000;
	[sflag:s21] =	ssyncadd.s32 @!p3 $0xFFFFD800;
	s21 =	simm.s32 @!p3 $0x0  }
0x32: {  	[hbm4b:s17+s21] =	stream.linear.scatter @!p3 [tilespmem:s22], [sflag:$0x3], $0x2800, $0x38;
	[tilespmem:$0x12000] =	vst v63  }
0x33: {  	s21 =	simm.s32 @!p2 $0x8  }
0x34: {  	_ =	swait.ge @!p2 [sflag:s21], $0x2800  }
0x35: {  	[sflag:s21] =	ssyncset.done @!p2 $0x0  }
0x36: {  	s22 =	simm.s32 @!p2 $0xF800;
	[sflag:s21] =	ssyncadd.s32 @!p2 $0xFFFFD800;
	s21 =	simm.s32 @!p2 $0x0  }
0x37: {  	[hbm4b:s17+s21] =	stream.linear.scatter @!p2 [tilespmem:s22], [sflag:$0x4], $0x2800, $0x38;
	[tilespmem:$0x12000] =	vst v63  }
0x38: {  	p2 =	por p1, p0  }
0x39: {  	p2 =	seq.s32 @!p2 s20, $0x0  }
0x3a: {  	p3 =	por @!p0 !p2, p1  }
0x3b: {  	p3 =	por p3, p0  }
0x3c: {  	s20 =	simm.s32 @!p3 $0x5  }
0x3d: {  	p1 =	por @!p0 p2, p1;
	_ =	swait.ge @!p3 [sflag:s20], $0x2800  }
0x3e: {  	p0 =	por p1, p0;
	[sflag:s20] =	ssyncset.done @!p3 $0x0  }
0x3f: {  	s21 =	simm.s32 @!p3 $0x8000;
	[sflag:s20] =	ssyncadd.s32 @!p3 $0xFFFFD800;
	s20 =	simm.s32 @!p3 $0x0  }
0x40: {  	[hbm4b:s17+s20] =	stream.linear.scatter @!p3 [tilespmem:s21], [sflag:$0x1], $0x2800, $0x38;
	[tilespmem:$0x12000] =	vst v63  }
0x41: {  	s20 =	simm.s32 @!p0 $0x6  }
0x42: {  	_ =	swait.ge @!p0 [sflag:s20], $0x2800  }
0x43: {  	[sflag:s20] =	ssyncset.done @!p0 $0x0  }
0x44: {  	s21 =	simm.s32 @!p0 $0xA800;
	[sflag:s20] =	ssyncadd.s32 @!p0 $0xFFFFD800;
	s20 =	simm.s32 @!p0 $0x0  }
0x45: {  	[hbm4b:s17+s20] =	stream.linear.scatter @!p0 [tilespmem:s21], [sflag:$0x2], $0x2800, $0x38;
	[tilespmem:$0x12000] =	vst v63  }
0x46: {  	p0 =	seq.s32 s19, $0x0  }
.Ltmp4:
0x47: {  	_ = 	snop;
	(pc) =	sbr.rel @p0 .LBB2_4-.Ltmp4, $1  }
0x48: {  	_ =	sdelay $0x3  }
0x49: {  	p0 =	seq.s32 s19, $0x7E  }
0x4a: {  	s20 =	sadd.s32 @!p0 $0xFFFFFFFF, s19  }
0x4b: {  	s20 =	sand.u32 @!p0 $0x3, s20  }
0x4c: {  	p1 =	sgt.s32 @!p0 s20, $0x1  }
0x4d: {  	p2 =	por !p1, p0  }
0x4e: {  	p2 =	seq.s32 @!p2 s20, $0x2  }
0x4f: {  	p3 =	por @!p0 !p2, !p1  }
0x50: {  	p3 =	por p3, p0  }
0x51: {  	s21 =	simm.s32 @!p3 $0x3  }
0x52: {  	p2 =	por @!p0 p2, !p1;
	_ =	swait.ge @!p3 [sflag:s21], $0x2800  }
0x53: {  	p2 =	por p2, p0;
	[sflag:s21] =	ssyncset.done @!p3 $0x0  }
0x54: {  	s22 =	simm.s32 @!p3 $0xD000;
	[sflag:s21] =	ssyncadd.s32 @!p3 $0xFFFFD800;
	s21 =	simm.s32 @!p3 $0x50  }
0x55: {  	[tilespmem:s22], [sflag:$0x7] =	stream.indirect.gather.add.f32 @!p3 [hbm:s4], $0x80, s16, s21, $0xb8;
	[tilespmem:$0x12000] =	vst v63  }
0x56: {  	s21 =	simm.s32 @!p2 $0x4  }
0x57: {  	_ =	swait.ge @!p2 [sflag:s21], $0x2800  }
0x58: {  	[sflag:s21] =	ssyncset.done @!p2 $0x0  }
0x59: {  	s22 =	simm.s32 @!p2 $0xF800;
	[sflag:s21] =	ssyncadd.s32 @!p2 $0xFFFFD800;
	s21 =	simm.s32 @!p2 $0x50  }
0x5a: {  	[tilespmem:s22], [sflag:$0x8] =	stream.indirect.gather.add.f32 @!p2 [hbm:s4], $0x80, s16, s21, $0xb8;
	[tilespmem:$0x12000] =	vst v63  }
0x5b: {  	p2 =	por p1, p0  }
0x5c: {  	p2 =	seq.s32 @!p2 s20, $0x0  }
0x5d: {  	p3 =	por @!p0 !p2, p1  }
0x5e: {  	p3 =	por p3, p0  }
0x5f: {  	s20 =	simm.s32 @!p3 $0x1  }
0x60: {  	p1 =	por @!p0 p2, p1;
	_ =	swait.ge @!p3 [sflag:s20], $0x2800  }
0x61: {  	p0 =	por p1, p0;
	[sflag:s20] =	ssyncset.done @!p3 $0x0  }
0x62: {  	s21 =	simm.s32 @!p3 $0x8000;
	[sflag:s20] =	ssyncadd.s32 @!p3 $0xFFFFD800;
	s20 =	simm.s32 @!p3 $0x50  }
0x63: {  	[tilespmem:s21], [sflag:$0x5] =	stream.indirect.gather.add.f32 @!p3 [hbm:s4], $0x80, s16, s20, $0xb8;
	[tilespmem:$0x12000] =	vst v63  }
0x64: {  	s20 =	simm.s32 @!p0 $0x2  }
0x65: {  	_ =	swait.ge @!p0 [sflag:s20], $0x2800  }
0x66: {  	[sflag:s20] =	ssyncset.done @!p0 $0x0  }
0x67: {  	s21 =	simm.s32 @!p0 $0xA800;
	[sflag:s20] =	ssyncadd.s32 @!p0 $0xFFFFD800;
	s20 =	simm.s32 @!p0 $0x50  }
0x68: {  	[tilespmem:s21], [sflag:$0x6] =	stream.indirect.gather.add.f32 @!p0 [hbm:s4], $0x80, s16, s20, $0xb8;
	[tilespmem:$0x12000] =	vst v63  }
.LBB2_4:
0x69: {  	p0 =	sgt.u32 s19, $0x7C  }
.Ltmp5:
0x6a: {  	_ = 	snop;
	(pc) =	sbr.rel @p0 .LBB2_6-.Ltmp5, $1  }
0x6b: {  	_ =	sdelay $0x3  }
0x6c: {  	s20 =	sand.u32 $0x3, s19  }
0x6d: {  	p0 =	sgt.s32 s20, $0x1  }
0x6e: {  	p1 =	seq.s32 @p0 s20, $0x2  }
0x6f: {  	p2 =	por !p1, !p0  }
0x70: {  	p3 =	slt.u32 @!p2 s19, $0x4  }
0x71: {  	p3 =	por @p0 p3, !p1  }
0x72: {  	p3 =	por p3, !p0  }
0x73: {  	s21 =	simm.s32 @!p3 $0x3  }
0x74: {  	_ =	swait.ge @!p3 [sflag:s21], $0x2800  }
0x75: {  	[sflag:s21] =	ssyncset.done @!p3 $0x0  }
0x76: {  	s22 =	simm.s32 @!p2 $0xD000;
	[sflag:s21] =	ssyncadd.s32 @!p3 $0xFFFFD800;
	s21 =	simm.s32 @!p2 $0x50  }
0x77: {  	[tilespmem:s22], [sflag:$0x3] =	stream.indirect.gather @!p2 [hbm4b:s3+s21], $0x80, s18, s21, $0xb8;
	[tilespmem:$0x12000] =	vst v63  }
0x78: {  	p2 =	por p1, !p0  }
0x79: {  	p3 =	slt.u32 @!p2 s19, $0x4  }
0x7a: {  	p1 =	por @p0 p3, p1  }
0x7b: {  	p1 =	por p1, !p0  }
0x7c: {  	s21 =	simm.s32 @!p1 $0x4  }
0x7d: {  	_ =	swait.ge @!p1 [sflag:s21], $0x2800  }
0x7e: {  	s22 =	simm.s32 @!p2 $0xF800;
	[sflag:s21] =	ssyncset.done @!p1 $0x0  }
0x7f: {  	[sflag:s21] =	ssyncadd.s32 @!p1 $0xFFFFD800;
	s21 =	simm.s32 @!p2 $0x50;
	p1 =	seq.s32 @!p0 s20, $0x0  }
0x80: {  	[tilespmem:s22], [sflag:$0x4] =	stream.indirect.gather @!p2 [hbm4b:s3+s21], $0x80, s18, s21, $0xb8;
	[tilespmem:$0x12000] =	vst v63  }
0x81: {  	p2 =	por !p1, p0  }
0x82: {  	p3 =	slt.u32 @!p2 s19, $0x4  }
0x83: {  	p3 =	por @!p0 p3, !p1  }
0x84: {  	p3 =	por p3, p0  }
0x85: {  	s20 =	simm.s32 @!p3 $0x1  }
0x86: {  	_ =	swait.ge @!p3 [sflag:s20], $0x2800  }
0x87: {  	[sflag:s20] =	ssyncset.done @!p3 $0x0  }
0x88: {  	s21 =	simm.s32 @!p2 $0x8000;
	[sflag:s20] =	ssyncadd.s32 @!p3 $0xFFFFD800;
	s20 =	simm.s32 @!p2 $0x50  }
0x89: {  	[tilespmem:s21], [sflag:$0x1] =	stream.indirect.gather @!p2 [hbm4b:s3+s20], $0x80, s18, s20, $0xb8;
	[tilespmem:$0x12000] =	vst v63  }
0x8a: {  	p2 =	por p1, p0  }
0x8b: {  	p3 =	slt.u32 @!p2 s19, $0x4  }
0x8c: {  	p1 =	por @!p0 p3, p1  }
0x8d: {  	p0 =	por p1, p0  }
.Ltmp6:
0x8e: {  	s20 =	simm.s32 @!p0 $0x2;
	(pc) =	sbr.rel .LBB2_6-.Ltmp6, $4  }
0x8f: {  	_ =	swait.ge @!p0 [sflag:s20], $0x2800  }
0x90: {  	[sflag:s20] =	ssyncset.done @!p0 $0x0  }
0x91: {  	s21 =	simm.s32 @!p2 $0xA800;
	[sflag:s20] =	ssyncadd.s32 @!p0 $0xFFFFD800;
	s20 =	simm.s32 @!p2 $0x50  }
0x92: {  	[tilespmem:s21], [sflag:$0x2] =	stream.indirect.gather @!p2 [hbm4b:s3+s20], $0x80, s18, s20, $0xb8;
	[tilespmem:$0x12000] =	vst v63  }
.LBB2_8:
0x93: {  	_ =	sfence.sel $0x180000  }
0x94: {  	[bflag:$0x0] =	sbarrier.arrive $0xFFFF  }
0x95: {  	p0 =	sne.s32 s2, $0x0;
	_ =	strace $0x90000047  }
0x96: {  	s0 =	sadd.s32 @!p0 $0x100000, s0;
	[bflag:$0x2] =	sbarrier.arrive $0xFFFF  }
0x97: {  	[sflag:s0] =	ssyncadd.tile.s32 @!p0 $0x1;
	_ =	shalt  }
.Lfunc_end2:
_tile_overlayer_lowered:
.L_overlay_start_2:
0x98: {  	(tag) =	ssettag $0x2  }
0x99: {  	s0 =	rddreg [dreg:$0x0];
	s2 =	stileid.u32  }
0x9a: {  	s1 =	rddreg [dreg:$0x1];
	p0 =	sne.s32 s2, $0x0  }
0x9b: {  	s3 =	rddreg [dreg:$0x2];
	[bflag:$0x3] =	sbarrier.arrive $0xFFFF;
	s2 =	simm.s32 @!p0 $0x1C09  }
0x9c: {  	[timem:s3], [sflag:s2] =	dma.local @!p0 [hbm:s0], s1  }
0x9d: {  	s0 =	simm.s32 @!p0 $0x9  }
0x9e: {  	_ =	swait.ge @!p0 [sflag:s0], s1  }
0x9f: {  	s1 =	ssub.s32 @!p0 $0x0, s1;
	[sflag:s0] =	ssyncset.done @!p0 $0x0  }
0xa0: {  	[sflag:s0] =	ssyncadd.s32 @!p0 s1  }
0xa1: {  	[bflag:$0x3] =	sbarrier.arrive $0xFFFF  }
0xa2: {  	_ =	shalt  }

</sc_bundles>
